<compile_context>
chip_gen: v7x
topology: tpu7x:2x2x1
jax: 0.10.2.dev20260603
libtpu: 0.0.44.dev20260713+nightly
codegen_flags: <defaults>
</compile_context>

<pallas_src>
import functools

import jax
import jax.numpy as jnp
from jax import lax
from jax.experimental import pallas as pl
from jax.experimental.pallas import tpu as pltpu
from jax.experimental.pallas import tpu_sc as plsc

N = 10000
D = 128
E = 320000
C = 128
NC, NS = 2, 16
NW = NC * NS
PKR = 3
EROWS = 2560
TROWS = EROWS // NW
EPAD = EROWS * C - E
NPAD = 10240
RPT = NPAD // NS
ZR = 128
NR = 2

_MESH = plsc.VectorSubcoreMesh(
    core_axis_name="c", subcore_axis_name="s", num_cores=NC, num_subcores=NS
)


@functools.partial(
    pl.kernel,
    out_type=jax.ShapeDtypeStruct((NC, NPAD, D), jnp.float32),
    mesh=_MESH,
    scratch_types=[
        pltpu.VMEM((PKR, C), jnp.int32),
        pltpu.VMEM((2, C), jnp.int32),
        pltpu.VMEM((2, C), jnp.int32),
        pltpu.VMEM((2, C, D), jnp.float32),
        pltpu.VMEM_SHARED((NPAD, D), jnp.float32),
        pltpu.SemaphoreType.DMA,
        pltpu.SemaphoreType.DMA,
    ],
)
def _sc_scatter(table, pk1d, zblk, out, pkr, sidx, didx, rows, acc, gsem, isem):
    c = lax.axis_index("c")
    s = lax.axis_index("s")
    w = s * NC + c
    row0 = w * TROWS
    base = s * RPT

    for k in range(RPT // ZR):
        pltpu.sync_copy(zblk, acc.at[pl.ds(base + k * ZR, ZR)])
    plsc.subcore_barrier()

    def fetch_pk(j):
        pltpu.async_copy(
            pk1d.at[pl.ds((row0 + j) * C, C)], pkr.at[lax.rem(j, PKR)], isem
        )

    def wait_pk():
        pltpu.make_async_copy(pk1d.at[pl.ds(0, C)], pkr.at[0], isem).wait()

    toff = lax.rem(w, NR) * N

    def unpack(j, islot):
        pslot = lax.rem(j, PKR)
        for g in range(C // 16):
            v = pkr[pslot, pl.ds(g * 16, 16)]
            sidx[islot, pl.ds(g * 16, 16)] = (v & 0xFFFF) + toff
            didx[islot, pl.ds(g * 16, 16)] = v >> 16

    def fire_gather(islot):
        pltpu.async_copy(table.at[sidx.at[islot]], rows.at[islot], gsem)

    def wait_gather(islot):
        pltpu.make_async_copy(table.at[sidx.at[islot]], rows.at[islot], gsem).wait()

    fetch_pk(0)
    fetch_pk(1)
    wait_pk()
    unpack(0, 0)
    fire_gather(0)

    def body(i, _):
        @pl.when(i + 2 < TROWS)
        def _():
            fetch_pk(i + 2)

        @pl.when(i + 1 < TROWS)
        def _():
            islot = lax.rem(i + 1, 2)
            wait_pk()
            unpack(i + 1, islot)
            fire_gather(islot)

        slot = lax.rem(i, 2)
        wait_gather(slot)
        pltpu.sync_copy(rows.at[slot], acc.at[didx.at[slot]], add=True)
        return 0

    lax.fori_loop(0, TROWS, body, 0)
    plsc.subcore_barrier()

    for k in range(RPT // ZR):
        pltpu.sync_copy(acc.at[pl.ds(base + k * ZR, ZR)], out.at[c, pl.ds(base + k * ZR, ZR)])


_BM = 1000


def _mm_body(x_ref, w_ref, o_ref):
    o_ref[...] = jnp.dot(x_ref[...], w_ref[...], preferred_element_type=jnp.float32)


def _mm(x, w):
    return pl.pallas_call(
        _mm_body,
        grid=(N // _BM, NR),
        in_specs=[
            pl.BlockSpec((_BM, D), lambda i, r: (i, 0)),
            pl.BlockSpec((D, D), lambda i, r: (0, 0)),
        ],
        out_specs=pl.BlockSpec((_BM, D), lambda i, r: (r * (N // _BM) + i, 0)),
        out_shape=jax.ShapeDtypeStruct((NR * N, D), jnp.float32),
    )(x, w)


def _fused_body(p_ref, b_ref, w_ref, o_ref):
    a = jnp.maximum(p_ref[0] + p_ref[1] + b_ref[...], 0.0)
    o_ref[...] = jnp.dot(a, w_ref[...], preferred_element_type=jnp.float32)


def _mm_fused(p, b, w):
    return pl.pallas_call(
        _fused_body,
        grid=(N // _BM, NR),
        in_specs=[
            pl.BlockSpec((NC, _BM, D), lambda i, r: (0, i, 0)),
            pl.BlockSpec((1, D), lambda i, r: (0, 0)),
            pl.BlockSpec((D, D), lambda i, r: (0, 0)),
        ],
        out_specs=pl.BlockSpec((_BM, D), lambda i, r: (r * (N // _BM) + i, 0)),
        out_shape=jax.ShapeDtypeStruct((NR * N, D), jnp.float32),
    )(p, b, w)


def _final_body(p_ref, b_ref, o_ref):
    o_ref[...] = p_ref[0] + p_ref[1] + b_ref[...]


def _final(p, b):
    return pl.pallas_call(
        _final_body,
        grid=(N // _BM,),
        in_specs=[
            pl.BlockSpec((NC, _BM, D), lambda i: (0, i, 0)),
            pl.BlockSpec((1, D), lambda i: (0, 0)),
        ],
        out_specs=pl.BlockSpec((_BM, D), lambda i: (i, 0)),
        out_shape=jax.ShapeDtypeStruct((N, D), jnp.float32),
    )(p, b)


def kernel(x, edge_index, W1, b1, W2, b2, W3, b3):
    src_pad = jnp.concatenate(
        [edge_index[0], (jnp.arange(EPAD, dtype=jnp.int32) * 997) % N]
    )
    dst_pad = jnp.concatenate(
        [edge_index[1], N + (jnp.arange(EPAD, dtype=jnp.int32) % (NPAD - N))]
    )
    pk1d = src_pad | (dst_pad << 16)
    zblk = jnp.zeros((ZR, D), jnp.float32)
    b1r, b2r, b3r = b1.reshape(1, D), b2.reshape(1, D), b3.reshape(1, D)

    t1 = _mm(x, W1)
    p1 = _sc_scatter(t1, pk1d, zblk)
    t2 = _mm_fused(p1, b1r, W2)
    p2 = _sc_scatter(t2, pk1d, zblk)
    t3 = _mm_fused(p2, b2r, W3)
    p3 = _sc_scatter(t3, pk1d, zblk)
    return _final(p3, b3r)

# --- scband reference (transcript-rebuilt; emitter-appended) ---
"""Pipeline reference for scband-gcn-704374637025 (READ-ONLY COPY).

The authoritative reference and input builder live on the scoring server;
editing this copy changes nothing except your own understanding.
"""

import jax, jax.numpy as jnp
import numpy as np

N = 10000
E = 320000
D_IN = 128
D_HID = 128
D_OUT = 128

def setup_inputs(seed: int = 0) -> dict:
    key = jax.random.key(seed)
    ks = jax.random.split(key, 9)
    x = jax.random.normal(ks[0], (N, D_IN), dtype=jnp.float32)
    edge_index = jax.random.randint(ks[1], (2, E), 0, N, dtype=jnp.int32)
    s_in = 1.0 / np.sqrt(D_IN)
    s_hid = 1.0 / np.sqrt(D_HID)
    W1 = jax.random.uniform(ks[2], (D_IN, D_HID), dtype=jnp.float32, minval=-s_in, maxval=s_in)
    b1 = jnp.zeros((D_HID,), dtype=jnp.float32)
    W2 = jax.random.uniform(ks[3], (D_HID, D_HID), dtype=jnp.float32, minval=-s_hid, maxval=s_hid)
    b2 = jnp.zeros((D_HID,), dtype=jnp.float32)
    W3 = jax.random.uniform(ks[4], (D_HID, D_OUT), dtype=jnp.float32, minval=-s_hid, maxval=s_hid)
    b3 = jnp.zeros((D_OUT,), dtype=jnp.float32)
    return {"x": x, "edge_index": edge_index, "W1": W1, "b1": b1, "W2": W2, "b2": b2, "W3": W3, "b3": b3}

def reference(x, edge_index, W1, b1, W2, b2, W3, b3):
    # GCNConv with normalize=False (=> add_self_loops=False, unit edge weights):
    # out = scatter_add_{dst}( (x @ W)[src] ) + b
    src = edge_index[0]
    dst = edge_index[1]
    def layer(h, W, b):
        h = h @ W
        msg = jnp.take(h, src, axis=0)
        agg = jax.ops.segment_sum(msg, dst, num_segments=N)
        return agg + b
    h = jax.nn.relu(layer(x, W1, b1))
    # dropout is identity in eval mode
    h = jax.nn.relu(layer(h, W2, b2))
    out = layer(h, W3, b3)
    return out

if __name__ == "__main__":
    import jax
    _d = setup_inputs()
    print(jax.jit(kernel)(*tuple(_d.values())))

</pallas_src>

<mosaic_0001>
#map = affine_map<(d0, d1) -> (0, 0)>
#map1 = affine_map<(d0, d1) -> (0)>
#map2 = affine_map<(d0, d1) -> (0, 0, 0)>
module attributes {stable_mosaic.version = 14 : i64} {
  func.func @_sc_scatter(%arg0: i32, %arg1: i32, %arg2: memref<20000x128xf32, #tpu.memory_space<hbm>>, %arg3: memref<327680xi32, #tpu.memory_space<hbm>>, %arg4: memref<128x128xf32, #tpu.memory_space<hbm>>, %arg5: memref<2x10240x128xf32, #tpu.memory_space<hbm>>, %arg6: memref<3x128xi32, #tpu.memory_space<vmem>>, %arg7: memref<2x128xi32, #tpu.memory_space<vmem>>, %arg8: memref<2x128xi32, #tpu.memory_space<vmem>>, %arg9: memref<2x128x128xf32, #tpu.memory_space<vmem>>, %arg10: memref<10240x128xf32, #tpu.memory_space<vmem_shared>>, %arg11: memref<!tpu.dma_semaphore, #tpu.memory_space<semaphore_mem>>, %arg12: memref<!tpu.dma_semaphore, #tpu.memory_space<semaphore_mem>>) attributes {dimension_semantics = [#tpu.dimension_semantics<core_parallel>, #tpu.dimension_semantics<subcore_parallel>], iteration_bounds = array<i64: 2, 16>, scalar_prefetch = 0 : i64, scratch_operands = 7 : i64, tpu.core_type = #tpu.core_type<sc_vector_subcore>, window_params = [{transform_indices = #map}, {transform_indices = #map1}, {transform_indices = #map}, {transform_indices = #map2}]} {
    %mul3A = arith.constant 2 : i32
    %mul3A_0 = arith.muli %arg1, %mul3A : i32
    %add3A = arith.addi %mul3A_0, %arg0 : i32
    %mul3A_1 = arith.constant 80 : i32
    %mul3A_2 = arith.muli %add3A, %mul3A_1 : i32
    %mul3A_3 = arith.constant 640 : i32
    %mul3A_4 = arith.muli %arg1, %mul3A_3 : i32
    %add3A_5 = arith.constant 0 : i32
    %add3A_6 = arith.addi %mul3A_4, %add3A_5 : i32
    "tpu.region"() ({
      %run_scoped3A = tpu.sem_alloc : memref<!tpu.dma_semaphore, #tpu.memory_space<semaphore_mem>>
      %dma_start3A_287 = arith.constant 0 : i32
      %dma_start3A_288 = tpu.memref_slice %arg10[%add3A_6, %dma_start3A_287] : memref<10240x128xf32, #tpu.memory_space<vmem_shared>> -> memref<128x128xf32, #tpu.memory_space<vmem_shared>>
      tpu.enqueue_dma source(%arg4 : memref<128x128xf32, #tpu.memory_space<hbm>>) target(%dma_start3A_288 : memref<128x128xf32, #tpu.memory_space<vmem_shared>>) target_semaphore(%run_scoped3A : memref<!tpu.dma_semaphore, #tpu.memory_space<semaphore_mem>>)
      %dma_wait3A_289 = arith.constant 0 : i32
      %dma_wait3A_290 = tpu.memref_slice %arg10[%add3A_6, %dma_wait3A_289] : memref<10240x128xf32, #tpu.memory_space<vmem_shared>> -> memref<128x128xf32, #tpu.memory_space<vmem_shared>>
      tpu.wait_dma2 semaphore(%run_scoped3A : memref<!tpu.dma_semaphore, #tpu.memory_space<semaphore_mem>>) src(%arg4 : memref<128x128xf32, #tpu.memory_space<hbm>>) dst(%dma_wait3A_290 : memref<128x128xf32, #tpu.memory_space<vmem_shared>>)
      tpu.yield
    }) : () -> ()
    %add3A_7 = arith.constant 128 : i32
    %add3A_8 = arith.addi %mul3A_4, %add3A_7 : i32
    "tpu.region"() ({
      %run_scoped3A = tpu.sem_alloc : memref<!tpu.dma_semaphore, #tpu.memory_space<semaphore_mem>>
      %dma_start3A_287 = arith.constant 0 : i32
      %dma_start3A_288 = tpu.memref_slice %arg10[%add3A_8, %dma_start3A_287] : memref<10240x128xf32, #tpu.memory_space<vmem_shared>> -> memref<128x128xf32, #tpu.memory_space<vmem_shared>>
      tpu.enqueue_dma source(%arg4 : memref<128x128xf32, #tpu.memory_space<hbm>>) target(%dma_start3A_288 : memref<128x128xf32, #tpu.memory_space<vmem_shared>>) target_semaphore(%run_scoped3A : memref<!tpu.dma_semaphore, #tpu.memory_space<semaphore_mem>>)
      %dma_wait3A_289 = arith.constant 0 : i32
      %dma_wait3A_290 = tpu.memref_slice %arg10[%add3A_8, %dma_wait3A_289] : memref<10240x128xf32, #tpu.memory_space<vmem_shared>> -> memref<128x128xf32, #tpu.memory_space<vmem_shared>>
      tpu.wait_dma2 semaphore(%run_scoped3A : memref<!tpu.dma_semaphore, #tpu.memory_space<semaphore_mem>>) src(%arg4 : memref<128x128xf32, #tpu.memory_space<hbm>>) dst(%dma_wait3A_290 : memref<128x128xf32, #tpu.memory_space<vmem_shared>>)
      tpu.yield
    }) : () -> ()
    %add3A_9 = arith.constant 256 : i32
    %add3A_10 = arith.addi %mul3A_4, %add3A_9 : i32
    "tpu.region"() ({
      %run_scoped3A = tpu.sem_alloc : memref<!tpu.dma_semaphore, #tpu.memory_space<semaphore_mem>>
      %dma_start3A_287 = arith.constant 0 : i32
      %dma_start3A_288 = tpu.memref_slice %arg10[%add3A_10, %dma_start3A_287] : memref<10240x128xf32, #tpu.memory_space<vmem_shared>> -> memref<128x128xf32, #tpu.memory_space<vmem_shared>>
      tpu.enqueue_dma source(%arg4 : memref<128x128xf32, #tpu.memory_space<hbm>>) target(%dma_start3A_288 : memref<128x128xf32, #tpu.memory_space<vmem_shared>>) target_semaphore(%run_scoped3A : memref<!tpu.dma_semaphore, #tpu.memory_space<semaphore_mem>>)
      %dma_wait3A_289 = arith.constant 0 : i32
      %dma_wait3A_290 = tpu.memref_slice %arg10[%add3A_10, %dma_wait3A_289] : memref<10240x128xf32, #tpu.memory_space<vmem_shared>> -> memref<128x128xf32, #tpu.memory_space<vmem_shared>>
      tpu.wait_dma2 semaphore(%run_scoped3A : memref<!tpu.dma_semaphore, #tpu.memory_space<semaphore_mem>>) src(%arg4 : memref<128x128xf32, #tpu.memory_space<hbm>>) dst(%dma_wait3A_290 : memref<128x128xf32, #tpu.memory_space<vmem_shared>>)
      tpu.yield
    }) : () -> ()
    %add3A_11 = arith.constant 384 : i32
    %add3A_12 = arith.addi %mul3A_4, %add3A_11 : i32
    "tpu.region"() ({
      %run_scoped3A = tpu.sem_alloc : memref<!tpu.dma_semaphore, #tpu.memory_space<semaphore_mem>>
      %dma_start3A_287 = arith.constant 0 : i32
      %dma_start3A_288 = tpu.memref_slice %arg10[%add3A_12, %dma_start3A_287] : memref<10240x128xf32, #tpu.memory_space<vmem_shared>> -> memref<128x128xf32, #tpu.memory_space<vmem_shared>>
      tpu.enqueue_dma source(%arg4 : memref<128x128xf32, #tpu.memory_space<hbm>>) target(%dma_start3A_288 : memref<128x128xf32, #tpu.memory_space<vmem_shared>>) target_semaphore(%run_scoped3A : memref<!tpu.dma_semaphore, #tpu.memory_space<semaphore_mem>>)
      %dma_wait3A_289 = arith.constant 0 : i32
      %dma_wait3A_290 = tpu.memref_slice %arg10[%add3A_12, %dma_wait3A_289] : memref<10240x128xf32, #tpu.memory_space<vmem_shared>> -> memref<128x128xf32, #tpu.memory_space<vmem_shared>>
      tpu.wait_dma2 semaphore(%run_scoped3A : memref<!tpu.dma_semaphore, #tpu.memory_space<semaphore_mem>>) src(%arg4 : memref<128x128xf32, #tpu.memory_space<hbm>>) dst(%dma_wait3A_290 : memref<128x128xf32, #tpu.memory_space<vmem_shared>>)
      tpu.yield
    }) : () -> ()
    %add3A_13 = arith.constant 512 : i32
    %add3A_14 = arith.addi %mul3A_4, %add3A_13 : i32
    "tpu.region"() ({
      %run_scoped3A = tpu.sem_alloc : memref<!tpu.dma_semaphore, #tpu.memory_space<semaphore_mem>>
      %dma_start3A_287 = arith.constant 0 : i32
      %dma_start3A_288 = tpu.memref_slice %arg10[%add3A_14, %dma_start3A_287] : memref<10240x128xf32, #tpu.memory_space<vmem_shared>> -> memref<128x128xf32, #tpu.memory_space<vmem_shared>>
      tpu.enqueue_dma source(%arg4 : memref<128x128xf32, #tpu.memory_space<hbm>>) target(%dma_start3A_288 : memref<128x128xf32, #tpu.memory_space<vmem_shared>>) target_semaphore(%run_scoped3A : memref<!tpu.dma_semaphore, #tpu.memory_space<semaphore_mem>>)
      %dma_wait3A_289 = arith.constant 0 : i32
      %dma_wait3A_290 = tpu.memref_slice %arg10[%add3A_14, %dma_wait3A_289] : memref<10240x128xf32, #tpu.memory_space<vmem_shared>> -> memref<128x128xf32, #tpu.memory_space<vmem_shared>>
      tpu.wait_dma2 semaphore(%run_scoped3A : memref<!tpu.dma_semaphore, #tpu.memory_space<semaphore_mem>>) src(%arg4 : memref<128x128xf32, #tpu.memory_space<hbm>>) dst(%dma_wait3A_290 : memref<128x128xf32, #tpu.memory_space<vmem_shared>>)
      tpu.yield
    }) : () -> ()
    %barrier3A = arith.constant 0 : index
    tpu.barrier barrier_id(%barrier3A)
    %rem3A = arith.constant 2 : i32
    %rem3A_15 = arith.remsi %add3A, %rem3A : i32
    %mul3A_16 = arith.constant 10000 : i32
    %mul3A_17 = arith.muli %rem3A_15, %mul3A_16 : i32
    %add3A_18 = arith.constant 0 : i32
    %add3A_19 = arith.addi %mul3A_2, %add3A_18 : i32
    %mul3A_20 = arith.constant 128 : i32
    %mul3A_21 = arith.muli %add3A_19, %mul3A_20 : i32
    %rem3A_22 = arith.constant 0 : i32
    %rem3A_23 = arith.constant 3 : i32
    %rem3A_24 = arith.remsi %rem3A_22, %rem3A_23 : i32
    %dma_start3A = arith.constant 0 : i32
    %dma_start3A_25 = tpu.memref_slice %arg6[%rem3A_24, %dma_start3A] : memref<3x128xi32, #tpu.memory_space<vmem>> -> memref<1x128xi32, #tpu.memory_space<vmem>>
    %dma_start3A_26 = tpu.memref_squeeze %dma_start3A_25 : memref<1x128xi32, #tpu.memory_space<vmem>> -> memref<128xi32, #tpu.memory_space<vmem>>
    %dma_start3A_27 = tpu.memref_slice %arg3[%mul3A_21] : memref<327680xi32, #tpu.memory_space<hbm>> -> memref<128xi32, #tpu.memory_space<hbm>>
    %dma_start3A_28 = arith.constant 0 : i32
    %dma_start3A_29 = tpu.memref_slice %arg6[%rem3A_24, %dma_start3A_28] : memref<3x128xi32, #tpu.memory_space<vmem>> -> memref<1x128xi32, #tpu.memory_space<vmem>>
    %dma_start3A_30 = tpu.memref_squeeze %dma_start3A_29 : memref<1x128xi32, #tpu.memory_space<vmem>> -> memref<128xi32, #tpu.memory_space<vmem>>
    %dma_start3A_31 = tpu.memref_slice %arg3[%mul3A_21] : memref<327680xi32, #tpu.memory_space<hbm>> -> memref<128xi32, #tpu.memory_space<hbm>>
    tpu.enqueue_dma source(%dma_start3A_31 : memref<128xi32, #tpu.memory_space<hbm>>) target(%dma_start3A_30 : memref<128xi32, #tpu.memory_space<vmem>>) target_semaphore(%arg12 : memref<!tpu.dma_semaphore, #tpu.memory_space<semaphore_mem>>)
    %add3A_32 = arith.constant 1 : i32
    %add3A_33 = arith.addi %mul3A_2, %add3A_32 : i32
    %mul3A_34 = arith.constant 128 : i32
    %mul3A_35 = arith.muli %add3A_33, %mul3A_34 : i32
    %rem3A_36 = arith.constant 1 : i32
    %rem3A_37 = arith.constant 3 : i32
    %rem3A_38 = arith.remsi %rem3A_36, %rem3A_37 : i32
    %dma_start3A_39 = arith.constant 0 : i32
    %dma_start3A_40 = tpu.memref_slice %arg6[%rem3A_38, %dma_start3A_39] : memref<3x128xi32, #tpu.memory_space<vmem>> -> memref<1x128xi32, #tpu.memory_space<vmem>>
    %dma_start3A_41 = tpu.memref_squeeze %dma_start3A_40 : memref<1x128xi32, #tpu.memory_space<vmem>> -> memref<128xi32, #tpu.memory_space<vmem>>
    %dma_start3A_42 = tpu.memref_slice %arg3[%mul3A_35] : memref<327680xi32, #tpu.memory_space<hbm>> -> memref<128xi32, #tpu.memory_space<hbm>>
    %dma_start3A_43 = arith.constant 0 : i32
    %dma_start3A_44 = tpu.memref_slice %arg6[%rem3A_38, %dma_start3A_43] : memref<3x128xi32, #tpu.memory_space<vmem>> -> memref<1x128xi32, #tpu.memory_space<vmem>>
    %dma_start3A_45 = tpu.memref_squeeze %dma_start3A_44 : memref<1x128xi32, #tpu.memory_space<vmem>> -> memref<128xi32, #tpu.memory_space<vmem>>
    %dma_start3A_46 = tpu.memref_slice %arg3[%mul3A_35] : memref<327680xi32, #tpu.memory_space<hbm>> -> memref<128xi32, #tpu.memory_space<hbm>>
    tpu.enqueue_dma source(%dma_start3A_46 : memref<128xi32, #tpu.memory_space<hbm>>) target(%dma_start3A_45 : memref<128xi32, #tpu.memory_space<vmem>>) target_semaphore(%arg12 : memref<!tpu.dma_semaphore, #tpu.memory_space<semaphore_mem>>)
    %dma_wait3A = arith.constant 0 : i32
    %dma_wait3A_47 = arith.constant 0 : i32
    %dma_wait3A_48 = tpu.memref_slice %arg6[%dma_wait3A, %dma_wait3A_47] : memref<3x128xi32, #tpu.memory_space<vmem>> -> memref<1x128xi32, #tpu.memory_space<vmem>>
    %dma_wait3A_49 = tpu.memref_squeeze %dma_wait3A_48 : memref<1x128xi32, #tpu.memory_space<vmem>> -> memref<128xi32, #tpu.memory_space<vmem>>
    %dma_wait3A_50 = arith.constant 0 : i32
    %dma_wait3A_51 = tpu.memref_slice %arg3[%dma_wait3A_50] : memref<327680xi32, #tpu.memory_space<hbm>> -> memref<128xi32, #tpu.memory_space<hbm>>
    %dma_wait3A_52 = arith.constant 0 : i32
    %dma_wait3A_53 = tpu.memref_slice %arg6[%dma_wait3A, %dma_wait3A_52] : memref<3x128xi32, #tpu.memory_space<vmem>> -> memref<1x128xi32, #tpu.memory_space<vmem>>
    %dma_wait3A_54 = tpu.memref_squeeze %dma_wait3A_53 : memref<1x128xi32, #tpu.memory_space<vmem>> -> memref<128xi32, #tpu.memory_space<vmem>>
    %dma_wait3A_55 = arith.constant 0 : i32
    %dma_wait3A_56 = tpu.memref_slice %arg3[%dma_wait3A_55] : memref<327680xi32, #tpu.memory_space<hbm>> -> memref<128xi32, #tpu.memory_space<hbm>>
    tpu.wait_dma2 semaphore(%arg12 : memref<!tpu.dma_semaphore, #tpu.memory_space<semaphore_mem>>) src(%dma_wait3A_56 : memref<128xi32, #tpu.memory_space<hbm>>) dst(%dma_wait3A_54 : memref<128xi32, #tpu.memory_space<vmem>>)
    %rem3A_57 = arith.constant 0 : i32
    %rem3A_58 = arith.constant 3 : i32
    %rem3A_59 = arith.remsi %rem3A_57, %rem3A_58 : i32
    %get3A = arith.index_cast %rem3A_59 : i32 to index
    %get3A_60 = arith.constant 0 : index
    %get3A_61 = tpu.vector_load %arg6[%get3A, %get3A_60] {strides = array<i32>} : memref<3x128xi32, #tpu.memory_space<vmem>>, vector<1x16xi32>,
    %get3A_62 = vector.shape_cast %get3A_61 : vector<1x16xi32> to vector<16xi32>
    %and3A = arith.constant 65535 : i32
    %and3A_63 = vector.broadcast %and3A : i32 to vector<16xi32>
    %and3A_64 = arith.andi %get3A_62, %and3A_63 : vector<16xi32>
    %add3A_65 = vector.broadcast %mul3A_17 : i32 to vector<16xi32>
    %add3A_66 = arith.addi %and3A_64, %add3A_65 : vector<16xi32>
    %swap3A = arith.constant 0 : i32
    %swap3A_67 = arith.index_cast %swap3A : i32 to index
    %swap3A_68 = arith.constant 0 : index
    %swap3A_69 = tpu.vector_load %arg7[%swap3A_67, %swap3A_68] {strides = array<i32>} : memref<2x128xi32, #tpu.memory_space<vmem>>, vector<1x16xi32>,
    %swap3A_70 = vector.shape_cast %swap3A_69 : vector<1x16xi32> to vector<16xi32>
    %swap3A_71 = vector.shape_cast %add3A_66 : vector<16xi32> to vector<1x16xi32>
    tpu.vector_store %arg7[%swap3A_67, %swap3A_68], %swap3A_71 {strides = array<i32>} : memref<2x128xi32, #tpu.memory_space<vmem>>, vector<1x16xi32>,
    %shift_right_arithmetic3A = arith.constant 16 : i32
    %shift_right_arithmetic3A_72 = vector.broadcast %shift_right_arithmetic3A : i32 to vector<16xi32>
    %shift_right_arithmetic3A_73 = arith.shrsi %get3A_62, %shift_right_arithmetic3A_72 : vector<16xi32>
    %swap3A_74 = arith.constant 0 : i32
    %swap3A_75 = arith.index_cast %swap3A_74 : i32 to index
    %swap3A_76 = arith.constant 0 : index
    %swap3A_77 = tpu.vector_load %arg8[%swap3A_75, %swap3A_76] {strides = array<i32>} : memref<2x128xi32, #tpu.memory_space<vmem>>, vector<1x16xi32>,
    %swap3A_78 = vector.shape_cast %swap3A_77 : vector<1x16xi32> to vector<16xi32>
    %swap3A_79 = vector.shape_cast %shift_right_arithmetic3A_73 : vector<16xi32> to vector<1x16xi32>
    tpu.vector_store %arg8[%swap3A_75, %swap3A_76], %swap3A_79 {strides = array<i32>} : memref<2x128xi32, #tpu.memory_space<vmem>>, vector<1x16xi32>,
    %get3A_80 = arith.index_cast %rem3A_59 : i32 to index
    %get3A_81 = arith.constant 16 : index
    %get3A_82 = tpu.vector_load %arg6[%get3A_80, %get3A_81] {strides = array<i32>} : memref<3x128xi32, #tpu.memory_space<vmem>>, vector<1x16xi32>,
    %get3A_83 = vector.shape_cast %get3A_82 : vector<1x16xi32> to vector<16xi32>
    %and3A_84 = arith.constant 65535 : i32
    %and3A_85 = vector.broadcast %and3A_84 : i32 to vector<16xi32>
    %and3A_86 = arith.andi %get3A_83, %and3A_85 : vector<16xi32>
    %add3A_87 = vector.broadcast %mul3A_17 : i32 to vector<16xi32>
    %add3A_88 = arith.addi %and3A_86, %add3A_87 : vector<16xi32>
    %swap3A_89 = arith.constant 0 : i32
    %swap3A_90 = arith.index_cast %swap3A_89 : i32 to index
    %swap3A_91 = arith.constant 16 : index
    %swap3A_92 = tpu.vector_load %arg7[%swap3A_90, %swap3A_91] {strides = array<i32>} : memref<2x128xi32, #tpu.memory_space<vmem>>, vector<1x16xi32>,
    %swap3A_93 = vector.shape_cast %swap3A_92 : vector<1x16xi32> to vector<16xi32>
    %swap3A_94 = vector.shape_cast %add3A_88 : vector<16xi32> to vector<1x16xi32>
    tpu.vector_store %arg7[%swap3A_90, %swap3A_91], %swap3A_94 {strides = array<i32>} : memref<2x128xi32, #tpu.memory_space<vmem>>, vector<1x16xi32>,
    %shift_right_arithmetic3A_95 = arith.constant 16 : i32
    %shift_right_arithmetic3A_96 = vector.broadcast %shift_right_arithmetic3A_95 : i32 to vector<16xi32>
    %shift_right_arithmetic3A_97 = arith.shrsi %get3A_83, %shift_right_arithmetic3A_96 : vector<16xi32>
    %swap3A_98 = arith.constant 0 : i32
    %swap3A_99 = arith.index_cast %swap3A_98 : i32 to index
    %swap3A_100 = arith.constant 16 : index
    %swap3A_101 = tpu.vector_load %arg8[%swap3A_99, %swap3A_100] {strides = array<i32>} : memref<2x128xi32, #tpu.memory_space<vmem>>, vector<1x16xi32>,
    %swap3A_102 = vector.shape_cast %swap3A_101 : vector<1x16xi32> to vector<16xi32>
    %swap3A_103 = vector.shape_cast %shift_right_arithmetic3A_97 : vector<16xi32> to vector<1x16xi32>
    tpu.vector_store %arg8[%swap3A_99, %swap3A_100], %swap3A_103 {strides = array<i32>} : memref<2x128xi32, #tpu.memory_space<vmem>>, vector<1x16xi32>,
    %get3A_104 = arith.index_cast %rem3A_59 : i32 to index
    %get3A_105 = arith.constant 32 : index
    %get3A_106 = tpu.vector_load %arg6[%get3A_104, %get3A_105] {strides = array<i32>} : memref<3x128xi32, #tpu.memory_space<vmem>>, vector<1x16xi32>,
    %get3A_107 = vector.shape_cast %get3A_106 : vector<1x16xi32> to vector<16xi32>
    %and3A_108 = arith.constant 65535 : i32
    %and3A_109 = vector.broadcast %and3A_108 : i32 to vector<16xi32>
    %and3A_110 = arith.andi %get3A_107, %and3A_109 : vector<16xi32>
    %add3A_111 = vector.broadcast %mul3A_17 : i32 to vector<16xi32>
    %add3A_112 = arith.addi %and3A_110, %add3A_111 : vector<16xi32>
    %swap3A_113 = arith.constant 0 : i32
    %swap3A_114 = arith.index_cast %swap3A_113 : i32 to index
    %swap3A_115 = arith.constant 32 : index
    %swap3A_116 = tpu.vector_load %arg7[%swap3A_114, %swap3A_115] {strides = array<i32>} : memref<2x128xi32, #tpu.memory_space<vmem>>, vector<1x16xi32>,
    %swap3A_117 = vector.shape_cast %swap3A_116 : vector<1x16xi32> to vector<16xi32>
    %swap3A_118 = vector.shape_cast %add3A_112 : vector<16xi32> to vector<1x16xi32>
    tpu.vector_store %arg7[%swap3A_114, %swap3A_115], %swap3A_118 {strides = array<i32>} : memref<2x128xi32, #tpu.memory_space<vmem>>, vector<1x16xi32>,
    %shift_right_arithmetic3A_119 = arith.constant 16 : i32
    %shift_right_arithmetic3A_120 = vector.broadcast %shift_right_arithmetic3A_119 : i32 to vector<16xi32>
    %shift_right_arithmetic3A_121 = arith.shrsi %get3A_107, %shift_right_arithmetic3A_120 : vector<16xi32>
    %swap3A_122 = arith.constant 0 : i32
    %swap3A_123 = arith.index_cast %swap3A_122 : i32 to index
    %swap3A_124 = arith.constant 32 : index
    %swap3A_125 = tpu.vector_load %arg8[%swap3A_123, %swap3A_124] {strides = array<i32>} : memref<2x128xi32, #tpu.memory_space<vmem>>, vector<1x16xi32>,
    %swap3A_126 = vector.shape_cast %swap3A_125 : vector<1x16xi32> to vector<16xi32>
    %swap3A_127 = vector.shape_cast %shift_right_arithmetic3A_121 : vector<16xi32> to vector<1x16xi32>
    tpu.vector_store %arg8[%swap3A_123, %swap3A_124], %swap3A_127 {strides = array<i32>} : memref<2x128xi32, #tpu.memory_space<vmem>>, vector<1x16xi32>,
    %get3A_128 = arith.index_cast %rem3A_59 : i32 to index
    %get3A_129 = arith.constant 48 : index
    %get3A_130 = tpu.vector_load %arg6[%get3A_128, %get3A_129] {strides = array<i32>} : memref<3x128xi32, #tpu.memory_space<vmem>>, vector<1x16xi32>,
    %get3A_131 = vector.shape_cast %get3A_130 : vector<1x16xi32> to vector<16xi32>
    %and3A_132 = arith.constant 65535 : i32
    %and3A_133 = vector.broadcast %and3A_132 : i32 to vector<16xi32>
    %and3A_134 = arith.andi %get3A_131, %and3A_133 : vector<16xi32>
    %add3A_135 = vector.broadcast %mul3A_17 : i32 to vector<16xi32>
    %add3A_136 = arith.addi %and3A_134, %add3A_135 : vector<16xi32>
    %swap3A_137 = arith.constant 0 : i32
    %swap3A_138 = arith.index_cast %swap3A_137 : i32 to index
    %swap3A_139 = arith.constant 48 : index
    %swap3A_140 = tpu.vector_load %arg7[%swap3A_138, %swap3A_139] {strides = array<i32>} : memref<2x128xi32, #tpu.memory_space<vmem>>, vector<1x16xi32>,
    %swap3A_141 = vector.shape_cast %swap3A_140 : vector<1x16xi32> to vector<16xi32>
    %swap3A_142 = vector.shape_cast %add3A_136 : vector<16xi32> to vector<1x16xi32>
    tpu.vector_store %arg7[%swap3A_138, %swap3A_139], %swap3A_142 {strides = array<i32>} : memref<2x128xi32, #tpu.memory_space<vmem>>, vector<1x16xi32>,
    %shift_right_arithmetic3A_143 = arith.constant 16 : i32
    %shift_right_arithmetic3A_144 = vector.broadcast %shift_right_arithmetic3A_143 : i32 to vector<16xi32>
    %shift_right_arithmetic3A_145 = arith.shrsi %get3A_131, %shift_right_arithmetic3A_144 : vector<16xi32>
    %swap3A_146 = arith.constant 0 : i32
    %swap3A_147 = arith.index_cast %swap3A_146 : i32 to index
    %swap3A_148 = arith.constant 48 : index
    %swap3A_149 = tpu.vector_load %arg8[%swap3A_147, %swap3A_148] {strides = array<i32>} : memref<2x128xi32, #tpu.memory_space<vmem>>, vector<1x16xi32>,
    %swap3A_150 = vector.shape_cast %swap3A_149 : vector<1x16xi32> to vector<16xi32>
    %swap3A_151 = vector.shape_cast %shift_right_arithmetic3A_145 : vector<16xi32> to vector<1x16xi32>
    tpu.vector_store %arg8[%swap3A_147, %swap3A_148], %swap3A_151 {strides = array<i32>} : memref<2x128xi32, #tpu.memory_space<vmem>>, vector<1x16xi32>,
    %get3A_152 = arith.index_cast %rem3A_59 : i32 to index
    %get3A_153 = arith.constant 64 : index
    %get3A_154 = tpu.vector_load %arg6[%get3A_152, %get3A_153] {strides = array<i32>} : memref<3x128xi32, #tpu.memory_space<vmem>>, vector<1x16xi32>,
    %get3A_155 = vector.shape_cast %get3A_154 : vector<1x16xi32> to vector<16xi32>
    %and3A_156 = arith.constant 65535 : i32
    %and3A_157 = vector.broadcast %and3A_156 : i32 to vector<16xi32>
    %and3A_158 = arith.andi %get3A_155, %and3A_157 : vector<16xi32>
    %add3A_159 = vector.broadcast %mul3A_17 : i32 to vector<16xi32>
    %add3A_160 = arith.addi %and3A_158, %add3A_159 : vector<16xi32>
    %swap3A_161 = arith.constant 0 : i32
    %swap3A_162 = arith.index_cast %swap3A_161 : i32 to index
    %swap3A_163 = arith.constant 64 : index
    %swap3A_164 = tpu.vector_load %arg7[%swap3A_162, %swap3A_163] {strides = array<i32>} : memref<2x128xi32, #tpu.memory_space<vmem>>, vector<1x16xi32>,
    %swap3A_165 = vector.shape_cast %swap3A_164 : vector<1x16xi32> to vector<16xi32>
    %swap3A_166 = vector.shape_cast %add3A_160 : vector<16xi32> to vector<1x16xi32>
    tpu.vector_store %arg7[%swap3A_162, %swap3A_163], %swap3A_166 {strides = array<i32>} : memref<2x128xi32, #tpu.memory_space<vmem>>, vector<1x16xi32>,
    %shift_right_arithmetic3A_167 = arith.constant 16 : i32
    %shift_right_arithmetic3A_168 = vector.broadcast %shift_right_arithmetic3A_167 : i32 to vector<16xi32>
    %shift_right_arithmetic3A_169 = arith.shrsi %get3A_155, %shift_right_arithmetic3A_168 : vector<16xi32>
    %swap3A_170 = arith.constant 0 : i32
    %swap3A_171 = arith.index_cast %swap3A_170 : i32 to index
    %swap3A_172 = arith.constant 64 : index
    %swap3A_173 = tpu.vector_load %arg8[%swap3A_171, %swap3A_172] {strides = array<i32>} : memref<2x128xi32, #tpu.memory_space<vmem>>, vector<1x16xi32>,
    %swap3A_174 = vector.shape_cast %swap3A_173 : vector<1x16xi32> to vector<16xi32>
    %swap3A_175 = vector.shape_cast %shift_right_arithmetic3A_169 : vector<16xi32> to vector<1x16xi32>
    tpu.vector_store %arg8[%swap3A_171, %swap3A_172], %swap3A_175 {strides = array<i32>} : memref<2x128xi32, #tpu.memory_space<vmem>>, vector<1x16xi32>,
    %get3A_176 = arith.index_cast %rem3A_59 : i32 to index
    %get3A_177 = arith.constant 80 : index
    %get3A_178 = tpu.vector_load %arg6[%get3A_176, %get3A_177] {strides = array<i32>} : memref<3x128xi32, #tpu.memory_space<vmem>>, vector<1x16xi32>,
    %get3A_179 = vector.shape_cast %get3A_178 : vector<1x16xi32> to vector<16xi32>
    %and3A_180 = arith.constant 65535 : i32
    %and3A_181 = vector.broadcast %and3A_180 : i32 to vector<16xi32>
    %and3A_182 = arith.andi %get3A_179, %and3A_181 : vector<16xi32>
    %add3A_183 = vector.broadcast %mul3A_17 : i32 to vector<16xi32>
    %add3A_184 = arith.addi %and3A_182, %add3A_183 : vector<16xi32>
    %swap3A_185 = arith.constant 0 : i32
    %swap3A_186 = arith.index_cast %swap3A_185 : i32 to index
    %swap3A_187 = arith.constant 80 : index
    %swap3A_188 = tpu.vector_load %arg7[%swap3A_186, %swap3A_187] {strides = array<i32>} : memref<2x128xi32, #tpu.memory_space<vmem>>, vector<1x16xi32>,
    %swap3A_189 = vector.shape_cast %swap3A_188 : vector<1x16xi32> to vector<16xi32>
    %swap3A_190 = vector.shape_cast %add3A_184 : vector<16xi32> to vector<1x16xi32>
    tpu.vector_store %arg7[%swap3A_186, %swap3A_187], %swap3A_190 {strides = array<i32>} : memref<2x128xi32, #tpu.memory_space<vmem>>, vector<1x16xi32>,
    %shift_right_arithmetic3A_191 = arith.constant 16 : i32
    %shift_right_arithmetic3A_192 = vector.broadcast %shift_right_arithmetic3A_191 : i32 to vector<16xi32>
    %shift_right_arithmetic3A_193 = arith.shrsi %get3A_179, %shift_right_arithmetic3A_192 : vector<16xi32>
    %swap3A_194 = arith.constant 0 : i32
    %swap3A_195 = arith.index_cast %swap3A_194 : i32 to index
    %swap3A_196 = arith.constant 80 : index
    %swap3A_197 = tpu.vector_load %arg8[%swap3A_195, %swap3A_196] {strides = array<i32>} : memref<2x128xi32, #tpu.memory_space<vmem>>, vector<1x16xi32>,
    %swap3A_198 = vector.shape_cast %swap3A_197 : vector<1x16xi32> to vector<16xi32>
    %swap3A_199 = vector.shape_cast %shift_right_arithmetic3A_193 : vector<16xi32> to vector<1x16xi32>
    tpu.vector_store %arg8[%swap3A_195, %swap3A_196], %swap3A_199 {strides = array<i32>} : memref<2x128xi32, #tpu.memory_space<vmem>>, vector<1x16xi32>,
    %get3A_200 = arith.index_cast %rem3A_59 : i32 to index
    %get3A_201 = arith.constant 96 : index
    %get3A_202 = tpu.vector_load %arg6[%get3A_200, %get3A_201] {strides = array<i32>} : memref<3x128xi32, #tpu.memory_space<vmem>>, vector<1x16xi32>,
    %get3A_203 = vector.shape_cast %get3A_202 : vector<1x16xi32> to vector<16xi32>
    %and3A_204 = arith.constant 65535 : i32
    %and3A_205 = vector.broadcast %and3A_204 : i32 to vector<16xi32>
    %and3A_206 = arith.andi %get3A_203, %and3A_205 : vector<16xi32>
    %add3A_207 = vector.broadcast %mul3A_17 : i32 to vector<16xi32>
    %add3A_208 = arith.addi %and3A_206, %add3A_207 : vector<16xi32>
    %swap3A_209 = arith.constant 0 : i32
    %swap3A_210 = arith.index_cast %swap3A_209 : i32 to index
    %swap3A_211 = arith.constant 96 : index
    %swap3A_212 = tpu.vector_load %arg7[%swap3A_210, %swap3A_211] {strides = array<i32>} : memref<2x128xi32, #tpu.memory_space<vmem>>, vector<1x16xi32>,
    %swap3A_213 = vector.shape_cast %swap3A_212 : vector<1x16xi32> to vector<16xi32>
    %swap3A_214 = vector.shape_cast %add3A_208 : vector<16xi32> to vector<1x16xi32>
    tpu.vector_store %arg7[%swap3A_210, %swap3A_211], %swap3A_214 {strides = array<i32>} : memref<2x128xi32, #tpu.memory_space<vmem>>, vector<1x16xi32>,
    %shift_right_arithmetic3A_215 = arith.constant 16 : i32
    %shift_right_arithmetic3A_216 = vector.broadcast %shift_right_arithmetic3A_215 : i32 to vector<16xi32>
    %shift_right_arithmetic3A_217 = arith.shrsi %get3A_203, %shift_right_arithmetic3A_216 : vector<16xi32>
    %swap3A_218 = arith.constant 0 : i32
    %swap3A_219 = arith.index_cast %swap3A_218 : i32 to index
    %swap3A_220 = arith.constant 96 : index
    %swap3A_221 = tpu.vector_load %arg8[%swap3A_219, %swap3A_220] {strides = array<i32>} : memref<2x128xi32, #tpu.memory_space<vmem>>, vector<1x16xi32>,
    %swap3A_222 = vector.shape_cast %swap3A_221 : vector<1x16xi32> to vector<16xi32>
    %swap3A_223 = vector.shape_cast %shift_right_arithmetic3A_217 : vector<16xi32> to vector<1x16xi32>
    tpu.vector_store %arg8[%swap3A_219, %swap3A_220], %swap3A_223 {strides = array<i32>} : memref<2x128xi32, #tpu.memory_space<vmem>>, vector<1x16xi32>,
    %get3A_224 = arith.index_cast %rem3A_59 : i32 to index
    %get3A_225 = arith.constant 112 : index
    %get3A_226 = tpu.vector_load %arg6[%get3A_224, %get3A_225] {strides = array<i32>} : memref<3x128xi32, #tpu.memory_space<vmem>>, vector<1x16xi32>,
    %get3A_227 = vector.shape_cast %get3A_226 : vector<1x16xi32> to vector<16xi32>
    %and3A_228 = arith.constant 65535 : i32
    %and3A_229 = vector.broadcast %and3A_228 : i32 to vector<16xi32>
    %and3A_230 = arith.andi %get3A_227, %and3A_229 : vector<16xi32>
    %add3A_231 = vector.broadcast %mul3A_17 : i32 to vector<16xi32>
    %add3A_232 = arith.addi %and3A_230, %add3A_231 : vector<16xi32>
    %swap3A_233 = arith.constant 0 : i32
    %swap3A_234 = arith.index_cast %swap3A_233 : i32 to index
    %swap3A_235 = arith.constant 112 : index
    %swap3A_236 = tpu.vector_load %arg7[%swap3A_234, %swap3A_235] {strides = array<i32>} : memref<2x128xi32, #tpu.memory_space<vmem>>, vector<1x16xi32>,
    %swap3A_237 = vector.shape_cast %swap3A_236 : vector<1x16xi32> to vector<16xi32>
    %swap3A_238 = vector.shape_cast %add3A_232 : vector<16xi32> to vector<1x16xi32>
    tpu.vector_store %arg7[%swap3A_234, %swap3A_235], %swap3A_238 {strides = array<i32>} : memref<2x128xi32, #tpu.memory_space<vmem>>, vector<1x16xi32>,
    %shift_right_arithmetic3A_239 = arith.constant 16 : i32
    %shift_right_arithmetic3A_240 = vector.broadcast %shift_right_arithmetic3A_239 : i32 to vector<16xi32>
    %shift_right_arithmetic3A_241 = arith.shrsi %get3A_227, %shift_right_arithmetic3A_240 : vector<16xi32>
    %swap3A_242 = arith.constant 0 : i32
    %swap3A_243 = arith.index_cast %swap3A_242 : i32 to index
    %swap3A_244 = arith.constant 112 : index
    %swap3A_245 = tpu.vector_load %arg8[%swap3A_243, %swap3A_244] {strides = array<i32>} : memref<2x128xi32, #tpu.memory_space<vmem>>, vector<1x16xi32>,
    %swap3A_246 = vector.shape_cast %swap3A_245 : vector<1x16xi32> to vector<16xi32>
    %swap3A_247 = vector.shape_cast %shift_right_arithmetic3A_241 : vector<16xi32> to vector<1x16xi32>
    tpu.vector_store %arg8[%swap3A_243, %swap3A_244], %swap3A_247 {strides = array<i32>} : memref<2x128xi32, #tpu.memory_space<vmem>>, vector<1x16xi32>,
    %dma_start3A_248 = arith.constant 0 : i32
    %dma_start3A_249 = arith.constant 0 : i32
    %dma_start3A_250 = arith.constant 0 : i32
    %dma_start3A_251 = arith.constant 0 : i32
    %dma_start3A_252 = tpu.memref_slice %arg9[%dma_start3A_249, %dma_start3A_250, %dma_start3A_251] : memref<2x128x128xf32, #tpu.memory_space<vmem>> -> memref<1x128x128xf32, #tpu.memory_space<vmem>>
    %dma_start3A_253 = tpu.memref_squeeze %dma_start3A_252 : memref<1x128x128xf32, #tpu.memory_space<vmem>> -> memref<128x128xf32, #tpu.memory_space<vmem>>
    %dma_start3A_254 = arith.constant 0 : i32
    %dma_start3A_255 = tpu.memref_slice %arg7[%dma_start3A_248, %dma_start3A_254] : memref<2x128xi32, #tpu.memory_space<vmem>> -> memref<1x128xi32, #tpu.memory_space<vmem>>
    %dma_start3A_256 = tpu.memref_squeeze %dma_start3A_255 : memref<1x128xi32, #tpu.memory_space<vmem>> -> memref<128xi32, #tpu.memory_space<vmem>>
    %dma_start3A_257 = arith.constant 0 : i32
    %dma_start3A_258 = arith.constant 0 : i32
    %dma_start3A_259 = tpu.memref_slice %arg2[%dma_start3A_257, %dma_start3A_258] : memref<20000x128xf32, #tpu.memory_space<hbm>> -> memref<20000x128xf32, #tpu.memory_space<hbm>>
    tpu.enqueue_indirect_dma source(%dma_start3A_259 : memref<20000x128xf32, #tpu.memory_space<hbm>>) target(%dma_start3A_253 : memref<128x128xf32, #tpu.memory_space<vmem>>) offsets(%dma_start3A_256 : memref<128xi32, #tpu.memory_space<vmem>>) semaphore(%arg11 : memref<!tpu.dma_semaphore, #tpu.memory_space<semaphore_mem>>)
    %scan3A = arith.constant 0 : i32
    %scan3A_260 = arith.constant 0 : i32
    %scan3A_261 = arith.constant 80 : i32
    %scan3A_262 = arith.addi %scan3A_260, %scan3A_261 : i32
    %scan3A_263 = arith.constant 1 : i32
    %scan3A_264 = scf.for %scan3A_287 = %scan3A_260 to %scan3A_262 step %scan3A_263 iter_args(%scan3A_288 = %scan3A) -> (i32)  : i32 {
      %add3A_289 = arith.constant 2 : i32
      %add3A_290 = arith.addi %scan3A_287, %add3A_289 : i32
      %lt3A = arith.constant 80 : i32
      %lt3A_291 = arith.cmpi slt, %add3A_290, %lt3A : i32
      %convert_element_type3A = arith.extui %lt3A_291 : i1 to i32
      %cond3A = arith.constant 0 : i32
      %cond3A_292 = arith.cmpi ne, %convert_element_type3A, %cond3A : i32
      scf.if %cond3A_292 {
        %add3A_313 = arith.constant 2 : i32
        %add3A_314 = arith.addi %scan3A_287, %add3A_313 : i32
        %add3A_315 = arith.addi %mul3A_2, %add3A_314 : i32
        %mul3A_316 = arith.constant 128 : i32
        %mul3A_317 = arith.muli %add3A_315, %mul3A_316 : i32
        %rem3A_318 = arith.constant 3 : i32
        %rem3A_319 = arith.remsi %add3A_314, %rem3A_318 : i32
        %dma_start3A_320 = arith.constant 0 : i32
        %dma_start3A_321 = tpu.memref_slice %arg6[%rem3A_319, %dma_start3A_320] : memref<3x128xi32, #tpu.memory_space<vmem>> -> memref<1x128xi32, #tpu.memory_space<vmem>>
        %dma_start3A_322 = tpu.memref_squeeze %dma_start3A_321 : memref<1x128xi32, #tpu.memory_space<vmem>> -> memref<128xi32, #tpu.memory_space<vmem>>
        %dma_start3A_323 = tpu.memref_slice %arg3[%mul3A_317] : memref<327680xi32, #tpu.memory_space<hbm>> -> memref<128xi32, #tpu.memory_space<hbm>>
        %dma_start3A_324 = arith.constant 0 : i32
        %dma_start3A_325 = tpu.memref_slice %arg6[%rem3A_319, %dma_start3A_324] : memref<3x128xi32, #tpu.memory_space<vmem>> -> memref<1x128xi32, #tpu.memory_space<vmem>>
        %dma_start3A_326 = tpu.memref_squeeze %dma_start3A_325 : memref<1x128xi32, #tpu.memory_space<vmem>> -> memref<128xi32, #tpu.memory_space<vmem>>
        %dma_start3A_327 = tpu.memref_slice %arg3[%mul3A_317] : memref<327680xi32, #tpu.memory_space<hbm>> -> memref<128xi32, #tpu.memory_space<hbm>>
        tpu.enqueue_dma source(%dma_start3A_327 : memref<128xi32, #tpu.memory_space<hbm>>) target(%dma_start3A_326 : memref<128xi32, #tpu.memory_space<vmem>>) target_semaphore(%arg12 : memref<!tpu.dma_semaphore, #tpu.memory_space<semaphore_mem>>)
      } else {
      }
      %add3A_293 = arith.constant 1 : i32
      %add3A_294 = arith.addi %scan3A_287, %add3A_293 : i32
      %lt3A_295 = arith.constant 80 : i32
      %lt3A_296 = arith.cmpi slt, %add3A_294, %lt3A_295 : i32
      %convert_element_type3A_297 = arith.extui %lt3A_296 : i1 to i32
      %cond3A_298 = arith.constant 0 : i32
      %cond3A_299 = arith.cmpi ne, %convert_element_type3A_297, %cond3A_298 : i32
      scf.if %cond3A_299 {
        %add3A_313 = arith.constant 1 : i32
        %add3A_314 = arith.addi %scan3A_287, %add3A_313 : i32
        %rem3A_315 = arith.constant 2 : i32
        %rem3A_316 = arith.remsi %add3A_314, %rem3A_315 : i32
        %dma_wait3A_317 = arith.constant 0 : i32
        %dma_wait3A_318 = arith.constant 0 : i32
        %dma_wait3A_319 = tpu.memref_slice %arg6[%dma_wait3A_317, %dma_wait3A_318] : memref<3x128xi32, #tpu.memory_space<vmem>> -> memref<1x128xi32, #tpu.memory_space<vmem>>
        %dma_wait3A_320 = tpu.memref_squeeze %dma_wait3A_319 : memref<1x128xi32, #tpu.memory_space<vmem>> -> memref<128xi32, #tpu.memory_space<vmem>>
        %dma_wait3A_321 = arith.constant 0 : i32
        %dma_wait3A_322 = tpu.memref_slice %arg3[%dma_wait3A_321] : memref<327680xi32, #tpu.memory_space<hbm>> -> memref<128xi32, #tpu.memory_space<hbm>>
        %dma_wait3A_323 = arith.constant 0 : i32
        %dma_wait3A_324 = tpu.memref_slice %arg6[%dma_wait3A_317, %dma_wait3A_323] : memref<3x128xi32, #tpu.memory_space<vmem>> -> memref<1x128xi32, #tpu.memory_space<vmem>>
        %dma_wait3A_325 = tpu.memref_squeeze %dma_wait3A_324 : memref<1x128xi32, #tpu.memory_space<vmem>> -> memref<128xi32, #tpu.memory_space<vmem>>
        %dma_wait3A_326 = arith.constant 0 : i32
        %dma_wait3A_327 = tpu.memref_slice %arg3[%dma_wait3A_326] : memref<327680xi32, #tpu.memory_space<hbm>> -> memref<128xi32, #tpu.memory_space<hbm>>
        tpu.wait_dma2 semaphore(%arg12 : memref<!tpu.dma_semaphore, #tpu.memory_space<semaphore_mem>>) src(%dma_wait3A_327 : memref<128xi32, #tpu.memory_space<hbm>>) dst(%dma_wait3A_325 : memref<128xi32, #tpu.memory_space<vmem>>)
        %add3A_328 = arith.constant 1 : i32
        %add3A_329 = arith.addi %scan3A_287, %add3A_328 : i32
        %rem3A_330 = arith.constant 3 : i32
        %rem3A_331 = arith.remsi %add3A_329, %rem3A_330 : i32
        %get3A_332 = arith.index_cast %rem3A_331 : i32 to index
        %get3A_333 = arith.constant 0 : index
        %get3A_334 = tpu.vector_load %arg6[%get3A_332, %get3A_333] {strides = array<i32>} : memref<3x128xi32, #tpu.memory_space<vmem>>, vector<1x16xi32>,
        %get3A_335 = vector.shape_cast %get3A_334 : vector<1x16xi32> to vector<16xi32>
        %and3A_336 = arith.constant 65535 : i32
        %and3A_337 = vector.broadcast %and3A_336 : i32 to vector<16xi32>
        %and3A_338 = arith.andi %get3A_335, %and3A_337 : vector<16xi32>
        %add3A_339 = vector.broadcast %mul3A_17 : i32 to vector<16xi32>
        %add3A_340 = arith.addi %and3A_338, %add3A_339 : vector<16xi32>
        %swap3A_341 = arith.index_cast %rem3A_316 : i32 to index
        %swap3A_342 = arith.constant 0 : index
        %swap3A_343 = tpu.vector_load %arg7[%swap3A_341, %swap3A_342] {strides = array<i32>} : memref<2x128xi32, #tpu.memory_space<vmem>>, vector<1x16xi32>,
        %swap3A_344 = vector.shape_cast %swap3A_343 : vector<1x16xi32> to vector<16xi32>
        %swap3A_345 = vector.shape_cast %add3A_340 : vector<16xi32> to vector<1x16xi32>
        tpu.vector_store %arg7[%swap3A_341, %swap3A_342], %swap3A_345 {strides = array<i32>} : memref<2x128xi32, #tpu.memory_space<vmem>>, vector<1x16xi32>,
        %shift_right_arithmetic3A_346 = arith.constant 16 : i32
        %shift_right_arithmetic3A_347 = vector.broadcast %shift_right_arithmetic3A_346 : i32 to vector<16xi32>
        %shift_right_arithmetic3A_348 = arith.shrsi %get3A_335, %shift_right_arithmetic3A_347 : vector<16xi32>
        %swap3A_349 = arith.index_cast %rem3A_316 : i32 to index
        %swap3A_350 = arith.constant 0 : index
        %swap3A_351 = tpu.vector_load %arg8[%swap3A_349, %swap3A_350] {strides = array<i32>} : memref<2x128xi32, #tpu.memory_space<vmem>>, vector<1x16xi32>,
        %swap3A_352 = vector.shape_cast %swap3A_351 : vector<1x16xi32> to vector<16xi32>
        %swap3A_353 = vector.shape_cast %shift_right_arithmetic3A_348 : vector<16xi32> to vector<1x16xi32>
        tpu.vector_store %arg8[%swap3A_349, %swap3A_350], %swap3A_353 {strides = array<i32>} : memref<2x128xi32, #tpu.memory_space<vmem>>, vector<1x16xi32>,
        %get3A_354 = arith.index_cast %rem3A_331 : i32 to index
        %get3A_355 = arith.constant 16 : index
        %get3A_356 = tpu.vector_load %arg6[%get3A_354, %get3A_355] {strides = array<i32>} : memref<3x128xi32, #tpu.memory_space<vmem>>, vector<1x16xi32>,
        %get3A_357 = vector.shape_cast %get3A_356 : vector<1x16xi32> to vector<16xi32>
        %and3A_358 = arith.constant 65535 : i32
        %and3A_359 = vector.broadcast %and3A_358 : i32 to vector<16xi32>
        %and3A_360 = arith.andi %get3A_357, %and3A_359 : vector<16xi32>
        %add3A_361 = vector.broadcast %mul3A_17 : i32 to vector<16xi32>
        %add3A_362 = arith.addi %and3A_360, %add3A_361 : vector<16xi32>
        %swap3A_363 = arith.index_cast %rem3A_316 : i32 to index
        %swap3A_364 = arith.constant 16 : index
        %swap3A_365 = tpu.vector_load %arg7[%swap3A_363, %swap3A_364] {strides = array<i32>} : memref<2x128xi32, #tpu.memory_space<vmem>>, vector<1x16xi32>,
        %swap3A_366 = vector.shape_cast %swap3A_365 : vector<1x16xi32> to vector<16xi32>
        %swap3A_367 = vector.shape_cast %add3A_362 : vector<16xi32> to vector<1x16xi32>
        tpu.vector_store %arg7[%swap3A_363, %swap3A_364], %swap3A_367 {strides = array<i32>} : memref<2x128xi32, #tpu.memory_space<vmem>>, vector<1x16xi32>,
        %shift_right_arithmetic3A_368 = arith.constant 16 : i32
        %shift_right_arithmetic3A_369 = vector.broadcast %shift_right_arithmetic3A_368 : i32 to vector<16xi32>
        %shift_right_arithmetic3A_370 = arith.shrsi %get3A_357, %shift_right_arithmetic3A_369 : vector<16xi32>
        %swap3A_371 = arith.index_cast %rem3A_316 : i32 to index
        %swap3A_372 = arith.constant 16 : index
        %swap3A_373 = tpu.vector_load %arg8[%swap3A_371, %swap3A_372] {strides = array<i32>} : memref<2x128xi32, #tpu.memory_space<vmem>>, vector<1x16xi32>,
        %swap3A_374 = vector.shape_cast %swap3A_373 : vector<1x16xi32> to vector<16xi32>
        %swap3A_375 = vector.shape_cast %shift_right_arithmetic3A_370 : vector<16xi32> to vector<1x16xi32>
        tpu.vector_store %arg8[%swap3A_371, %swap3A_372], %swap3A_375 {strides = array<i32>} : memref<2x128xi32, #tpu.memory_space<vmem>>, vector<1x16xi32>,
        %get3A_376 = arith.index_cast %rem3A_331 : i32 to index
        %get3A_377 = arith.constant 32 : index
        %get3A_378 = tpu.vector_load %arg6[%get3A_376, %get3A_377] {strides = array<i32>} : memref<3x128xi32, #tpu.memory_space<vmem>>, vector<1x16xi32>,
        %get3A_379 = vector.shape_cast %get3A_378 : vector<1x16xi32> to vector<16xi32>
        %and3A_380 = arith.constant 65535 : i32
        %and3A_381 = vector.broadcast %and3A_380 : i32 to vector<16xi32>
        %and3A_382 = arith.andi %get3A_379, %and3A_381 : vector<16xi32>
        %add3A_383 = vector.broadcast %mul3A_17 : i32 to vector<16xi32>
        %add3A_384 = arith.addi %and3A_382, %add3A_383 : vector<16xi32>
        %swap3A_385 = arith.index_cast %rem3A_316 : i32 to index
        %swap3A_386 = arith.constant 32 : index
        %swap3A_387 = tpu.vector_load %arg7[%swap3A_385, %swap3A_386] {strides = array<i32>} : memref<2x128xi32, #tpu.memory_space<vmem>>, vector<1x16xi32>,
        %swap3A_388 = vector.shape_cast %swap3A_387 : vector<1x16xi32> to vector<16xi32>
        %swap3A_389 = vector.shape_cast %add3A_384 : vector<16xi32> to vector<1x16xi32>
        tpu.vector_store %arg7[%swap3A_385, %swap3A_386], %swap3A_389 {strides = array<i32>} : memref<2x128xi32, #tpu.memory_space<vmem>>, vector<1x16xi32>,
        %shift_right_arithmetic3A_390 = arith.constant 16 : i32
        %shift_right_arithmetic3A_391 = vector.broadcast %shift_right_arithmetic3A_390 : i32 to vector<16xi32>
        %shift_right_arithmetic3A_392 = arith.shrsi %get3A_379, %shift_right_arithmetic3A_391 : vector<16xi32>
        %swap3A_393 = arith.index_cast %rem3A_316 : i32 to index
        %swap3A_394 = arith.constant 32 : index
        %swap3A_395 = tpu.vector_load %arg8[%swap3A_393, %swap3A_394] {strides = array<i32>} : memref<2x128xi32, #tpu.memory_space<vmem>>, vector<1x16xi32>,
        %swap3A_396 = vector.shape_cast %swap3A_395 : vector<1x16xi32> to vector<16xi32>
        %swap3A_397 = vector.shape_cast %shift_right_arithmetic3A_392 : vector<16xi32> to vector<1x16xi32>
        tpu.vector_store %arg8[%swap3A_393, %swap3A_394], %swap3A_397 {strides = array<i32>} : memref<2x128xi32, #tpu.memory_space<vmem>>, vector<1x16xi32>,
        %get3A_398 = arith.index_cast %rem3A_331 : i32 to index
        %get3A_399 = arith.constant 48 : index
        %get3A_400 = tpu.vector_load %arg6[%get3A_398, %get3A_399] {strides = array<i32>} : memref<3x128xi32, #tpu.memory_space<vmem>>, vector<1x16xi32>,
        %get3A_401 = vector.shape_cast %get3A_400 : vector<1x16xi32> to vector<16xi32>
        %and3A_402 = arith.constant 65535 : i32
        %and3A_403 = vector.broadcast %and3A_402 : i32 to vector<16xi32>
        %and3A_404 = arith.andi %get3A_401, %and3A_403 : vector<16xi32>
        %add3A_405 = vector.broadcast %mul3A_17 : i32 to vector<16xi32>
        %add3A_406 = arith.addi %and3A_404, %add3A_405 : vector<16xi32>
        %swap3A_407 = arith.index_cast %rem3A_316 : i32 to index
        %swap3A_408 = arith.constant 48 : index
        %swap3A_409 = tpu.vector_load %arg7[%swap3A_407, %swap3A_408] {strides = array<i32>} : memref<2x128xi32, #tpu.memory_space<vmem>>, vector<1x16xi32>,
        %swap3A_410 = vector.shape_cast %swap3A_409 : vector<1x16xi32> to vector<16xi32>
        %swap3A_411 = vector.shape_cast %add3A_406 : vector<16xi32> to vector<1x16xi32>
        tpu.vector_store %arg7[%swap3A_407, %swap3A_408], %swap3A_411 {strides = array<i32>} : memref<2x128xi32, #tpu.memory_space<vmem>>, vector<1x16xi32>,
        %shift_right_arithmetic3A_412 = arith.constant 16 : i32
        %shift_right_arithmetic3A_413 = vector.broadcast %shift_right_arithmetic3A_412 : i32 to vector<16xi32>
        %shift_right_arithmetic3A_414 = arith.shrsi %get3A_401, %shift_right_arithmetic3A_413 : vector<16xi32>
        %swap3A_415 = arith.index_cast %rem3A_316 : i32 to index
        %swap3A_416 = arith.constant 48 : index
        %swap3A_417 = tpu.vector_load %arg8[%swap3A_415, %swap3A_416] {strides = array<i32>} : memref<2x128xi32, #tpu.memory_space<vmem>>, vector<1x16xi32>,
        %swap3A_418 = vector.shape_cast %swap3A_417 : vector<1x16xi32> to vector<16xi32>
        %swap3A_419 = vector.shape_cast %shift_right_arithmetic3A_414 : vector<16xi32> to vector<1x16xi32>
        tpu.vector_store %arg8[%swap3A_415, %swap3A_416], %swap3A_419 {strides = array<i32>} : memref<2x128xi32, #tpu.memory_space<vmem>>, vector<1x16xi32>,
        %get3A_420 = arith.index_cast %rem3A_331 : i32 to index
        %get3A_421 = arith.constant 64 : index
        %get3A_422 = tpu.vector_load %arg6[%get3A_420, %get3A_421] {strides = array<i32>} : memref<3x128xi32, #tpu.memory_space<vmem>>, vector<1x16xi32>,
        %get3A_423 = vector.shape_cast %get3A_422 : vector<1x16xi32> to vector<16xi32>
        %and3A_424 = arith.constant 65535 : i32
        %and3A_425 = vector.broadcast %and3A_424 : i32 to vector<16xi32>
        %and3A_426 = arith.andi %get3A_423, %and3A_425 : vector<16xi32>
        %add3A_427 = vector.broadcast %mul3A_17 : i32 to vector<16xi32>
        %add3A_428 = arith.addi %and3A_426, %add3A_427 : vector<16xi32>
        %swap3A_429 = arith.index_cast %rem3A_316 : i32 to index
        %swap3A_430 = arith.constant 64 : index
        %swap3A_431 = tpu.vector_load %arg7[%swap3A_429, %swap3A_430] {strides = array<i32>} : memref<2x128xi32, #tpu.memory_space<vmem>>, vector<1x16xi32>,
        %swap3A_432 = vector.shape_cast %swap3A_431 : vector<1x16xi32> to vector<16xi32>
        %swap3A_433 = vector.shape_cast %add3A_428 : vector<16xi32> to vector<1x16xi32>
        tpu.vector_store %arg7[%swap3A_429, %swap3A_430], %swap3A_433 {strides = array<i32>} : memref<2x128xi32, #tpu.memory_space<vmem>>, vector<1x16xi32>,
        %shift_right_arithmetic3A_434 = arith.constant 16 : i32
        %shift_right_arithmetic3A_435 = vector.broadcast %shift_right_arithmetic3A_434 : i32 to vector<16xi32>
        %shift_right_arithmetic3A_436 = arith.shrsi %get3A_423, %shift_right_arithmetic3A_435 : vector<16xi32>
        %swap3A_437 = arith.index_cast %rem3A_316 : i32 to index
        %swap3A_438 = arith.constant 64 : index
        %swap3A_439 = tpu.vector_load %arg8[%swap3A_437, %swap3A_438] {strides = array<i32>} : memref<2x128xi32, #tpu.memory_space<vmem>>, vector<1x16xi32>,
        %swap3A_440 = vector.shape_cast %swap3A_439 : vector<1x16xi32> to vector<16xi32>
        %swap3A_441 = vector.shape_cast %shift_right_arithmetic3A_436 : vector<16xi32> to vector<1x16xi32>
        tpu.vector_store %arg8[%swap3A_437, %swap3A_438], %swap3A_441 {strides = array<i32>} : memref<2x128xi32, #tpu.memory_space<vmem>>, vector<1x16xi32>,
        %get3A_442 = arith.index_cast %rem3A_331 : i32 to index
        %get3A_443 = arith.constant 80 : index
        %get3A_444 = tpu.vector_load %arg6[%get3A_442, %get3A_443] {strides = array<i32>} : memref<3x128xi32, #tpu.memory_space<vmem>>, vector<1x16xi32>,
        %get3A_445 = vector.shape_cast %get3A_444 : vector<1x16xi32> to vector<16xi32>
        %and3A_446 = arith.constant 65535 : i32
        %and3A_447 = vector.broadcast %and3A_446 : i32 to vector<16xi32>
        %and3A_448 = arith.andi %get3A_445, %and3A_447 : vector<16xi32>
        %add3A_449 = vector.broadcast %mul3A_17 : i32 to vector<16xi32>
        %add3A_450 = arith.addi %and3A_448, %add3A_449 : vector<16xi32>
        %swap3A_451 = arith.index_cast %rem3A_316 : i32 to index
        %swap3A_452 = arith.constant 80 : index
        %swap3A_453 = tpu.vector_load %arg7[%swap3A_451, %swap3A_452] {strides = array<i32>} : memref<2x128xi32, #tpu.memory_space<vmem>>, vector<1x16xi32>,
        %swap3A_454 = vector.shape_cast %swap3A_453 : vector<1x16xi32> to vector<16xi32>
        %swap3A_455 = vector.shape_cast %add3A_450 : vector<16xi32> to vector<1x16xi32>
        tpu.vector_store %arg7[%swap3A_451, %swap3A_452], %swap3A_455 {strides = array<i32>} : memref<2x128xi32, #tpu.memory_space<vmem>>, vector<1x16xi32>,
        %shift_right_arithmetic3A_456 = arith.constant 16 : i32
        %shift_right_arithmetic3A_457 = vector.broadcast %shift_right_arithmetic3A_456 : i32 to vector<16xi32>
        %shift_right_arithmetic3A_458 = arith.shrsi %get3A_445, %shift_right_arithmetic3A_457 : vector<16xi32>
        %swap3A_459 = arith.index_cast %rem3A_316 : i32 to index
        %swap3A_460 = arith.constant 80 : index
        %swap3A_461 = tpu.vector_load %arg8[%swap3A_459, %swap3A_460] {strides = array<i32>} : memref<2x128xi32, #tpu.memory_space<vmem>>, vector<1x16xi32>,
        %swap3A_462 = vector.shape_cast %swap3A_461 : vector<1x16xi32> to vector<16xi32>
        %swap3A_463 = vector.shape_cast %shift_right_arithmetic3A_458 : vector<16xi32> to vector<1x16xi32>
        tpu.vector_store %arg8[%swap3A_459, %swap3A_460], %swap3A_463 {strides = array<i32>} : memref<2x128xi32, #tpu.memory_space<vmem>>, vector<1x16xi32>,
        %get3A_464 = arith.index_cast %rem3A_331 : i32 to index
        %get3A_465 = arith.constant 96 : index
        %get3A_466 = tpu.vector_load %arg6[%get3A_464, %get3A_465] {strides = array<i32>} : memref<3x128xi32, #tpu.memory_space<vmem>>, vector<1x16xi32>,
        %get3A_467 = vector.shape_cast %get3A_466 : vector<1x16xi32> to vector<16xi32>
        %and3A_468 = arith.constant 65535 : i32
        %and3A_469 = vector.broadcast %and3A_468 : i32 to vector<16xi32>
        %and3A_470 = arith.andi %get3A_467, %and3A_469 : vector<16xi32>
        %add3A_471 = vector.broadcast %mul3A_17 : i32 to vector<16xi32>
        %add3A_472 = arith.addi %and3A_470, %add3A_471 : vector<16xi32>
        %swap3A_473 = arith.index_cast %rem3A_316 : i32 to index
        %swap3A_474 = arith.constant 96 : index
        %swap3A_475 = tpu.vector_load %arg7[%swap3A_473, %swap3A_474] {strides = array<i32>} : memref<2x128xi32, #tpu.memory_space<vmem>>, vector<1x16xi32>,
        %swap3A_476 = vector.shape_cast %swap3A_475 : vector<1x16xi32> to vector<16xi32>
        %swap3A_477 = vector.shape_cast %add3A_472 : vector<16xi32> to vector<1x16xi32>
        tpu.vector_store %arg7[%swap3A_473, %swap3A_474], %swap3A_477 {strides = array<i32>} : memref<2x128xi32, #tpu.memory_space<vmem>>, vector<1x16xi32>,
        %shift_right_arithmetic3A_478 = arith.constant 16 : i32
        %shift_right_arithmetic3A_479 = vector.broadcast %shift_right_arithmetic3A_478 : i32 to vector<16xi32>
        %shift_right_arithmetic3A_480 = arith.shrsi %get3A_467, %shift_right_arithmetic3A_479 : vector<16xi32>
        %swap3A_481 = arith.index_cast %rem3A_316 : i32 to index
        %swap3A_482 = arith.constant 96 : index
        %swap3A_483 = tpu.vector_load %arg8[%swap3A_481, %swap3A_482] {strides = array<i32>} : memref<2x128xi32, #tpu.memory_space<vmem>>, vector<1x16xi32>,
        %swap3A_484 = vector.shape_cast %swap3A_483 : vector<1x16xi32> to vector<16xi32>
        %swap3A_485 = vector.shape_cast %shift_right_arithmetic3A_480 : vector<16xi32> to vector<1x16xi32>
        tpu.vector_store %arg8[%swap3A_481, %swap3A_482], %swap3A_485 {strides = array<i32>} : memref<2x128xi32, #tpu.memory_space<vmem>>, vector<1x16xi32>,
        %get3A_486 = arith.index_cast %rem3A_331 : i32 to index
        %get3A_487 = arith.constant 112 : index
        %get3A_488 = tpu.vector_load %arg6[%get3A_486, %get3A_487] {strides = array<i32>} : memref<3x128xi32, #tpu.memory_space<vmem>>, vector<1x16xi32>,
        %get3A_489 = vector.shape_cast %get3A_488 : vector<1x16xi32> to vector<16xi32>
        %and3A_490 = arith.constant 65535 : i32
        %and3A_491 = vector.broadcast %and3A_490 : i32 to vector<16xi32>
        %and3A_492 = arith.andi %get3A_489, %and3A_491 : vector<16xi32>
        %add3A_493 = vector.broadcast %mul3A_17 : i32 to vector<16xi32>
        %add3A_494 = arith.addi %and3A_492, %add3A_493 : vector<16xi32>
        %swap3A_495 = arith.index_cast %rem3A_316 : i32 to index
        %swap3A_496 = arith.constant 112 : index
        %swap3A_497 = tpu.vector_load %arg7[%swap3A_495, %swap3A_496] {strides = array<i32>} : memref<2x128xi32, #tpu.memory_space<vmem>>, vector<1x16xi32>,
        %swap3A_498 = vector.shape_cast %swap3A_497 : vector<1x16xi32> to vector<16xi32>
        %swap3A_499 = vector.shape_cast %add3A_494 : vector<16xi32> to vector<1x16xi32>
        tpu.vector_store %arg7[%swap3A_495, %swap3A_496], %swap3A_499 {strides = array<i32>} : memref<2x128xi32, #tpu.memory_space<vmem>>, vector<1x16xi32>,
        %shift_right_arithmetic3A_500 = arith.constant 16 : i32
        %shift_right_arithmetic3A_501 = vector.broadcast %shift_right_arithmetic3A_500 : i32 to vector<16xi32>
        %shift_right_arithmetic3A_502 = arith.shrsi %get3A_489, %shift_right_arithmetic3A_501 : vector<16xi32>
        %swap3A_503 = arith.index_cast %rem3A_316 : i32 to index
        %swap3A_504 = arith.constant 112 : index
        %swap3A_505 = tpu.vector_load %arg8[%swap3A_503, %swap3A_504] {strides = array<i32>} : memref<2x128xi32, #tpu.memory_space<vmem>>, vector<1x16xi32>,
        %swap3A_506 = vector.shape_cast %swap3A_505 : vector<1x16xi32> to vector<16xi32>
        %swap3A_507 = vector.shape_cast %shift_right_arithmetic3A_502 : vector<16xi32> to vector<1x16xi32>
        tpu.vector_store %arg8[%swap3A_503, %swap3A_504], %swap3A_507 {strides = array<i32>} : memref<2x128xi32, #tpu.memory_space<vmem>>, vector<1x16xi32>,
        %dma_start3A_508 = arith.constant 0 : i32
        %dma_start3A_509 = arith.constant 0 : i32
        %dma_start3A_510 = tpu.memref_slice %arg9[%rem3A_316, %dma_start3A_508, %dma_start3A_509] : memref<2x128x128xf32, #tpu.memory_space<vmem>> -> memref<1x128x128xf32, #tpu.memory_space<vmem>>
        %dma_start3A_511 = tpu.memref_squeeze %dma_start3A_510 : memref<1x128x128xf32, #tpu.memory_space<vmem>> -> memref<128x128xf32, #tpu.memory_space<vmem>>
        %dma_start3A_512 = arith.constant 0 : i32
        %dma_start3A_513 = tpu.memref_slice %arg7[%rem3A_316, %dma_start3A_512] : memref<2x128xi32, #tpu.memory_space<vmem>> -> memref<1x128xi32, #tpu.memory_space<vmem>>
        %dma_start3A_514 = tpu.memref_squeeze %dma_start3A_513 : memref<1x128xi32, #tpu.memory_space<vmem>> -> memref<128xi32, #tpu.memory_space<vmem>>
        %dma_start3A_515 = arith.constant 0 : i32
        %dma_start3A_516 = arith.constant 0 : i32
        %dma_start3A_517 = tpu.memref_slice %arg2[%dma_start3A_515, %dma_start3A_516] : memref<20000x128xf32, #tpu.memory_space<hbm>> -> memref<20000x128xf32, #tpu.memory_space<hbm>>
        tpu.enqueue_indirect_dma source(%dma_start3A_517 : memref<20000x128xf32, #tpu.memory_space<hbm>>) target(%dma_start3A_511 : memref<128x128xf32, #tpu.memory_space<vmem>>) offsets(%dma_start3A_514 : memref<128xi32, #tpu.memory_space<vmem>>) semaphore(%arg11 : memref<!tpu.dma_semaphore, #tpu.memory_space<semaphore_mem>>)
      } else {
      }
      %rem3A_300 = arith.constant 2 : i32
      %rem3A_301 = arith.remsi %scan3A_287, %rem3A_300 : i32
      %dma_wait3A_302 = arith.constant 0 : i32
      %dma_wait3A_303 = arith.constant 0 : i32
      %dma_wait3A_304 = tpu.memref_slice %arg9[%rem3A_301, %dma_wait3A_302, %dma_wait3A_303] : memref<2x128x128xf32, #tpu.memory_space<vmem>> -> memref<1x128x128xf32, #tpu.memory_space<vmem>>
      %dma_wait3A_305 = tpu.memref_squeeze %dma_wait3A_304 : memref<1x128x128xf32, #tpu.memory_space<vmem>> -> memref<128x128xf32, #tpu.memory_space<vmem>>
      %dma_wait3A_306 = arith.constant 0 : i32
      %dma_wait3A_307 = tpu.memref_slice %arg7[%rem3A_301, %dma_wait3A_306] : memref<2x128xi32, #tpu.memory_space<vmem>> -> memref<1x128xi32, #tpu.memory_space<vmem>>
      %dma_wait3A_308 = tpu.memref_squeeze %dma_wait3A_307 : memref<1x128xi32, #tpu.memory_space<vmem>> -> memref<128xi32, #tpu.memory_space<vmem>>
      %dma_wait3A_309 = arith.constant 0 : i32
      %dma_wait3A_310 = arith.constant 0 : i32
      %dma_wait3A_311 = tpu.memref_slice %arg2[%dma_wait3A_309, %dma_wait3A_310] : memref<20000x128xf32, #tpu.memory_space<hbm>> -> memref<20000x128xf32, #tpu.memory_space<hbm>>
      tpu.wait_indirect_dma semaphore(%arg11 : memref<!tpu.dma_semaphore, #tpu.memory_space<semaphore_mem>>) src(%dma_wait3A_311 : memref<20000x128xf32, #tpu.memory_space<hbm>>) dst(%dma_wait3A_305 : memref<128x128xf32, #tpu.memory_space<vmem>>)
      "tpu.region"() ({
        %run_scoped3A = tpu.sem_alloc : memref<!tpu.dma_semaphore, #tpu.memory_space<semaphore_mem>>
        %dma_start3A_313 = arith.constant 0 : i32
        %dma_start3A_314 = arith.constant 0 : i32
        %dma_start3A_315 = tpu.memref_slice %arg9[%rem3A_301, %dma_start3A_313, %dma_start3A_314] : memref<2x128x128xf32, #tpu.memory_space<vmem>> -> memref<1x128x128xf32, #tpu.memory_space<vmem>>
        %dma_start3A_316 = tpu.memref_squeeze %dma_start3A_315 : memref<1x128x128xf32, #tpu.memory_space<vmem>> -> memref<128x128xf32, #tpu.memory_space<vmem>>
        %dma_start3A_317 = arith.constant 0 : i32
        %dma_start3A_318 = tpu.memref_slice %arg8[%rem3A_301, %dma_start3A_317] : memref<2x128xi32, #tpu.memory_space<vmem>> -> memref<1x128xi32, #tpu.memory_space<vmem>>
        %dma_start3A_319 = tpu.memref_squeeze %dma_start3A_318 : memref<1x128xi32, #tpu.memory_space<vmem>> -> memref<128xi32, #tpu.memory_space<vmem>>
        %dma_start3A_320 = arith.constant 0 : i32
        %dma_start3A_321 = arith.constant 0 : i32
        %dma_start3A_322 = tpu.memref_slice %arg10[%dma_start3A_320, %dma_start3A_321] : memref<10240x128xf32, #tpu.memory_space<vmem_shared>> -> memref<10240x128xf32, #tpu.memory_space<vmem_shared>>
        tpu.enqueue_indirect_dma source(%dma_start3A_316 : memref<128x128xf32, #tpu.memory_space<vmem>>) target(%dma_start3A_322 : memref<10240x128xf32, #tpu.memory_space<vmem_shared>>) offsets(%dma_start3A_319 : memref<128xi32, #tpu.memory_space<vmem>>) semaphore(%run_scoped3A : memref<!tpu.dma_semaphore, #tpu.memory_space<semaphore_mem>>) {add = true}
        %dma_wait3A_323 = arith.constant 0 : i32
        %dma_wait3A_324 = arith.constant 0 : i32
        %dma_wait3A_325 = tpu.memref_slice %arg9[%rem3A_301, %dma_wait3A_323, %dma_wait3A_324] : memref<2x128x128xf32, #tpu.memory_space<vmem>> -> memref<1x128x128xf32, #tpu.memory_space<vmem>>
        %dma_wait3A_326 = tpu.memref_squeeze %dma_wait3A_325 : memref<1x128x128xf32, #tpu.memory_space<vmem>> -> memref<128x128xf32, #tpu.memory_space<vmem>>
        %dma_wait3A_327 = arith.constant 0 : i32
        %dma_wait3A_328 = tpu.memref_slice %arg8[%rem3A_301, %dma_wait3A_327] : memref<2x128xi32, #tpu.memory_space<vmem>> -> memref<1x128xi32, #tpu.memory_space<vmem>>
        %dma_wait3A_329 = tpu.memref_squeeze %dma_wait3A_328 : memref<1x128xi32, #tpu.memory_space<vmem>> -> memref<128xi32, #tpu.memory_space<vmem>>
        %dma_wait3A_330 = arith.constant 0 : i32
        %dma_wait3A_331 = arith.constant 0 : i32
        %dma_wait3A_332 = tpu.memref_slice %arg10[%dma_wait3A_330, %dma_wait3A_331] : memref<10240x128xf32, #tpu.memory_space<vmem_shared>> -> memref<10240x128xf32, #tpu.memory_space<vmem_shared>>
        tpu.wait_indirect_dma semaphore(%run_scoped3A : memref<!tpu.dma_semaphore, #tpu.memory_space<semaphore_mem>>) src(%dma_wait3A_326 : memref<128x128xf32, #tpu.memory_space<vmem>>) dst(%dma_wait3A_332 : memref<10240x128xf32, #tpu.memory_space<vmem_shared>>)
        tpu.yield
      }) : () -> ()
      %scan3A_312 = arith.constant 0 : i32
      scf.yield %scan3A_312 : i32
    }
    %scan3A_265 = arith.constant 80 : i32
    %barrier3A_266 = arith.constant 0 : index
    tpu.barrier barrier_id(%barrier3A_266)
    %add3A_267 = arith.constant 0 : i32
    %add3A_268 = arith.addi %mul3A_4, %add3A_267 : i32
    %add3A_269 = arith.constant 0 : i32
    %add3A_270 = arith.addi %mul3A_4, %add3A_269 : i32
    "tpu.region"() ({
      %run_scoped3A = tpu.sem_alloc : memref<!tpu.dma_semaphore, #tpu.memory_space<semaphore_mem>>
      %dma_start3A_287 = arith.constant 0 : i32
      %dma_start3A_288 = tpu.memref_slice %arg5[%arg0, %add3A_270, %dma_start3A_287] : memref<2x10240x128xf32, #tpu.memory_space<hbm>> -> memref<1x128x128xf32, #tpu.memory_space<hbm>>
      %dma_start3A_289 = tpu.memref_squeeze %dma_start3A_288 : memref<1x128x128xf32, #tpu.memory_space<hbm>> -> memref<128x128xf32, #tpu.memory_space<hbm>>
      %dma_start3A_290 = arith.constant 0 : i32
      %dma_start3A_291 = tpu.memref_slice %arg10[%add3A_268, %dma_start3A_290] : memref<10240x128xf32, #tpu.memory_space<vmem_shared>> -> memref<128x128xf32, #tpu.memory_space<vmem_shared>>
      tpu.enqueue_dma source(%dma_start3A_291 : memref<128x128xf32, #tpu.memory_space<vmem_shared>>) target(%dma_start3A_289 : memref<128x128xf32, #tpu.memory_space<hbm>>) target_semaphore(%run_scoped3A : memref<!tpu.dma_semaphore, #tpu.memory_space<semaphore_mem>>)
      %dma_wait3A_292 = arith.constant 0 : i32
      %dma_wait3A_293 = tpu.memref_slice %arg5[%arg0, %add3A_270, %dma_wait3A_292] : memref<2x10240x128xf32, #tpu.memory_space<hbm>> -> memref<1x128x128xf32, #tpu.memory_space<hbm>>
      %dma_wait3A_294 = tpu.memref_squeeze %dma_wait3A_293 : memref<1x128x128xf32, #tpu.memory_space<hbm>> -> memref<128x128xf32, #tpu.memory_space<hbm>>
      %dma_wait3A_295 = arith.constant 0 : i32
      %dma_wait3A_296 = tpu.memref_slice %arg10[%add3A_268, %dma_wait3A_295] : memref<10240x128xf32, #tpu.memory_space<vmem_shared>> -> memref<128x128xf32, #tpu.memory_space<vmem_shared>>
      tpu.wait_dma2 semaphore(%run_scoped3A : memref<!tpu.dma_semaphore, #tpu.memory_space<semaphore_mem>>) src(%dma_wait3A_296 : memref<128x128xf32, #tpu.memory_space<vmem_shared>>) dst(%dma_wait3A_294 : memref<128x128xf32, #tpu.memory_space<hbm>>)
      tpu.yield
    }) : () -> ()
    %add3A_271 = arith.constant 128 : i32
    %add3A_272 = arith.addi %mul3A_4, %add3A_271 : i32
    %add3A_273 = arith.constant 128 : i32
    %add3A_274 = arith.addi %mul3A_4, %add3A_273 : i32
    "tpu.region"() ({
      %run_scoped3A = tpu.sem_alloc : memref<!tpu.dma_semaphore, #tpu.memory_space<semaphore_mem>>
      %dma_start3A_287 = arith.constant 0 : i32
      %dma_start3A_288 = tpu.memref_slice %arg5[%arg0, %add3A_274, %dma_start3A_287] : memref<2x10240x128xf32, #tpu.memory_space<hbm>> -> memref<1x128x128xf32, #tpu.memory_space<hbm>>
      %dma_start3A_289 = tpu.memref_squeeze %dma_start3A_288 : memref<1x128x128xf32, #tpu.memory_space<hbm>> -> memref<128x128xf32, #tpu.memory_space<hbm>>
      %dma_start3A_290 = arith.constant 0 : i32
      %dma_start3A_291 = tpu.memref_slice %arg10[%add3A_272, %dma_start3A_290] : memref<10240x128xf32, #tpu.memory_space<vmem_shared>> -> memref<128x128xf32, #tpu.memory_space<vmem_shared>>
      tpu.enqueue_dma source(%dma_start3A_291 : memref<128x128xf32, #tpu.memory_space<vmem_shared>>) target(%dma_start3A_289 : memref<128x128xf32, #tpu.memory_space<hbm>>) target_semaphore(%run_scoped3A : memref<!tpu.dma_semaphore, #tpu.memory_space<semaphore_mem>>)
      %dma_wait3A_292 = arith.constant 0 : i32
      %dma_wait3A_293 = tpu.memref_slice %arg5[%arg0, %add3A_274, %dma_wait3A_292] : memref<2x10240x128xf32, #tpu.memory_space<hbm>> -> memref<1x128x128xf32, #tpu.memory_space<hbm>>
      %dma_wait3A_294 = tpu.memref_squeeze %dma_wait3A_293 : memref<1x128x128xf32, #tpu.memory_space<hbm>> -> memref<128x128xf32, #tpu.memory_space<hbm>>
      %dma_wait3A_295 = arith.constant 0 : i32
      %dma_wait3A_296 = tpu.memref_slice %arg10[%add3A_272, %dma_wait3A_295] : memref<10240x128xf32, #tpu.memory_space<vmem_shared>> -> memref<128x128xf32, #tpu.memory_space<vmem_shared>>
      tpu.wait_dma2 semaphore(%run_scoped3A : memref<!tpu.dma_semaphore, #tpu.memory_space<semaphore_mem>>) src(%dma_wait3A_296 : memref<128x128xf32, #tpu.memory_space<vmem_shared>>) dst(%dma_wait3A_294 : memref<128x128xf32, #tpu.memory_space<hbm>>)
      tpu.yield
    }) : () -> ()
    %add3A_275 = arith.constant 256 : i32
    %add3A_276 = arith.addi %mul3A_4, %add3A_275 : i32
    %add3A_277 = arith.constant 256 : i32
    %add3A_278 = arith.addi %mul3A_4, %add3A_277 : i32
    "tpu.region"() ({
      %run_scoped3A = tpu.sem_alloc : memref<!tpu.dma_semaphore, #tpu.memory_space<semaphore_mem>>
      %dma_start3A_287 = arith.constant 0 : i32
      %dma_start3A_288 = tpu.memref_slice %arg5[%arg0, %add3A_278, %dma_start3A_287] : memref<2x10240x128xf32, #tpu.memory_space<hbm>> -> memref<1x128x128xf32, #tpu.memory_space<hbm>>
      %dma_start3A_289 = tpu.memref_squeeze %dma_start3A_288 : memref<1x128x128xf32, #tpu.memory_space<hbm>> -> memref<128x128xf32, #tpu.memory_space<hbm>>
      %dma_start3A_290 = arith.constant 0 : i32
      %dma_start3A_291 = tpu.memref_slice %arg10[%add3A_276, %dma_start3A_290] : memref<10240x128xf32, #tpu.memory_space<vmem_shared>> -> memref<128x128xf32, #tpu.memory_space<vmem_shared>>
      tpu.enqueue_dma source(%dma_start3A_291 : memref<128x128xf32, #tpu.memory_space<vmem_shared>>) target(%dma_start3A_289 : memref<128x128xf32, #tpu.memory_space<hbm>>) target_semaphore(%run_scoped3A : memref<!tpu.dma_semaphore, #tpu.memory_space<semaphore_mem>>)
      %dma_wait3A_292 = arith.constant 0 : i32
      %dma_wait3A_293 = tpu.memref_slice %arg5[%arg0, %add3A_278, %dma_wait3A_292] : memref<2x10240x128xf32, #tpu.memory_space<hbm>> -> memref<1x128x128xf32, #tpu.memory_space<hbm>>
      %dma_wait3A_294 = tpu.memref_squeeze %dma_wait3A_293 : memref<1x128x128xf32, #tpu.memory_space<hbm>> -> memref<128x128xf32, #tpu.memory_space<hbm>>
      %dma_wait3A_295 = arith.constant 0 : i32
      %dma_wait3A_296 = tpu.memref_slice %arg10[%add3A_276, %dma_wait3A_295] : memref<10240x128xf32, #tpu.memory_space<vmem_shared>> -> memref<128x128xf32, #tpu.memory_space<vmem_shared>>
      tpu.wait_dma2 semaphore(%run_scoped3A : memref<!tpu.dma_semaphore, #tpu.memory_space<semaphore_mem>>) src(%dma_wait3A_296 : memref<128x128xf32, #tpu.memory_space<vmem_shared>>) dst(%dma_wait3A_294 : memref<128x128xf32, #tpu.memory_space<hbm>>)
      tpu.yield
    }) : () -> ()
    %add3A_279 = arith.constant 384 : i32
    %add3A_280 = arith.addi %mul3A_4, %add3A_279 : i32
    %add3A_281 = arith.constant 384 : i32
    %add3A_282 = arith.addi %mul3A_4, %add3A_281 : i32
    "tpu.region"() ({
      %run_scoped3A = tpu.sem_alloc : memref<!tpu.dma_semaphore, #tpu.memory_space<semaphore_mem>>
      %dma_start3A_287 = arith.constant 0 : i32
      %dma_start3A_288 = tpu.memref_slice %arg5[%arg0, %add3A_282, %dma_start3A_287] : memref<2x10240x128xf32, #tpu.memory_space<hbm>> -> memref<1x128x128xf32, #tpu.memory_space<hbm>>
      %dma_start3A_289 = tpu.memref_squeeze %dma_start3A_288 : memref<1x128x128xf32, #tpu.memory_space<hbm>> -> memref<128x128xf32, #tpu.memory_space<hbm>>
      %dma_start3A_290 = arith.constant 0 : i32
      %dma_start3A_291 = tpu.memref_slice %arg10[%add3A_280, %dma_start3A_290] : memref<10240x128xf32, #tpu.memory_space<vmem_shared>> -> memref<128x128xf32, #tpu.memory_space<vmem_shared>>
      tpu.enqueue_dma source(%dma_start3A_291 : memref<128x128xf32, #tpu.memory_space<vmem_shared>>) target(%dma_start3A_289 : memref<128x128xf32, #tpu.memory_space<hbm>>) target_semaphore(%run_scoped3A : memref<!tpu.dma_semaphore, #tpu.memory_space<semaphore_mem>>)
      %dma_wait3A_292 = arith.constant 0 : i32
      %dma_wait3A_293 = tpu.memref_slice %arg5[%arg0, %add3A_282, %dma_wait3A_292] : memref<2x10240x128xf32, #tpu.memory_space<hbm>> -> memref<1x128x128xf32, #tpu.memory_space<hbm>>
      %dma_wait3A_294 = tpu.memref_squeeze %dma_wait3A_293 : memref<1x128x128xf32, #tpu.memory_space<hbm>> -> memref<128x128xf32, #tpu.memory_space<hbm>>
      %dma_wait3A_295 = arith.constant 0 : i32
      %dma_wait3A_296 = tpu.memref_slice %arg10[%add3A_280, %dma_wait3A_295] : memref<10240x128xf32, #tpu.memory_space<vmem_shared>> -> memref<128x128xf32, #tpu.memory_space<vmem_shared>>
      tpu.wait_dma2 semaphore(%run_scoped3A : memref<!tpu.dma_semaphore, #tpu.memory_space<semaphore_mem>>) src(%dma_wait3A_296 : memref<128x128xf32, #tpu.memory_space<vmem_shared>>) dst(%dma_wait3A_294 : memref<128x128xf32, #tpu.memory_space<hbm>>)
      tpu.yield
    }) : () -> ()
    %add3A_283 = arith.constant 512 : i32
    %add3A_284 = arith.addi %mul3A_4, %add3A_283 : i32
    %add3A_285 = arith.constant 512 : i32
    %add3A_286 = arith.addi %mul3A_4, %add3A_285 : i32
    "tpu.region"() ({
      %run_scoped3A = tpu.sem_alloc : memref<!tpu.dma_semaphore, #tpu.memory_space<semaphore_mem>>
      %dma_start3A_287 = arith.constant 0 : i32
      %dma_start3A_288 = tpu.memref_slice %arg5[%arg0, %add3A_286, %dma_start3A_287] : memref<2x10240x128xf32, #tpu.memory_space<hbm>> -> memref<1x128x128xf32, #tpu.memory_space<hbm>>
      %dma_start3A_289 = tpu.memref_squeeze %dma_start3A_288 : memref<1x128x128xf32, #tpu.memory_space<hbm>> -> memref<128x128xf32, #tpu.memory_space<hbm>>
      %dma_start3A_290 = arith.constant 0 : i32
      %dma_start3A_291 = tpu.memref_slice %arg10[%add3A_284, %dma_start3A_290] : memref<10240x128xf32, #tpu.memory_space<vmem_shared>> -> memref<128x128xf32, #tpu.memory_space<vmem_shared>>
      tpu.enqueue_dma source(%dma_start3A_291 : memref<128x128xf32, #tpu.memory_space<vmem_shared>>) target(%dma_start3A_289 : memref<128x128xf32, #tpu.memory_space<hbm>>) target_semaphore(%run_scoped3A : memref<!tpu.dma_semaphore, #tpu.memory_space<semaphore_mem>>)
      %dma_wait3A_292 = arith.constant 0 : i32
      %dma_wait3A_293 = tpu.memref_slice %arg5[%arg0, %add3A_286, %dma_wait3A_292] : memref<2x10240x128xf32, #tpu.memory_space<hbm>> -> memref<1x128x128xf32, #tpu.memory_space<hbm>>
      %dma_wait3A_294 = tpu.memref_squeeze %dma_wait3A_293 : memref<1x128x128xf32, #tpu.memory_space<hbm>> -> memref<128x128xf32, #tpu.memory_space<hbm>>
      %dma_wait3A_295 = arith.constant 0 : i32
      %dma_wait3A_296 = tpu.memref_slice %arg10[%add3A_284, %dma_wait3A_295] : memref<10240x128xf32, #tpu.memory_space<vmem_shared>> -> memref<128x128xf32, #tpu.memory_space<vmem_shared>>
      tpu.wait_dma2 semaphore(%run_scoped3A : memref<!tpu.dma_semaphore, #tpu.memory_space<semaphore_mem>>) src(%dma_wait3A_296 : memref<128x128xf32, #tpu.memory_space<vmem_shared>>) dst(%dma_wait3A_294 : memref<128x128xf32, #tpu.memory_space<hbm>>)
      tpu.yield
    }) : () -> ()
    return
  }
}

#map = affine_map<(d0, d1) -> (0, 0)>
#map1 = affine_map<(d0, d1) -> (0)>
#map2 = affine_map<(d0, d1) -> (0, 0, 0)>
module attributes {stable_mosaic.version = 14 : i64} {
  func.func @_sc_scatter(%arg0: i32, %arg1: i32, %arg2: memref<20000x128xf32, #tpu.memory_space<hbm>>, %arg3: memref<327680xi32, #tpu.memory_space<hbm>>, %arg4: memref<128x128xf32, #tpu.memory_space<hbm>>, %arg5: memref<2x10240x128xf32, #tpu.memory_space<hbm>>, %arg6: memref<3x128xi32, #tpu.memory_space<vmem>>, %arg7: memref<2x128xi32, #tpu.memory_space<vmem>>, %arg8: memref<2x128xi32, #tpu.memory_space<vmem>>, %arg9: memref<2x128x128xf32, #tpu.memory_space<vmem>>, %arg10: memref<10240x128xf32, #tpu.memory_space<vmem_shared>>, %arg11: memref<!tpu.dma_semaphore, #tpu.memory_space<semaphore_mem>>, %arg12: memref<!tpu.dma_semaphore, #tpu.memory_space<semaphore_mem>>) attributes {dimension_semantics = [#tpu.dimension_semantics<core_parallel>, #tpu.dimension_semantics<subcore_parallel>], iteration_bounds = array<i64: 2, 16>, scalar_prefetch = 0 : i64, scratch_operands = 7 : i64, tpu.core_type = #tpu.core_type<sc_vector_subcore>, window_params = [{transform_indices = #map}, {transform_indices = #map1}, {transform_indices = #map}, {transform_indices = #map2}]} {
    %mul3A = arith.constant 2 : i32
    %mul3A_0 = arith.muli %arg1, %mul3A : i32
    %add3A = arith.addi %mul3A_0, %arg0 : i32
    %mul3A_1 = arith.constant 80 : i32
    %mul3A_2 = arith.muli %add3A, %mul3A_1 : i32
    %mul3A_3 = arith.constant 640 : i32
    %mul3A_4 = arith.muli %arg1, %mul3A_3 : i32
    %add3A_5 = arith.constant 0 : i32
    %add3A_6 = arith.addi %mul3A_4, %add3A_5 : i32
    "tpu.region"() ({
      %run_scoped3A = tpu.sem_alloc : memref<!tpu.dma_semaphore, #tpu.memory_space<semaphore_mem>>
      %dma_start3A_287 = arith.constant 0 : i32
      %dma_start3A_288 = tpu.memref_slice %arg10[%add3A_6, %dma_start3A_287] : memref<10240x128xf32, #tpu.memory_space<vmem_shared>> -> memref<128x128xf32, #tpu.memory_space<vmem_shared>>
      tpu.enqueue_dma source(%arg4 : memref<128x128xf32, #tpu.memory_space<hbm>>) target(%dma_start3A_288 : memref<128x128xf32, #tpu.memory_space<vmem_shared>>) target_semaphore(%run_scoped3A : memref<!tpu.dma_semaphore, #tpu.memory_space<semaphore_mem>>)
      %dma_wait3A_289 = arith.constant 0 : i32
      %dma_wait3A_290 = tpu.memref_slice %arg10[%add3A_6, %dma_wait3A_289] : memref<10240x128xf32, #tpu.memory_space<vmem_shared>> -> memref<128x128xf32, #tpu.memory_space<vmem_shared>>
      tpu.wait_dma2 semaphore(%run_scoped3A : memref<!tpu.dma_semaphore, #tpu.memory_space<semaphore_mem>>) src(%arg4 : memref<128x128xf32, #tpu.memory_space<hbm>>) dst(%dma_wait3A_290 : memref<128x128xf32, #tpu.memory_space<vmem_shared>>)
      tpu.yield
    }) : () -> ()
    %add3A_7 = arith.constant 128 : i32
    %add3A_8 = arith.addi %mul3A_4, %add3A_7 : i32
    "tpu.region"() ({
      %run_scoped3A = tpu.sem_alloc : memref<!tpu.dma_semaphore, #tpu.memory_space<semaphore_mem>>
      %dma_start3A_287 = arith.constant 0 : i32
      %dma_start3A_288 = tpu.memref_slice %arg10[%add3A_8, %dma_start3A_287] : memref<10240x128xf32, #tpu.memory_space<vmem_shared>> -> memref<128x128xf32, #tpu.memory_space<vmem_shared>>
      tpu.enqueue_dma source(%arg4 : memref<128x128xf32, #tpu.memory_space<hbm>>) target(%dma_start3A_288 : memref<128x128xf32, #tpu.memory_space<vmem_shared>>) target_semaphore(%run_scoped3A : memref<!tpu.dma_semaphore, #tpu.memory_space<semaphore_mem>>)
      %dma_wait3A_289 = arith.constant 0 : i32
      %dma_wait3A_290 = tpu.memref_slice %arg10[%add3A_8, %dma_wait3A_289] : memref<10240x128xf32, #tpu.memory_space<vmem_shared>> -> memref<128x128xf32, #tpu.memory_space<vmem_shared>>
      tpu.wait_dma2 semaphore(%run_scoped3A : memref<!tpu.dma_semaphore, #tpu.memory_space<semaphore_mem>>) src(%arg4 : memref<128x128xf32, #tpu.memory_space<hbm>>) dst(%dma_wait3A_290 : memref<128x128xf32, #tpu.memory_space<vmem_shared>>)
      tpu.yield
    }) : () -> ()
    %add3A_9 = arith.constant 256 : i32
    %add3A_10 = arith.addi %mul3A_4, %add3A_9 : i32
    "tpu.region"() ({
      %run_scoped3A = tpu.sem_alloc : memref<!tpu.dma_semaphore, #tpu.memory_space<semaphore_mem>>
      %dma_start3A_287 = arith.constant 0 : i32
      %dma_start3A_288 = tpu.memref_slice %arg10[%add3A_10, %dma_start3A_287] : memref<10240x128xf32, #tpu.memory_space<vmem_shared>> -> memref<128x128xf32, #tpu.memory_space<vmem_shared>>
      tpu.enqueue_dma source(%arg4 : memref<128x128xf32, #tpu.memory_space<hbm>>) target(%dma_start3A_288 : memref<128x128xf32, #tpu.memory_space<vmem_shared>>) target_semaphore(%run_scoped3A : memref<!tpu.dma_semaphore, #tpu.memory_space<semaphore_mem>>)
      %dma_wait3A_289 = arith.constant 0 : i32
      %dma_wait3A_290 = tpu.memref_slice %arg10[%add3A_10, %dma_wait3A_289] : memref<10240x128xf32, #tpu.memory_space<vmem_shared>> -> memref<128x128xf32, #tpu.memory_space<vmem_shared>>
      tpu.wait_dma2 semaphore(%run_scoped3A : memref<!tpu.dma_semaphore, #tpu.memory_space<semaphore_mem>>) src(%arg4 : memref<128x128xf32, #tpu.memory_space<hbm>>) dst(%dma_wait3A_290 : memref<128x128xf32, #tpu.memory_space<vmem_shared>>)
      tpu.yield
    }) : () -> ()
    %add3A_11 = arith.constant 384 : i32
    %add3A_12 = arith.addi %mul3A_4, %add3A_11 : i32
    "tpu.region"() ({
      %run_scoped3A = tpu.sem_alloc : memref<!tpu.dma_semaphore, #tpu.memory_space<semaphore_mem>>
      %dma_start3A_287 = arith.constant 0 : i32
      %dma_start3A_288 = tpu.memref_slice %arg10[%add3A_12, %dma_start3A_287] : memref<10240x128xf32, #tpu.memory_space<vmem_shared>> -> memref<128x128xf32, #tpu.memory_space<vmem_shared>>
      tpu.enqueue_dma source(%arg4 : memref<128x128xf32, #tpu.memory_space<hbm>>) target(%dma_start3A_288 : memref<128x128xf32, #tpu.memory_space<vmem_shared>>) target_semaphore(%run_scoped3A : memref<!tpu.dma_semaphore, #tpu.memory_space<semaphore_mem>>)
      %dma_wait3A_289 = arith.constant 0 : i32
      %dma_wait3A_290 = tpu.memref_slice %arg10[%add3A_12, %dma_wait3A_289] : memref<10240x128xf32, #tpu.memory_space<vmem_shared>> -> memref<128x128xf32, #tpu.memory_space<vmem_shared>>
      tpu.wait_dma2 semaphore(%run_scoped3A : memref<!tpu.dma_semaphore, #tpu.memory_space<semaphore_mem>>) src(%arg4 : memref<128x128xf32, #tpu.memory_space<hbm>>) dst(%dma_wait3A_290 : memref<128x128xf32, #tpu.memory_space<vmem_shared>>)
      tpu.yield
    }) : () -> ()
    %add3A_13 = arith.constant 512 : i32
    %add3A_14 = arith.addi %mul3A_4, %add3A_13 : i32
    "tpu.region"() ({
      %run_scoped3A = tpu.sem_alloc : memref<!tpu.dma_semaphore, #tpu.memory_space<semaphore_mem>>
      %dma_start3A_287 = arith.constant 0 : i32
      %dma_start3A_288 = tpu.memref_slice %arg10[%add3A_14, %dma_start3A_287] : memref<10240x128xf32, #tpu.memory_space<vmem_shared>> -> memref<128x128xf32, #tpu.memory_space<vmem_shared>>
      tpu.enqueue_dma source(%arg4 : memref<128x128xf32, #tpu.memory_space<hbm>>) target(%dma_start3A_288 : memref<128x128xf32, #tpu.memory_space<vmem_shared>>) target_semaphore(%run_scoped3A : memref<!tpu.dma_semaphore, #tpu.memory_space<semaphore_mem>>)
      %dma_wait3A_289 = arith.constant 0 : i32
      %dma_wait3A_290 = tpu.memref_slice %arg10[%add3A_14, %dma_wait3A_289] : memref<10240x128xf32, #tpu.memory_space<vmem_shared>> -> memref<128x128xf32, #tpu.memory_space<vmem_shared>>
      tpu.wait_dma2 semaphore(%run_scoped3A : memref<!tpu.dma_semaphore, #tpu.memory_space<semaphore_mem>>) src(%arg4 : memref<128x128xf32, #tpu.memory_space<hbm>>) dst(%dma_wait3A_290 : memref<128x128xf32, #tpu.memory_space<vmem_shared>>)
      tpu.yield
    }) : () -> ()
    %barrier3A = arith.constant 0 : index
    tpu.barrier barrier_id(%barrier3A)
    %rem3A = arith.constant 2 : i32
    %rem3A_15 = arith.remsi %add3A, %rem3A : i32
    %mul3A_16 = arith.constant 10000 : i32
    %mul3A_17 = arith.muli %rem3A_15, %mul3A_16 : i32
    %add3A_18 = arith.constant 0 : i32
    %add3A_19 = arith.addi %mul3A_2, %add3A_18 : i32
    %mul3A_20 = arith.constant 128 : i32
    %mul3A_21 = arith.muli %add3A_19, %mul3A_20 : i32
    %rem3A_22 = arith.constant 0 : i32
    %rem3A_23 = arith.constant 3 : i32
    %rem3A_24 = arith.remsi %rem3A_22, %rem3A_23 : i32
    %dma_start3A = arith.constant 0 : i32
    %dma_start3A_25 = tpu.memref_slice %arg6[%rem3A_24, %dma_start3A] : memref<3x128xi32, #tpu.memory_space<vmem>> -> memref<1x128xi32, #tpu.memory_space<vmem>>
    %dma_start3A_26 = tpu.memref_squeeze %dma_start3A_25 : memref<1x128xi32, #tpu.memory_space<vmem>> -> memref<128xi32, #tpu.memory_space<vmem>>
    %dma_start3A_27 = tpu.memref_slice %arg3[%mul3A_21] : memref<327680xi32, #tpu.memory_space<hbm>> -> memref<128xi32, #tpu.memory_space<hbm>>
    %dma_start3A_28 = arith.constant 0 : i32
    %dma_start3A_29 = tpu.memref_slice %arg6[%rem3A_24, %dma_start3A_28] : memref<3x128xi32, #tpu.memory_space<vmem>> -> memref<1x128xi32, #tpu.memory_space<vmem>>
    %dma_start3A_30 = tpu.memref_squeeze %dma_start3A_29 : memref<1x128xi32, #tpu.memory_space<vmem>> -> memref<128xi32, #tpu.memory_space<vmem>>
    %dma_start3A_31 = tpu.memref_slice %arg3[%mul3A_21] : memref<327680xi32, #tpu.memory_space<hbm>> -> memref<128xi32, #tpu.memory_space<hbm>>
    tpu.enqueue_dma source(%dma_start3A_31 : memref<128xi32, #tpu.memory_space<hbm>>) target(%dma_start3A_30 : memref<128xi32, #tpu.memory_space<vmem>>) target_semaphore(%arg12 : memref<!tpu.dma_semaphore, #tpu.memory_space<semaphore_mem>>)
    %add3A_32 = arith.constant 1 : i32
    %add3A_33 = arith.addi %mul3A_2, %add3A_32 : i32
    %mul3A_34 = arith.constant 128 : i32
    %mul3A_35 = arith.muli %add3A_33, %mul3A_34 : i32
    %rem3A_36 = arith.constant 1 : i32
    %rem3A_37 = arith.constant 3 : i32
    %rem3A_38 = arith.remsi %rem3A_36, %rem3A_37 : i32
    %dma_start3A_39 = arith.constant 0 : i32
    %dma_start3A_40 = tpu.memref_slice %arg6[%rem3A_38, %dma_start3A_39] : memref<3x128xi32, #tpu.memory_space<vmem>> -> memref<1x128xi32, #tpu.memory_space<vmem>>
    %dma_start3A_41 = tpu.memref_squeeze %dma_start3A_40 : memref<1x128xi32, #tpu.memory_space<vmem>> -> memref<128xi32, #tpu.memory_space<vmem>>
    %dma_start3A_42 = tpu.memref_slice %arg3[%mul3A_35] : memref<327680xi32, #tpu.memory_space<hbm>> -> memref<128xi32, #tpu.memory_space<hbm>>
    %dma_start3A_43 = arith.constant 0 : i32
    %dma_start3A_44 = tpu.memref_slice %arg6[%rem3A_38, %dma_start3A_43] : memref<3x128xi32, #tpu.memory_space<vmem>> -> memref<1x128xi32, #tpu.memory_space<vmem>>
    %dma_start3A_45 = tpu.memref_squeeze %dma_start3A_44 : memref<1x128xi32, #tpu.memory_space<vmem>> -> memref<128xi32, #tpu.memory_space<vmem>>
    %dma_start3A_46 = tpu.memref_slice %arg3[%mul3A_35] : memref<327680xi32, #tpu.memory_space<hbm>> -> memref<128xi32, #tpu.memory_space<hbm>>
    tpu.enqueue_dma source(%dma_start3A_46 : memref<128xi32, #tpu.memory_space<hbm>>) target(%dma_start3A_45 : memref<128xi32, #tpu.memory_space<vmem>>) target_semaphore(%arg12 : memref<!tpu.dma_semaphore, #tpu.memory_space<semaphore_mem>>)
    %dma_wait3A = arith.constant 0 : i32
    %dma_wait3A_47 = arith.constant 0 : i32
    %dma_wait3A_48 = tpu.memref_slice %arg6[%dma_wait3A, %dma_wait3A_47] : memref<3x128xi32, #tpu.memory_space<vmem>> -> memref<1x128xi32, #tpu.memory_space<vmem>>
    %dma_wait3A_49 = tpu.memref_squeeze %dma_wait3A_48 : memref<1x128xi32, #tpu.memory_space<vmem>> -> memref<128xi32, #tpu.memory_space<vmem>>
    %dma_wait3A_50 = arith.constant 0 : i32
    %dma_wait3A_51 = tpu.memref_slice %arg3[%dma_wait3A_50] : memref<327680xi32, #tpu.memory_space<hbm>> -> memref<128xi32, #tpu.memory_space<hbm>>
    %dma_wait3A_52 = arith.constant 0 : i32
    %dma_wait3A_53 = tpu.memref_slice %arg6[%dma_wait3A, %dma_wait3A_52] : memref<3x128xi32, #tpu.memory_space<vmem>> -> memref<1x128xi32, #tpu.memory_space<vmem>>
    %dma_wait3A_54 = tpu.memref_squeeze %dma_wait3A_53 : memref<1x128xi32, #tpu.memory_space<vmem>> -> memref<128xi32, #tpu.memory_space<vmem>>
    %dma_wait3A_55 = arith.constant 0 : i32
    %dma_wait3A_56 = tpu.memref_slice %arg3[%dma_wait3A_55] : memref<327680xi32, #tpu.memory_space<hbm>> -> memref<128xi32, #tpu.memory_space<hbm>>
    tpu.wait_dma2 semaphore(%arg12 : memref<!tpu.dma_semaphore, #tpu.memory_space<semaphore_mem>>) src(%dma_wait3A_56 : memref<128xi32, #tpu.memory_space<hbm>>) dst(%dma_wait3A_54 : memref<128xi32, #tpu.memory_space<vmem>>)
    %rem3A_57 = arith.constant 0 : i32
    %rem3A_58 = arith.constant 3 : i32
    %rem3A_59 = arith.remsi %rem3A_57, %rem3A_58 : i32
    %get3A = arith.index_cast %rem3A_59 : i32 to index
    %get3A_60 = arith.constant 0 : index
    %get3A_61 = tpu.vector_load %arg6[%get3A, %get3A_60] {strides = array<i32>} : memref<3x128xi32, #tpu.memory_space<vmem>>, vector<1x16xi32>,
    %get3A_62 = vector.shape_cast %get3A_61 : vector<1x16xi32> to vector<16xi32>
    %and3A = arith.constant 65535 : i32
    %and3A_63 = vector.broadcast %and3A : i32 to vector<16xi32>
    %and3A_64 = arith.andi %get3A_62, %and3A_63 : vector<16xi32>
    %add3A_65 = vector.broadcast %mul3A_17 : i32 to vector<16xi32>
    %add3A_66 = arith.addi %and3A_64, %add3A_65 : vector<16xi32>
    %swap3A = arith.constant 0 : i32
    %swap3A_67 = arith.index_cast %swap3A : i32 to index
    %swap3A_68 = arith.constant 0 : index
    %swap3A_69 = tpu.vector_load %arg7[%swap3A_67, %swap3A_68] {strides = array<i32>} : memref<2x128xi32, #tpu.memory_space<vmem>>, vector<1x16xi32>,
    %swap3A_70 = vector.shape_cast %swap3A_69 : vector<1x16xi32> to vector<16xi32>
    %swap3A_71 = vector.shape_cast %add3A_66 : vector<16xi32> to vector<1x16xi32>
    tpu.vector_store %arg7[%swap3A_67, %swap3A_68], %swap3A_71 {strides = array<i32>} : memref<2x128xi32, #tpu.memory_space<vmem>>, vector<1x16xi32>,
    %shift_right_arithmetic3A = arith.constant 16 : i32
    %shift_right_arithmetic3A_72 = vector.broadcast %shift_right_arithmetic3A : i32 to vector<16xi32>
    %shift_right_arithmetic3A_73 = arith.shrsi %get3A_62, %shift_right_arithmetic3A_72 : vector<16xi32>
    %swap3A_74 = arith.constant 0 : i32
    %swap3A_75 = arith.index_cast %swap3A_74 : i32 to index
    %swap3A_76 = arith.constant 0 : index
    %swap3A_77 = tpu.vector_load %arg8[%swap3A_75, %swap3A_76] {strides = array<i32>} : memref<2x128xi32, #tpu.memory_space<vmem>>, vector<1x16xi32>,
    %swap3A_78 = vector.shape_cast %swap3A_77 : vector<1x16xi32> to vector<16xi32>
    %swap3A_79 = vector.shape_cast %shift_right_arithmetic3A_73 : vector<16xi32> to vector<1x16xi32>
    tpu.vector_store %arg8[%swap3A_75, %swap3A_76], %swap3A_79 {strides = array<i32>} : memref<2x128xi32, #tpu.memory_space<vmem>>, vector<1x16xi32>,
    %get3A_80 = arith.index_cast %rem3A_59 : i32 to index
    %get3A_81 = arith.constant 16 : index
    %get3A_82 = tpu.vector_load %arg6[%get3A_80, %get3A_81] {strides = array<i32>} : memref<3x128xi32, #tpu.memory_space<vmem>>, vector<1x16xi32>,
    %get3A_83 = vector.shape_cast %get3A_82 : vector<1x16xi32> to vector<16xi32>
    %and3A_84 = arith.constant 65535 : i32
    %and3A_85 = vector.broadcast %and3A_84 : i32 to vector<16xi32>
    %and3A_86 = arith.andi %get3A_83, %and3A_85 : vector<16xi32>
    %add3A_87 = vector.broadcast %mul3A_17 : i32 to vector<16xi32>
    %add3A_88 = arith.addi %and3A_86, %add3A_87 : vector<16xi32>
    %swap3A_89 = arith.constant 0 : i32
    %swap3A_90 = arith.index_cast %swap3A_89 : i32 to index
    %swap3A_91 = arith.constant 16 : index
    %swap3A_92 = tpu.vector_load %arg7[%swap3A_90, %swap3A_91] {strides = array<i32>} : memref<2x128xi32, #tpu.memory_space<vmem>>, vector<1x16xi32>,
    %swap3A_93 = vector.shape_cast %swap3A_92 : vector<1x16xi32> to vector<16xi32>
    %swap3A_94 = vector.shape_cast %add3A_88 : vector<16xi32> to vector<1x16xi32>
    tpu.vector_store %arg7[%swap3A_90, %swap3A_91], %swap3A_94 {strides = array<i32>} : memref<2x128xi32, #tpu.memory_space<vmem>>, vector<1x16xi32>,
    %shift_right_arithmetic3A_95 = arith.constant 16 : i32
    %shift_right_arithmetic3A_96 = vector.broadcast %shift_right_arithmetic3A_95 : i32 to vector<16xi32>
    %shift_right_arithmetic3A_97 = arith.shrsi %get3A_83, %shift_right_arithmetic3A_96 : vector<16xi32>
    %swap3A_98 = arith.constant 0 : i32
    %swap3A_99 = arith.index_cast %swap3A_98 : i32 to index
    %swap3A_100 = arith.constant 16 : index
    %swap3A_101 = tpu.vector_load %arg8[%swap3A_99, %swap3A_100] {strides = array<i32>} : memref<2x128xi32, #tpu.memory_space<vmem>>, vector<1x16xi32>,
    %swap3A_102 = vector.shape_cast %swap3A_101 : vector<1x16xi32> to vector<16xi32>
    %swap3A_103 = vector.shape_cast %shift_right_arithmetic3A_97 : vector<16xi32> to vector<1x16xi32>
    tpu.vector_store %arg8[%swap3A_99, %swap3A_100], %swap3A_103 {strides = array<i32>} : memref<2x128xi32, #tpu.memory_space<vmem>>, vector<1x16xi32>,
    %get3A_104 = arith.index_cast %rem3A_59 : i32 to index
    %get3A_105 = arith.constant 32 : index
    %get3A_106 = tpu.vector_load %arg6[%get3A_104, %get3A_105] {strides = array<i32>} : memref<3x128xi32, #tpu.memory_space<vmem>>, vector<1x16xi32>,
    %get3A_107 = vector.shape_cast %get3A_106 : vector<1x16xi32> to vector<16xi32>
    %and3A_108 = arith.constant 65535 : i32
    %and3A_109 = vector.broadcast %and3A_108 : i32 to vector<16xi32>
    %and3A_110 = arith.andi %get3A_107, %and3A_109 : vector<16xi32>
    %add3A_111 = vector.broadcast %mul3A_17 : i32 to vector<16xi32>
    %add3A_112 = arith.addi %and3A_110, %add3A_111 : vector<16xi32>
    %swap3A_113 = arith.constant 0 : i32
    %swap3A_114 = arith.index_cast %swap3A_113 : i32 to index
    %swap3A_115 = arith.constant 32 : index
    %swap3A_116 = tpu.vector_load %arg7[%swap3A_114, %swap3A_115] {strides = array<i32>} : memref<2x128xi32, #tpu.memory_space<vmem>>, vector<1x16xi32>,
    %swap3A_117 = vector.shape_cast %swap3A_116 : vector<1x16xi32> to vector<16xi32>
    %swap3A_118 = vector.shape_cast %add3A_112 : vector<16xi32> to vector<1x16xi32>
    tpu.vector_store %arg7[%swap3A_114, %swap3A_115], %swap3A_118 {strides = array<i32>} : memref<2x128xi32, #tpu.memory_space<vmem>>, vector<1x16xi32>,
    %shift_right_arithmetic3A_119 = arith.constant 16 : i32
    %shift_right_arithmetic3A_120 = vector.broadcast %shift_right_arithmetic3A_119 : i32 to vector<16xi32>
    %shift_right_arithmetic3A_121 = arith.shrsi %get3A_107, %shift_right_arithmetic3A_120 : vector<16xi32>
    %swap3A_122 = arith.constant 0 : i32
    %swap3A_123 = arith.index_cast %swap3A_122 : i32 to index
    %swap3A_124 = arith.constant 32 : index
    %swap3A_125 = tpu.vector_load %arg8[%swap3A_123, %swap3A_124] {strides = array<i32>} : memref<2x128xi32, #tpu.memory_space<vmem>>, vector<1x16xi32>,
    %swap3A_126 = vector.shape_cast %swap3A_125 : vector<1x16xi32> to vector<16xi32>
    %swap3A_127 = vector.shape_cast %shift_right_arithmetic3A_121 : vector<16xi32> to vector<1x16xi32>
    tpu.vector_store %arg8[%swap3A_123, %swap3A_124], %swap3A_127 {strides = array<i32>} : memref<2x128xi32, #tpu.memory_space<vmem>>, vector<1x16xi32>,
    %get3A_128 = arith.index_cast %rem3A_59 : i32 to index
    %get3A_129 = arith.constant 48 : index
    %get3A_130 = tpu.vector_load %arg6[%get3A_128, %get3A_129] {strides = array<i32>} : memref<3x128xi32, #tpu.memory_space<vmem>>, vector<1x16xi32>,
    %get3A_131 = vector.shape_cast %get3A_130 : vector<1x16xi32> to vector<16xi32>
    %and3A_132 = arith.constant 65535 : i32
    %and3A_133 = vector.broadcast %and3A_132 : i32 to vector<16xi32>
    %and3A_134 = arith.andi %get3A_131, %and3A_133 : vector<16xi32>
    %add3A_135 = vector.broadcast %mul3A_17 : i32 to vector<16xi32>
    %add3A_136 = arith.addi %and3A_134, %add3A_135 : vector<16xi32>
    %swap3A_137 = arith.constant 0 : i32
    %swap3A_138 = arith.index_cast %swap3A_137 : i32 to index
    %swap3A_139 = arith.constant 48 : index
    %swap3A_140 = tpu.vector_load %arg7[%swap3A_138, %swap3A_139] {strides = array<i32>} : memref<2x128xi32, #tpu.memory_space<vmem>>, vector<1x16xi32>,
    %swap3A_141 = vector.shape_cast %swap3A_140 : vector<1x16xi32> to vector<16xi32>
    %swap3A_142 = vector.shape_cast %add3A_136 : vector<16xi32> to vector<1x16xi32>
    tpu.vector_store %arg7[%swap3A_138, %swap3A_139], %swap3A_142 {strides = array<i32>} : memref<2x128xi32, #tpu.memory_space<vmem>>, vector<1x16xi32>,
    %shift_right_arithmetic3A_143 = arith.constant 16 : i32
    %shift_right_arithmetic3A_144 = vector.broadcast %shift_right_arithmetic3A_143 : i32 to vector<16xi32>
    %shift_right_arithmetic3A_145 = arith.shrsi %get3A_131, %shift_right_arithmetic3A_144 : vector<16xi32>
    %swap3A_146 = arith.constant 0 : i32
    %swap3A_147 = arith.index_cast %swap3A_146 : i32 to index
    %swap3A_148 = arith.constant 48 : index
    %swap3A_149 = tpu.vector_load %arg8[%swap3A_147, %swap3A_148] {strides = array<i32>} : memref<2x128xi32, #tpu.memory_space<vmem>>, vector<1x16xi32>,
    %swap3A_150 = vector.shape_cast %swap3A_149 : vector<1x16xi32> to vector<16xi32>
    %swap3A_151 = vector.shape_cast %shift_right_arithmetic3A_145 : vector<16xi32> to vector<1x16xi32>
    tpu.vector_store %arg8[%swap3A_147, %swap3A_148], %swap3A_151 {strides = array<i32>} : memref<2x128xi32, #tpu.memory_space<vmem>>, vector<1x16xi32>,
    %get3A_152 = arith.index_cast %rem3A_59 : i32 to index
    %get3A_153 = arith.constant 64 : index
    %get3A_154 = tpu.vector_load %arg6[%get3A_152, %get3A_153] {strides = array<i32>} : memref<3x128xi32, #tpu.memory_space<vmem>>, vector<1x16xi32>,
    %get3A_155 = vector.shape_cast %get3A_154 : vector<1x16xi32> to vector<16xi32>
    %and3A_156 = arith.constant 65535 : i32
    %and3A_157 = vector.broadcast %and3A_156 : i32 to vector<16xi32>
    %and3A_158 = arith.andi %get3A_155, %and3A_157 : vector<16xi32>
    %add3A_159 = vector.broadcast %mul3A_17 : i32 to vector<16xi32>
    %add3A_160 = arith.addi %and3A_158, %add3A_159 : vector<16xi32>
    %swap3A_161 = arith.constant 0 : i32
    %swap3A_162 = arith.index_cast %swap3A_161 : i32 to index
    %swap3A_163 = arith.constant 64 : index
    %swap3A_164 = tpu.vector_load %arg7[%swap3A_162, %swap3A_163] {strides = array<i32>} : memref<2x128xi32, #tpu.memory_space<vmem>>, vector<1x16xi32>,
    %swap3A_165 = vector.shape_cast %swap3A_164 : vector<1x16xi32> to vector<16xi32>
    %swap3A_166 = vector.shape_cast %add3A_160 : vector<16xi32> to vector<1x16xi32>
    tpu.vector_store %arg7[%swap3A_162, %swap3A_163], %swap3A_166 {strides = array<i32>} : memref<2x128xi32, #tpu.memory_space<vmem>>, vector<1x16xi32>,
    %shift_right_arithmetic3A_167 = arith.constant 16 : i32
    %shift_right_arithmetic3A_168 = vector.broadcast %shift_right_arithmetic3A_167 : i32 to vector<16xi32>
    %shift_right_arithmetic3A_169 = arith.shrsi %get3A_155, %shift_right_arithmetic3A_168 : vector<16xi32>
    %swap3A_170 = arith.constant 0 : i32
    %swap3A_171 = arith.index_cast %swap3A_170 : i32 to index
    %swap3A_172 = arith.constant 64 : index
    %swap3A_173 = tpu.vector_load %arg8[%swap3A_171, %swap3A_172] {strides = array<i32>} : memref<2x128xi32, #tpu.memory_space<vmem>>, vector<1x16xi32>,
    %swap3A_174 = vector.shape_cast %swap3A_173 : vector<1x16xi32> to vector<16xi32>
    %swap3A_175 = vector.shape_cast %shift_right_arithmetic3A_169 : vector<16xi32> to vector<1x16xi32>
    tpu.vector_store %arg8[%swap3A_171, %swap3A_172], %swap3A_175 {strides = array<i32>} : memref<2x128xi32, #tpu.memory_space<vmem>>, vector<1x16xi32>,
    %get3A_176 = arith.index_cast %rem3A_59 : i32 to index
    %get3A_177 = arith.constant 80 : index
    %get3A_178 = tpu.vector_load %arg6[%get3A_176, %get3A_177] {strides = array<i32>} : memref<3x128xi32, #tpu.memory_space<vmem>>, vector<1x16xi32>,
    %get3A_179 = vector.shape_cast %get3A_178 : vector<1x16xi32> to vector<16xi32>
    %and3A_180 = arith.constant 65535 : i32
    %and3A_181 = vector.broadcast %and3A_180 : i32 to vector<16xi32>
    %and3A_182 = arith.andi %get3A_179, %and3A_181 : vector<16xi32>
    %add3A_183 = vector.broadcast %mul3A_17 : i32 to vector<16xi32>
    %add3A_184 = arith.addi %and3A_182, %add3A_183 : vector<16xi32>
    %swap3A_185 = arith.constant 0 : i32
    %swap3A_186 = arith.index_cast %swap3A_185 : i32 to index
    %swap3A_187 = arith.constant 80 : index
    %swap3A_188 = tpu.vector_load %arg7[%swap3A_186, %swap3A_187] {strides = array<i32>} : memref<2x128xi32, #tpu.memory_space<vmem>>, vector<1x16xi32>,
    %swap3A_189 = vector.shape_cast %swap3A_188 : vector<1x16xi32> to vector<16xi32>
    %swap3A_190 = vector.shape_cast %add3A_184 : vector<16xi32> to vector<1x16xi32>
    tpu.vector_store %arg7[%swap3A_186, %swap3A_187], %swap3A_190 {strides = array<i32>} : memref<2x128xi32, #tpu.memory_space<vmem>>, vector<1x16xi32>,
    %shift_right_arithmetic3A_191 = arith.constant 16 : i32
    %shift_right_arithmetic3A_192 = vector.broadcast %shift_right_arithmetic3A_191 : i32 to vector<16xi32>
    %shift_right_arithmetic3A_193 = arith.shrsi %get3A_179, %shift_right_arithmetic3A_192 : vector<16xi32>
    %swap3A_194 = arith.constant 0 : i32
    %swap3A_195 = arith.index_cast %swap3A_194 : i32 to index
    %swap3A_196 = arith.constant 80 : index
    %swap3A_197 = tpu.vector_load %arg8[%swap3A_195, %swap3A_196] {strides = array<i32>} : memref<2x128xi32, #tpu.memory_space<vmem>>, vector<1x16xi32>,
    %swap3A_198 = vector.shape_cast %swap3A_197 : vector<1x16xi32> to vector<16xi32>
    %swap3A_199 = vector.shape_cast %shift_right_arithmetic3A_193 : vector<16xi32> to vector<1x16xi32>
    tpu.vector_store %arg8[%swap3A_195, %swap3A_196], %swap3A_199 {strides = array<i32>} : memref<2x128xi32, #tpu.memory_space<vmem>>, vector<1x16xi32>,
    %get3A_200 = arith.index_cast %rem3A_59 : i32 to index
    %get3A_201 = arith.constant 96 : index
    %get3A_202 = tpu.vector_load %arg6[%get3A_200, %get3A_201] {strides = array<i32>} : memref<3x128xi32, #tpu.memory_space<vmem>>, vector<1x16xi32>,
    %get3A_203 = vector.shape_cast %get3A_202 : vector<1x16xi32> to vector<16xi32>
    %and3A_204 = arith.constant 65535 : i32
    %and3A_205 = vector.broadcast %and3A_204 : i32 to vector<16xi32>
    %and3A_206 = arith.andi %get3A_203, %and3A_205 : vector<16xi32>
    %add3A_207 = vector.broadcast %mul3A_17 : i32 to vector<16xi32>
    %add3A_208 = arith.addi %and3A_206, %add3A_207 : vector<16xi32>
    %swap3A_209 = arith.constant 0 : i32
    %swap3A_210 = arith.index_cast %swap3A_209 : i32 to index
    %swap3A_211 = arith.constant 96 : index
    %swap3A_212 = tpu.vector_load %arg7[%swap3A_210, %swap3A_211] {strides = array<i32>} : memref<2x128xi32, #tpu.memory_space<vmem>>, vector<1x16xi32>,
    %swap3A_213 = vector.shape_cast %swap3A_212 : vector<1x16xi32> to vector<16xi32>
    %swap3A_214 = vector.shape_cast %add3A_208 : vector<16xi32> to vector<1x16xi32>
    tpu.vector_store %arg7[%swap3A_210, %swap3A_211], %swap3A_214 {strides = array<i32>} : memref<2x128xi32, #tpu.memory_space<vmem>>, vector<1x16xi32>,
    %shift_right_arithmetic3A_215 = arith.constant 16 : i32
    %shift_right_arithmetic3A_216 = vector.broadcast %shift_right_arithmetic3A_215 : i32 to vector<16xi32>
    %shift_right_arithmetic3A_217 = arith.shrsi %get3A_203, %shift_right_arithmetic3A_216 : vector<16xi32>
    %swap3A_218 = arith.constant 0 : i32
    %swap3A_219 = arith.index_cast %swap3A_218 : i32 to index
    %swap3A_220 = arith.constant 96 : index
    %swap3A_221 = tpu.vector_load %arg8[%swap3A_219, %swap3A_220] {strides = array<i32>} : memref<2x128xi32, #tpu.memory_space<vmem>>, vector<1x16xi32>,
    %swap3A_222 = vector.shape_cast %swap3A_221 : vector<1x16xi32> to vector<16xi32>
    %swap3A_223 = vector.shape_cast %shift_right_arithmetic3A_217 : vector<16xi32> to vector<1x16xi32>
    tpu.vector_store %arg8[%swap3A_219, %swap3A_220], %swap3A_223 {strides = array<i32>} : memref<2x128xi32, #tpu.memory_space<vmem>>, vector<1x16xi32>,
    %get3A_224 = arith.index_cast %rem3A_59 : i32 to index
    %get3A_225 = arith.constant 112 : index
    %get3A_226 = tpu.vector_load %arg6[%get3A_224, %get3A_225] {strides = array<i32>} : memref<3x128xi32, #tpu.memory_space<vmem>>, vector<1x16xi32>,
    %get3A_227 = vector.shape_cast %get3A_226 : vector<1x16xi32> to vector<16xi32>
    %and3A_228 = arith.constant 65535 : i32
    %and3A_229 = vector.broadcast %and3A_228 : i32 to vector<16xi32>
    %and3A_230 = arith.andi %get3A_227, %and3A_229 : vector<16xi32>
    %add3A_231 = vector.broadcast %mul3A_17 : i32 to vector<16xi32>
    %add3A_232 = arith.addi %and3A_230, %add3A_231 : vector<16xi32>
    %swap3A_233 = arith.constant 0 : i32
    %swap3A_234 = arith.index_cast %swap3A_233 : i32 to index
    %swap3A_235 = arith.constant 112 : index
    %swap3A_236 = tpu.vector_load %arg7[%swap3A_234, %swap3A_235] {strides = array<i32>} : memref<2x128xi32, #tpu.memory_space<vmem>>, vector<1x16xi32>,
    %swap3A_237 = vector.shape_cast %swap3A_236 : vector<1x16xi32> to vector<16xi32>
    %swap3A_238 = vector.shape_cast %add3A_232 : vector<16xi32> to vector<1x16xi32>
    tpu.vector_store %arg7[%swap3A_234, %swap3A_235], %swap3A_238 {strides = array<i32>} : memref<2x128xi32, #tpu.memory_space<vmem>>, vector<1x16xi32>,
    %shift_right_arithmetic3A_239 = arith.constant 16 : i32
    %shift_right_arithmetic3A_240 = vector.broadcast %shift_right_arithmetic3A_239 : i32 to vector<16xi32>
    %shift_right_arithmetic3A_241 = arith.shrsi %get3A_227, %shift_right_arithmetic3A_240 : vector<16xi32>
    %swap3A_242 = arith.constant 0 : i32
    %swap3A_243 = arith.index_cast %swap3A_242 : i32 to index
    %swap3A_244 = arith.constant 112 : index
    %swap3A_245 = tpu.vector_load %arg8[%swap3A_243, %swap3A_244] {strides = array<i32>} : memref<2x128xi32, #tpu.memory_space<vmem>>, vector<1x16xi32>,
    %swap3A_246 = vector.shape_cast %swap3A_245 : vector<1x16xi32> to vector<16xi32>
    %swap3A_247 = vector.shape_cast %shift_right_arithmetic3A_241 : vector<16xi32> to vector<1x16xi32>
    tpu.vector_store %arg8[%swap3A_243, %swap3A_244], %swap3A_247 {strides = array<i32>} : memref<2x128xi32, #tpu.memory_space<vmem>>, vector<1x16xi32>,
    %dma_start3A_248 = arith.constant 0 : i32
    %dma_start3A_249 = arith.constant 0 : i32
    %dma_start3A_250 = arith.constant 0 : i32
    %dma_start3A_251 = arith.constant 0 : i32
    %dma_start3A_252 = tpu.memref_slice %arg9[%dma_start3A_249, %dma_start3A_250, %dma_start3A_251] : memref<2x128x128xf32, #tpu.memory_space<vmem>> -> memref<1x128x128xf32, #tpu.memory_space<vmem>>
    %dma_start3A_253 = tpu.memref_squeeze %dma_start3A_252 : memref<1x128x128xf32, #tpu.memory_space<vmem>> -> memref<128x128xf32, #tpu.memory_space<vmem>>
    %dma_start3A_254 = arith.constant 0 : i32
    %dma_start3A_255 = tpu.memref_slice %arg7[%dma_start3A_248, %dma_start3A_254] : memref<2x128xi32, #tpu.memory_space<vmem>> -> memref<1x128xi32, #tpu.memory_space<vmem>>
    %dma_start3A_256 = tpu.memref_squeeze %dma_start3A_255 : memref<1x128xi32, #tpu.memory_space<vmem>> -> memref<128xi32, #tpu.memory_space<vmem>>
    %dma_start3A_257 = arith.constant 0 : i32
    %dma_start3A_258 = arith.constant 0 : i32
    %dma_start3A_259 = tpu.memref_slice %arg2[%dma_start3A_257, %dma_start3A_258] : memref<20000x128xf32, #tpu.memory_space<hbm>> -> memref<20000x128xf32, #tpu.memory_space<hbm>>
    tpu.enqueue_indirect_dma source(%dma_start3A_259 : memref<20000x128xf32, #tpu.memory_space<hbm>>) target(%dma_start3A_253 : memref<128x128xf32, #tpu.memory_space<vmem>>) offsets(%dma_start3A_256 : memref<128xi32, #tpu.memory_space<vmem>>) semaphore(%arg11 : memref<!tpu.dma_semaphore, #tpu.memory_space<semaphore_mem>>)
    %scan3A = arith.constant 0 : i32
    %scan3A_260 = arith.constant 0 : i32
    %scan3A_261 = arith.constant 80 : i32
    %scan3A_262 = arith.addi %scan3A_260, %scan3A_261 : i32
    %scan3A_263 = arith.constant 1 : i32
    %scan3A_264 = scf.for %scan3A_287 = %scan3A_260 to %scan3A_262 step %scan3A_263 iter_args(%scan3A_288 = %scan3A) -> (i32)  : i32 {
      %add3A_289 = arith.constant 2 : i32
      %add3A_290 = arith.addi %scan3A_287, %add3A_289 : i32
      %lt3A = arith.constant 80 : i32
      %lt3A_291 = arith.cmpi slt, %add3A_290, %lt3A : i32
      %convert_element_type3A = arith.extui %lt3A_291 : i1 to i32
      %cond3A = arith.constant 0 : i32
      %cond3A_292 = arith.cmpi ne, %convert_element_type3A, %cond3A : i32
      scf.if %cond3A_292 {
        %add3A_313 = arith.constant 2 : i32
        %add3A_314 = arith.addi %scan3A_287, %add3A_313 : i32
        %add3A_315 = arith.addi %mul3A_2, %add3A_314 : i32
        %mul3A_316 = arith.constant 128 : i32
        %mul3A_317 = arith.muli %add3A_315, %mul3A_316 : i32
        %rem3A_318 = arith.constant 3 : i32
        %rem3A_319 = arith.remsi %add3A_314, %rem3A_318 : i32
        %dma_start3A_320 = arith.constant 0 : i32
        %dma_start3A_321 = tpu.memref_slice %arg6[%rem3A_319, %dma_start3A_320] : memref<3x128xi32, #tpu.memory_space<vmem>> -> memref<1x128xi32, #tpu.memory_space<vmem>>
        %dma_start3A_322 = tpu.memref_squeeze %dma_start3A_321 : memref<1x128xi32, #tpu.memory_space<vmem>> -> memref<128xi32, #tpu.memory_space<vmem>>
        %dma_start3A_323 = tpu.memref_slice %arg3[%mul3A_317] : memref<327680xi32, #tpu.memory_space<hbm>> -> memref<128xi32, #tpu.memory_space<hbm>>
        %dma_start3A_324 = arith.constant 0 : i32
        %dma_start3A_325 = tpu.memref_slice %arg6[%rem3A_319, %dma_start3A_324] : memref<3x128xi32, #tpu.memory_space<vmem>> -> memref<1x128xi32, #tpu.memory_space<vmem>>
        %dma_start3A_326 = tpu.memref_squeeze %dma_start3A_325 : memref<1x128xi32, #tpu.memory_space<vmem>> -> memref<128xi32, #tpu.memory_space<vmem>>
        %dma_start3A_327 = tpu.memref_slice %arg3[%mul3A_317] : memref<327680xi32, #tpu.memory_space<hbm>> -> memref<128xi32, #tpu.memory_space<hbm>>
        tpu.enqueue_dma source(%dma_start3A_327 : memref<128xi32, #tpu.memory_space<hbm>>) target(%dma_start3A_326 : memref<128xi32, #tpu.memory_space<vmem>>) target_semaphore(%arg12 : memref<!tpu.dma_semaphore, #tpu.memory_space<semaphore_mem>>)
      } else {
      }
      %add3A_293 = arith.constant 1 : i32
      %add3A_294 = arith.addi %scan3A_287, %add3A_293 : i32
      %lt3A_295 = arith.constant 80 : i32
      %lt3A_296 = arith.cmpi slt, %add3A_294, %lt3A_295 : i32
      %convert_element_type3A_297 = arith.extui %lt3A_296 : i1 to i32
      %cond3A_298 = arith.constant 0 : i32
      %cond3A_299 = arith.cmpi ne, %convert_element_type3A_297, %cond3A_298 : i32
      scf.if %cond3A_299 {
        %add3A_313 = arith.constant 1 : i32
        %add3A_314 = arith.addi %scan3A_287, %add3A_313 : i32
        %rem3A_315 = arith.constant 2 : i32
        %rem3A_316 = arith.remsi %add3A_314, %rem3A_315 : i32
        %dma_wait3A_317 = arith.constant 0 : i32
        %dma_wait3A_318 = arith.constant 0 : i32
        %dma_wait3A_319 = tpu.memref_slice %arg6[%dma_wait3A_317, %dma_wait3A_318] : memref<3x128xi32, #tpu.memory_space<vmem>> -> memref<1x128xi32, #tpu.memory_space<vmem>>
        %dma_wait3A_320 = tpu.memref_squeeze %dma_wait3A_319 : memref<1x128xi32, #tpu.memory_space<vmem>> -> memref<128xi32, #tpu.memory_space<vmem>>
        %dma_wait3A_321 = arith.constant 0 : i32
        %dma_wait3A_322 = tpu.memref_slice %arg3[%dma_wait3A_321] : memref<327680xi32, #tpu.memory_space<hbm>> -> memref<128xi32, #tpu.memory_space<hbm>>
        %dma_wait3A_323 = arith.constant 0 : i32
        %dma_wait3A_324 = tpu.memref_slice %arg6[%dma_wait3A_317, %dma_wait3A_323] : memref<3x128xi32, #tpu.memory_space<vmem>> -> memref<1x128xi32, #tpu.memory_space<vmem>>
        %dma_wait3A_325 = tpu.memref_squeeze %dma_wait3A_324 : memref<1x128xi32, #tpu.memory_space<vmem>> -> memref<128xi32, #tpu.memory_space<vmem>>
        %dma_wait3A_326 = arith.constant 0 : i32
        %dma_wait3A_327 = tpu.memref_slice %arg3[%dma_wait3A_326] : memref<327680xi32, #tpu.memory_space<hbm>> -> memref<128xi32, #tpu.memory_space<hbm>>
        tpu.wait_dma2 semaphore(%arg12 : memref<!tpu.dma_semaphore, #tpu.memory_space<semaphore_mem>>) src(%dma_wait3A_327 : memref<128xi32, #tpu.memory_space<hbm>>) dst(%dma_wait3A_325 : memref<128xi32, #tpu.memory_space<vmem>>)
        %add3A_328 = arith.constant 1 : i32
        %add3A_329 = arith.addi %scan3A_287, %add3A_328 : i32
        %rem3A_330 = arith.constant 3 : i32
        %rem3A_331 = arith.remsi %add3A_329, %rem3A_330 : i32
        %get3A_332 = arith.index_cast %rem3A_331 : i32 to index
        %get3A_333 = arith.constant 0 : index
        %get3A_334 = tpu.vector_load %arg6[%get3A_332, %get3A_333] {strides = array<i32>} : memref<3x128xi32, #tpu.memory_space<vmem>>, vector<1x16xi32>,
        %get3A_335 = vector.shape_cast %get3A_334 : vector<1x16xi32> to vector<16xi32>
        %and3A_336 = arith.constant 65535 : i32
        %and3A_337 = vector.broadcast %and3A_336 : i32 to vector<16xi32>
        %and3A_338 = arith.andi %get3A_335, %and3A_337 : vector<16xi32>
        %add3A_339 = vector.broadcast %mul3A_17 : i32 to vector<16xi32>
        %add3A_340 = arith.addi %and3A_338, %add3A_339 : vector<16xi32>
        %swap3A_341 = arith.index_cast %rem3A_316 : i32 to index
        %swap3A_342 = arith.constant 0 : index
        %swap3A_343 = tpu.vector_load %arg7[%swap3A_341, %swap3A_342] {strides = array<i32>} : memref<2x128xi32, #tpu.memory_space<vmem>>, vector<1x16xi32>,
        %swap3A_344 = vector.shape_cast %swap3A_343 : vector<1x16xi32> to vector<16xi32>
        %swap3A_345 = vector.shape_cast %add3A_340 : vector<16xi32> to vector<1x16xi32>
        tpu.vector_store %arg7[%swap3A_341, %swap3A_342], %swap3A_345 {strides = array<i32>} : memref<2x128xi32, #tpu.memory_space<vmem>>, vector<1x16xi32>,
        %shift_right_arithmetic3A_346 = arith.constant 16 : i32
        %shift_right_arithmetic3A_347 = vector.broadcast %shift_right_arithmetic3A_346 : i32 to vector<16xi32>
        %shift_right_arithmetic3A_348 = arith.shrsi %get3A_335, %shift_right_arithmetic3A_347 : vector<16xi32>
        %swap3A_349 = arith.index_cast %rem3A_316 : i32 to index
        %swap3A_350 = arith.constant 0 : index
        %swap3A_351 = tpu.vector_load %arg8[%swap3A_349, %swap3A_350] {strides = array<i32>} : memref<2x128xi32, #tpu.memory_space<vmem>>, vector<1x16xi32>,
        %swap3A_352 = vector.shape_cast %swap3A_351 : vector<1x16xi32> to vector<16xi32>
        %swap3A_353 = vector.shape_cast %shift_right_arithmetic3A_348 : vector<16xi32> to vector<1x16xi32>
        tpu.vector_store %arg8[%swap3A_349, %swap3A_350], %swap3A_353 {strides = array<i32>} : memref<2x128xi32, #tpu.memory_space<vmem>>, vector<1x16xi32>,
        %get3A_354 = arith.index_cast %rem3A_331 : i32 to index
        %get3A_355 = arith.constant 16 : index
        %get3A_356 = tpu.vector_load %arg6[%get3A_354, %get3A_355] {strides = array<i32>} : memref<3x128xi32, #tpu.memory_space<vmem>>, vector<1x16xi32>,
        %get3A_357 = vector.shape_cast %get3A_356 : vector<1x16xi32> to vector<16xi32>
        %and3A_358 = arith.constant 65535 : i32
        %and3A_359 = vector.broadcast %and3A_358 : i32 to vector<16xi32>
        %and3A_360 = arith.andi %get3A_357, %and3A_359 : vector<16xi32>
        %add3A_361 = vector.broadcast %mul3A_17 : i32 to vector<16xi32>
        %add3A_362 = arith.addi %and3A_360, %add3A_361 : vector<16xi32>
        %swap3A_363 = arith.index_cast %rem3A_316 : i32 to index
        %swap3A_364 = arith.constant 16 : index
        %swap3A_365 = tpu.vector_load %arg7[%swap3A_363, %swap3A_364] {strides = array<i32>} : memref<2x128xi32, #tpu.memory_space<vmem>>, vector<1x16xi32>,
        %swap3A_366 = vector.shape_cast %swap3A_365 : vector<1x16xi32> to vector<16xi32>
        %swap3A_367 = vector.shape_cast %add3A_362 : vector<16xi32> to vector<1x16xi32>
        tpu.vector_store %arg7[%swap3A_363, %swap3A_364], %swap3A_367 {strides = array<i32>} : memref<2x128xi32, #tpu.memory_space<vmem>>, vector<1x16xi32>,
        %shift_right_arithmetic3A_368 = arith.constant 16 : i32
        %shift_right_arithmetic3A_369 = vector.broadcast %shift_right_arithmetic3A_368 : i32 to vector<16xi32>
        %shift_right_arithmetic3A_370 = arith.shrsi %get3A_357, %shift_right_arithmetic3A_369 : vector<16xi32>
        %swap3A_371 = arith.index_cast %rem3A_316 : i32 to index
        %swap3A_372 = arith.constant 16 : index
        %swap3A_373 = tpu.vector_load %arg8[%swap3A_371, %swap3A_372] {strides = array<i32>} : memref<2x128xi32, #tpu.memory_space<vmem>>, vector<1x16xi32>,
        %swap3A_374 = vector.shape_cast %swap3A_373 : vector<1x16xi32> to vector<16xi32>
        %swap3A_375 = vector.shape_cast %shift_right_arithmetic3A_370 : vector<16xi32> to vector<1x16xi32>
        tpu.vector_store %arg8[%swap3A_371, %swap3A_372], %swap3A_375 {strides = array<i32>} : memref<2x128xi32, #tpu.memory_space<vmem>>, vector<1x16xi32>,
        %get3A_376 = arith.index_cast %rem3A_331 : i32 to index
        %get3A_377 = arith.constant 32 : index
        %get3A_378 = tpu.vector_load %arg6[%get3A_376, %get3A_377] {strides = array<i32>} : memref<3x128xi32, #tpu.memory_space<vmem>>, vector<1x16xi32>,
        %get3A_379 = vector.shape_cast %get3A_378 : vector<1x16xi32> to vector<16xi32>
        %and3A_380 = arith.constant 65535 : i32
        %and3A_381 = vector.broadcast %and3A_380 : i32 to vector<16xi32>
        %and3A_382 = arith.andi %get3A_379, %and3A_381 : vector<16xi32>
        %add3A_383 = vector.broadcast %mul3A_17 : i32 to vector<16xi32>
        %add3A_384 = arith.addi %and3A_382, %add3A_383 : vector<16xi32>
        %swap3A_385 = arith.index_cast %rem3A_316 : i32 to index
        %swap3A_386 = arith.constant 32 : index
        %swap3A_387 = tpu.vector_load %arg7[%swap3A_385, %swap3A_386] {strides = array<i32>} : memref<2x128xi32, #tpu.memory_space<vmem>>, vector<1x16xi32>,
        %swap3A_388 = vector.shape_cast %swap3A_387 : vector<1x16xi32> to vector<16xi32>
        %swap3A_389 = vector.shape_cast %add3A_384 : vector<16xi32> to vector<1x16xi32>
        tpu.vector_store %arg7[%swap3A_385, %swap3A_386], %swap3A_389 {strides = array<i32>} : memref<2x128xi32, #tpu.memory_space<vmem>>, vector<1x16xi32>,
        %shift_right_arithmetic3A_390 = arith.constant 16 : i32
        %shift_right_arithmetic3A_391 = vector.broadcast %shift_right_arithmetic3A_390 : i32 to vector<16xi32>
        %shift_right_arithmetic3A_392 = arith.shrsi %get3A_379, %shift_right_arithmetic3A_391 : vector<16xi32>
        %swap3A_393 = arith.index_cast %rem3A_316 : i32 to index
        %swap3A_394 = arith.constant 32 : index
        %swap3A_395 = tpu.vector_load %arg8[%swap3A_393, %swap3A_394] {strides = array<i32>} : memref<2x128xi32, #tpu.memory_space<vmem>>, vector<1x16xi32>,
        %swap3A_396 = vector.shape_cast %swap3A_395 : vector<1x16xi32> to vector<16xi32>
        %swap3A_397 = vector.shape_cast %shift_right_arithmetic3A_392 : vector<16xi32> to vector<1x16xi32>
        tpu.vector_store %arg8[%swap3A_393, %swap3A_394], %swap3A_397 {strides = array<i32>} : memref<2x128xi32, #tpu.memory_space<vmem>>, vector<1x16xi32>,
        %get3A_398 = arith.index_cast %rem3A_331 : i32 to index
        %get3A_399 = arith.constant 48 : index
        %get3A_400 = tpu.vector_load %arg6[%get3A_398, %get3A_399] {strides = array<i32>} : memref<3x128xi32, #tpu.memory_space<vmem>>, vector<1x16xi32>,
        %get3A_401 = vector.shape_cast %get3A_400 : vector<1x16xi32> to vector<16xi32>
        %and3A_402 = arith.constant 65535 : i32
        %and3A_403 = vector.broadcast %and3A_402 : i32 to vector<16xi32>
        %and3A_404 = arith.andi %get3A_401, %and3A_403 : vector<16xi32>
        %add3A_405 = vector.broadcast %mul3A_17 : i32 to vector<16xi32>
        %add3A_406 = arith.addi %and3A_404, %add3A_405 : vector<16xi32>
        %swap3A_407 = arith.index_cast %rem3A_316 : i32 to index
        %swap3A_408 = arith.constant 48 : index
        %swap3A_409 = tpu.vector_load %arg7[%swap3A_407, %swap3A_408] {strides = array<i32>} : memref<2x128xi32, #tpu.memory_space<vmem>>, vector<1x16xi32>,
        %swap3A_410 = vector.shape_cast %swap3A_409 : vector<1x16xi32> to vector<16xi32>
        %swap3A_411 = vector.shape_cast %add3A_406 : vector<16xi32> to vector<1x16xi32>
        tpu.vector_store %arg7[%swap3A_407, %swap3A_408], %swap3A_411 {strides = array<i32>} : memref<2x128xi32, #tpu.memory_space<vmem>>, vector<1x16xi32>,
        %shift_right_arithmetic3A_412 = arith.constant 16 : i32
        %shift_right_arithmetic3A_413 = vector.broadcast %shift_right_arithmetic3A_412 : i32 to vector<16xi32>
        %shift_right_arithmetic3A_414 = arith.shrsi %get3A_401, %shift_right_arithmetic3A_413 : vector<16xi32>
        %swap3A_415 = arith.index_cast %rem3A_316 : i32 to index
        %swap3A_416 = arith.constant 48 : index
        %swap3A_417 = tpu.vector_load %arg8[%swap3A_415, %swap3A_416] {strides = array<i32>} : memref<2x128xi32, #tpu.memory_space<vmem>>, vector<1x16xi32>,
        %swap3A_418 = vector.shape_cast %swap3A_417 : vector<1x16xi32> to vector<16xi32>
        %swap3A_419 = vector.shape_cast %shift_right_arithmetic3A_414 : vector<16xi32> to vector<1x16xi32>
        tpu.vector_store %arg8[%swap3A_415, %swap3A_416], %swap3A_419 {strides = array<i32>} : memref<2x128xi32, #tpu.memory_space<vmem>>, vector<1x16xi32>,
        %get3A_420 = arith.index_cast %rem3A_331 : i32 to index
        %get3A_421 = arith.constant 64 : index
        %get3A_422 = tpu.vector_load %arg6[%get3A_420, %get3A_421] {strides = array<i32>} : memref<3x128xi32, #tpu.memory_space<vmem>>, vector<1x16xi32>,
        %get3A_423 = vector.shape_cast %get3A_422 : vector<1x16xi32> to vector<16xi32>
        %and3A_424 = arith.constant 65535 : i32
        %and3A_425 = vector.broadcast %and3A_424 : i32 to vector<16xi32>
        %and3A_426 = arith.andi %get3A_423, %and3A_425 : vector<16xi32>
        %add3A_427 = vector.broadcast %mul3A_17 : i32 to vector<16xi32>
        %add3A_428 = arith.addi %and3A_426, %add3A_427 : vector<16xi32>
        %swap3A_429 = arith.index_cast %rem3A_316 : i32 to index
        %swap3A_430 = arith.constant 64 : index
        %swap3A_431 = tpu.vector_load %arg7[%swap3A_429, %swap3A_430] {strides = array<i32>} : memref<2x128xi32, #tpu.memory_space<vmem>>, vector<1x16xi32>,
        %swap3A_432 = vector.shape_cast %swap3A_431 : vector<1x16xi32> to vector<16xi32>
        %swap3A_433 = vector.shape_cast %add3A_428 : vector<16xi32> to vector<1x16xi32>
        tpu.vector_store %arg7[%swap3A_429, %swap3A_430], %swap3A_433 {strides = array<i32>} : memref<2x128xi32, #tpu.memory_space<vmem>>, vector<1x16xi32>,
        %shift_right_arithmetic3A_434 = arith.constant 16 : i32
        %shift_right_arithmetic3A_435 = vector.broadcast %shift_right_arithmetic3A_434 : i32 to vector<16xi32>
        %shift_right_arithmetic3A_436 = arith.shrsi %get3A_423, %shift_right_arithmetic3A_435 : vector<16xi32>
        %swap3A_437 = arith.index_cast %rem3A_316 : i32 to index
        %swap3A_438 = arith.constant 64 : index
        %swap3A_439 = tpu.vector_load %arg8[%swap3A_437, %swap3A_438] {strides = array<i32>} : memref<2x128xi32, #tpu.memory_space<vmem>>, vector<1x16xi32>,
        %swap3A_440 = vector.shape_cast %swap3A_439 : vector<1x16xi32> to vector<16xi32>
        %swap3A_441 = vector.shape_cast %shift_right_arithmetic3A_436 : vector<16xi32> to vector<1x16xi32>
        tpu.vector_store %arg8[%swap3A_437, %swap3A_438], %swap3A_441 {strides = array<i32>} : memref<2x128xi32, #tpu.memory_space<vmem>>, vector<1x16xi32>,
        %get3A_442 = arith.index_cast %rem3A_331 : i32 to index
        %get3A_443 = arith.constant 80 : index
        %get3A_444 = tpu.vector_load %arg6[%get3A_442, %get3A_443] {strides = array<i32>} : memref<3x128xi32, #tpu.memory_space<vmem>>, vector<1x16xi32>,
        %get3A_445 = vector.shape_cast %get3A_444 : vector<1x16xi32> to vector<16xi32>
        %and3A_446 = arith.constant 65535 : i32
        %and3A_447 = vector.broadcast %and3A_446 : i32 to vector<16xi32>
        %and3A_448 = arith.andi %get3A_445, %and3A_447 : vector<16xi32>
        %add3A_449 = vector.broadcast %mul3A_17 : i32 to vector<16xi32>
        %add3A_450 = arith.addi %and3A_448, %add3A_449 : vector<16xi32>
        %swap3A_451 = arith.index_cast %rem3A_316 : i32 to index
        %swap3A_452 = arith.constant 80 : index
        %swap3A_453 = tpu.vector_load %arg7[%swap3A_451, %swap3A_452] {strides = array<i32>} : memref<2x128xi32, #tpu.memory_space<vmem>>, vector<1x16xi32>,
        %swap3A_454 = vector.shape_cast %swap3A_453 : vector<1x16xi32> to vector<16xi32>
        %swap3A_455 = vector.shape_cast %add3A_450 : vector<16xi32> to vector<1x16xi32>
        tpu.vector_store %arg7[%swap3A_451, %swap3A_452], %swap3A_455 {strides = array<i32>} : memref<2x128xi32, #tpu.memory_space<vmem>>, vector<1x16xi32>,
        %shift_right_arithmetic3A_456 = arith.constant 16 : i32
        %shift_right_arithmetic3A_457 = vector.broadcast %shift_right_arithmetic3A_456 : i32 to vector<16xi32>
        %shift_right_arithmetic3A_458 = arith.shrsi %get3A_445, %shift_right_arithmetic3A_457 : vector<16xi32>
        %swap3A_459 = arith.index_cast %rem3A_316 : i32 to index
        %swap3A_460 = arith.constant 80 : index
        %swap3A_461 = tpu.vector_load %arg8[%swap3A_459, %swap3A_460] {strides = array<i32>} : memref<2x128xi32, #tpu.memory_space<vmem>>, vector<1x16xi32>,
        %swap3A_462 = vector.shape_cast %swap3A_461 : vector<1x16xi32> to vector<16xi32>
        %swap3A_463 = vector.shape_cast %shift_right_arithmetic3A_458 : vector<16xi32> to vector<1x16xi32>
        tpu.vector_store %arg8[%swap3A_459, %swap3A_460], %swap3A_463 {strides = array<i32>} : memref<2x128xi32, #tpu.memory_space<vmem>>, vector<1x16xi32>,
        %get3A_464 = arith.index_cast %rem3A_331 : i32 to index
        %get3A_465 = arith.constant 96 : index
        %get3A_466 = tpu.vector_load %arg6[%get3A_464, %get3A_465] {strides = array<i32>} : memref<3x128xi32, #tpu.memory_space<vmem>>, vector<1x16xi32>,
        %get3A_467 = vector.shape_cast %get3A_466 : vector<1x16xi32> to vector<16xi32>
        %and3A_468 = arith.constant 65535 : i32
        %and3A_469 = vector.broadcast %and3A_468 : i32 to vector<16xi32>
        %and3A_470 = arith.andi %get3A_467, %and3A_469 : vector<16xi32>
        %add3A_471 = vector.broadcast %mul3A_17 : i32 to vector<16xi32>
        %add3A_472 = arith.addi %and3A_470, %add3A_471 : vector<16xi32>
        %swap3A_473 = arith.index_cast %rem3A_316 : i32 to index
        %swap3A_474 = arith.constant 96 : index
        %swap3A_475 = tpu.vector_load %arg7[%swap3A_473, %swap3A_474] {strides = array<i32>} : memref<2x128xi32, #tpu.memory_space<vmem>>, vector<1x16xi32>,
        %swap3A_476 = vector.shape_cast %swap3A_475 : vector<1x16xi32> to vector<16xi32>
        %swap3A_477 = vector.shape_cast %add3A_472 : vector<16xi32> to vector<1x16xi32>
        tpu.vector_store %arg7[%swap3A_473, %swap3A_474], %swap3A_477 {strides = array<i32>} : memref<2x128xi32, #tpu.memory_space<vmem>>, vector<1x16xi32>,
        %shift_right_arithmetic3A_478 = arith.constant 16 : i32
        %shift_right_arithmetic3A_479 = vector.broadcast %shift_right_arithmetic3A_478 : i32 to vector<16xi32>
        %shift_right_arithmetic3A_480 = arith.shrsi %get3A_467, %shift_right_arithmetic3A_479 : vector<16xi32>
        %swap3A_481 = arith.index_cast %rem3A_316 : i32 to index
        %swap3A_482 = arith.constant 96 : index
        %swap3A_483 = tpu.vector_load %arg8[%swap3A_481, %swap3A_482] {strides = array<i32>} : memref<2x128xi32, #tpu.memory_space<vmem>>, vector<1x16xi32>,
        %swap3A_484 = vector.shape_cast %swap3A_483 : vector<1x16xi32> to vector<16xi32>
        %swap3A_485 = vector.shape_cast %shift_right_arithmetic3A_480 : vector<16xi32> to vector<1x16xi32>
        tpu.vector_store %arg8[%swap3A_481, %swap3A_482], %swap3A_485 {strides = array<i32>} : memref<2x128xi32, #tpu.memory_space<vmem>>, vector<1x16xi32>,
        %get3A_486 = arith.index_cast %rem3A_331 : i32 to index
        %get3A_487 = arith.constant 112 : index
        %get3A_488 = tpu.vector_load %arg6[%get3A_486, %get3A_487] {strides = array<i32>} : memref<3x128xi32, #tpu.memory_space<vmem>>, vector<1x16xi32>,
        %get3A_489 = vector.shape_cast %get3A_488 : vector<1x16xi32> to vector<16xi32>
        %and3A_490 = arith.constant 65535 : i32
        %and3A_491 = vector.broadcast %and3A_490 : i32 to vector<16xi32>
        %and3A_492 = arith.andi %get3A_489, %and3A_491 : vector<16xi32>
        %add3A_493 = vector.broadcast %mul3A_17 : i32 to vector<16xi32>
        %add3A_494 = arith.addi %and3A_492, %add3A_493 : vector<16xi32>
        %swap3A_495 = arith.index_cast %rem3A_316 : i32 to index
        %swap3A_496 = arith.constant 112 : index
        %swap3A_497 = tpu.vector_load %arg7[%swap3A_495, %swap3A_496] {strides = array<i32>} : memref<2x128xi32, #tpu.memory_space<vmem>>, vector<1x16xi32>,
        %swap3A_498 = vector.shape_cast %swap3A_497 : vector<1x16xi32> to vector<16xi32>
        %swap3A_499 = vector.shape_cast %add3A_494 : vector<16xi32> to vector<1x16xi32>
        tpu.vector_store %arg7[%swap3A_495, %swap3A_496], %swap3A_499 {strides = array<i32>} : memref<2x128xi32, #tpu.memory_space<vmem>>, vector<1x16xi32>,
        %shift_right_arithmetic3A_500 = arith.constant 16 : i32
        %shift_right_arithmetic3A_501 = vector.broadcast %shift_right_arithmetic3A_500 : i32 to vector<16xi32>
        %shift_right_arithmetic3A_502 = arith.shrsi %get3A_489, %shift_right_arithmetic3A_501 : vector<16xi32>
        %swap3A_503 = arith.index_cast %rem3A_316 : i32 to index
        %swap3A_504 = arith.constant 112 : index
        %swap3A_505 = tpu.vector_load %arg8[%swap3A_503, %swap3A_504] {strides = array<i32>} : memref<2x128xi32, #tpu.memory_space<vmem>>, vector<1x16xi32>,
        %swap3A_506 = vector.shape_cast %swap3A_505 : vector<1x16xi32> to vector<16xi32>
        %swap3A_507 = vector.shape_cast %shift_right_arithmetic3A_502 : vector<16xi32> to vector<1x16xi32>
        tpu.vector_store %arg8[%swap3A_503, %swap3A_504], %swap3A_507 {strides = array<i32>} : memref<2x128xi32, #tpu.memory_space<vmem>>, vector<1x16xi32>,
        %dma_start3A_508 = arith.constant 0 : i32
        %dma_start3A_509 = arith.constant 0 : i32
        %dma_start3A_510 = tpu.memref_slice %arg9[%rem3A_316, %dma_start3A_508, %dma_start3A_509] : memref<2x128x128xf32, #tpu.memory_space<vmem>> -> memref<1x128x128xf32, #tpu.memory_space<vmem>>
        %dma_start3A_511 = tpu.memref_squeeze %dma_start3A_510 : memref<1x128x128xf32, #tpu.memory_space<vmem>> -> memref<128x128xf32, #tpu.memory_space<vmem>>
        %dma_start3A_512 = arith.constant 0 : i32
        %dma_start3A_513 = tpu.memref_slice %arg7[%rem3A_316, %dma_start3A_512] : memref<2x128xi32, #tpu.memory_space<vmem>> -> memref<1x128xi32, #tpu.memory_space<vmem>>
        %dma_start3A_514 = tpu.memref_squeeze %dma_start3A_513 : memref<1x128xi32, #tpu.memory_space<vmem>> -> memref<128xi32, #tpu.memory_space<vmem>>
        %dma_start3A_515 = arith.constant 0 : i32
        %dma_start3A_516 = arith.constant 0 : i32
        %dma_start3A_517 = tpu.memref_slice %arg2[%dma_start3A_515, %dma_start3A_516] : memref<20000x128xf32, #tpu.memory_space<hbm>> -> memref<20000x128xf32, #tpu.memory_space<hbm>>
        tpu.enqueue_indirect_dma source(%dma_start3A_517 : memref<20000x128xf32, #tpu.memory_space<hbm>>) target(%dma_start3A_511 : memref<128x128xf32, #tpu.memory_space<vmem>>) offsets(%dma_start3A_514 : memref<128xi32, #tpu.memory_space<vmem>>) semaphore(%arg11 : memref<!tpu.dma_semaphore, #tpu.memory_space<semaphore_mem>>)
      } else {
      }
      %rem3A_300 = arith.constant 2 : i32
      %rem3A_301 = arith.remsi %scan3A_287, %rem3A_300 : i32
      %dma_wait3A_302 = arith.constant 0 : i32
      %dma_wait3A_303 = arith.constant 0 : i32
      %dma_wait3A_304 = tpu.memref_slice %arg9[%rem3A_301, %dma_wait3A_302, %dma_wait3A_303] : memref<2x128x128xf32, #tpu.memory_space<vmem>> -> memref<1x128x128xf32, #tpu.memory_space<vmem>>
      %dma_wait3A_305 = tpu.memref_squeeze %dma_wait3A_304 : memref<1x128x128xf32, #tpu.memory_space<vmem>> -> memref<128x128xf32, #tpu.memory_space<vmem>>
      %dma_wait3A_306 = arith.constant 0 : i32
      %dma_wait3A_307 = tpu.memref_slice %arg7[%rem3A_301, %dma_wait3A_306] : memref<2x128xi32, #tpu.memory_space<vmem>> -> memref<1x128xi32, #tpu.memory_space<vmem>>
      %dma_wait3A_308 = tpu.memref_squeeze %dma_wait3A_307 : memref<1x128xi32, #tpu.memory_space<vmem>> -> memref<128xi32, #tpu.memory_space<vmem>>
      %dma_wait3A_309 = arith.constant 0 : i32
      %dma_wait3A_310 = arith.constant 0 : i32
      %dma_wait3A_311 = tpu.memref_slice %arg2[%dma_wait3A_309, %dma_wait3A_310] : memref<20000x128xf32, #tpu.memory_space<hbm>> -> memref<20000x128xf32, #tpu.memory_space<hbm>>
      tpu.wait_indirect_dma semaphore(%arg11 : memref<!tpu.dma_semaphore, #tpu.memory_space<semaphore_mem>>) src(%dma_wait3A_311 : memref<20000x128xf32, #tpu.memory_space<hbm>>) dst(%dma_wait3A_305 : memref<128x128xf32, #tpu.memory_space<vmem>>)
      "tpu.region"() ({
        %run_scoped3A = tpu.sem_alloc : memref<!tpu.dma_semaphore, #tpu.memory_space<semaphore_mem>>
        %dma_start3A_313 = arith.constant 0 : i32
        %dma_start3A_314 = arith.constant 0 : i32
        %dma_start3A_315 = tpu.memref_slice %arg9[%rem3A_301, %dma_start3A_313, %dma_start3A_314] : memref<2x128x128xf32, #tpu.memory_space<vmem>> -> memref<1x128x128xf32, #tpu.memory_space<vmem>>
        %dma_start3A_316 = tpu.memref_squeeze %dma_start3A_315 : memref<1x128x128xf32, #tpu.memory_space<vmem>> -> memref<128x128xf32, #tpu.memory_space<vmem>>
        %dma_start3A_317 = arith.constant 0 : i32
        %dma_start3A_318 = tpu.memref_slice %arg8[%rem3A_301, %dma_start3A_317] : memref<2x128xi32, #tpu.memory_space<vmem>> -> memref<1x128xi32, #tpu.memory_space<vmem>>
        %dma_start3A_319 = tpu.memref_squeeze %dma_start3A_318 : memref<1x128xi32, #tpu.memory_space<vmem>> -> memref<128xi32, #tpu.memory_space<vmem>>
        %dma_start3A_320 = arith.constant 0 : i32
        %dma_start3A_321 = arith.constant 0 : i32
        %dma_start3A_322 = tpu.memref_slice %arg10[%dma_start3A_320, %dma_start3A_321] : memref<10240x128xf32, #tpu.memory_space<vmem_shared>> -> memref<10240x128xf32, #tpu.memory_space<vmem_shared>>
        tpu.enqueue_indirect_dma source(%dma_start3A_316 : memref<128x128xf32, #tpu.memory_space<vmem>>) target(%dma_start3A_322 : memref<10240x128xf32, #tpu.memory_space<vmem_shared>>) offsets(%dma_start3A_319 : memref<128xi32, #tpu.memory_space<vmem>>) semaphore(%run_scoped3A : memref<!tpu.dma_semaphore, #tpu.memory_space<semaphore_mem>>) {add = true}
        %dma_wait3A_323 = arith.constant 0 : i32
        %dma_wait3A_324 = arith.constant 0 : i32
        %dma_wait3A_325 = tpu.memref_slice %arg9[%rem3A_301, %dma_wait3A_323, %dma_wait3A_324] : memref<2x128x128xf32, #tpu.memory_space<vmem>> -> memref<1x128x128xf32, #tpu.memory_space<vmem>>
        %dma_wait3A_326 = tpu.memref_squeeze %dma_wait3A_325 : memref<1x128x128xf32, #tpu.memory_space<vmem>> -> memref<128x128xf32, #tpu.memory_space<vmem>>
        %dma_wait3A_327 = arith.constant 0 : i32
        %dma_wait3A_328 = tpu.memref_slice %arg8[%rem3A_301, %dma_wait3A_327] : memref<2x128xi32, #tpu.memory_space<vmem>> -> memref<1x128xi32, #tpu.memory_space<vmem>>
        %dma_wait3A_329 = tpu.memref_squeeze %dma_wait3A_328 : memref<1x128xi32, #tpu.memory_space<vmem>> -> memref<128xi32, #tpu.memory_space<vmem>>
        %dma_wait3A_330 = arith.constant 0 : i32
        %dma_wait3A_331 = arith.constant 0 : i32
        %dma_wait3A_332 = tpu.memref_slice %arg10[%dma_wait3A_330, %dma_wait3A_331] : memref<10240x128xf32, #tpu.memory_space<vmem_shared>> -> memref<10240x128xf32, #tpu.memory_space<vmem_shared>>
        tpu.wait_indirect_dma semaphore(%run_scoped3A : memref<!tpu.dma_semaphore, #tpu.memory_space<semaphore_mem>>) src(%dma_wait3A_326 : memref<128x128xf32, #tpu.memory_space<vmem>>) dst(%dma_wait3A_332 : memref<10240x128xf32, #tpu.memory_space<vmem_shared>>)
        tpu.yield
      }) : () -> ()
      %scan3A_312 = arith.constant 0 : i32
      scf.yield %scan3A_312 : i32
    }
    %scan3A_265 = arith.constant 80 : i32
    %barrier3A_266 = arith.constant 0 : index
    tpu.barrier barrier_id(%barrier3A_266)
    %add3A_267 = arith.constant 0 : i32
    %add3A_268 = arith.addi %mul3A_4, %add3A_267 : i32
    %add3A_269 = arith.constant 0 : i32
    %add3A_270 = arith.addi %mul3A_4, %add3A_269 : i32
    "tpu.region"() ({
      %run_scoped3A = tpu.sem_alloc : memref<!tpu.dma_semaphore, #tpu.memory_space<semaphore_mem>>
      %dma_start3A_287 = arith.constant 0 : i32
      %dma_start3A_288 = tpu.memref_slice %arg5[%arg0, %add3A_270, %dma_start3A_287] : memref<2x10240x128xf32, #tpu.memory_space<hbm>> -> memref<1x128x128xf32, #tpu.memory_space<hbm>>
      %dma_start3A_289 = tpu.memref_squeeze %dma_start3A_288 : memref<1x128x128xf32, #tpu.memory_space<hbm>> -> memref<128x128xf32, #tpu.memory_space<hbm>>
      %dma_start3A_290 = arith.constant 0 : i32
      %dma_start3A_291 = tpu.memref_slice %arg10[%add3A_268, %dma_start3A_290] : memref<10240x128xf32, #tpu.memory_space<vmem_shared>> -> memref<128x128xf32, #tpu.memory_space<vmem_shared>>
      tpu.enqueue_dma source(%dma_start3A_291 : memref<128x128xf32, #tpu.memory_space<vmem_shared>>) target(%dma_start3A_289 : memref<128x128xf32, #tpu.memory_space<hbm>>) target_semaphore(%run_scoped3A : memref<!tpu.dma_semaphore, #tpu.memory_space<semaphore_mem>>)
      %dma_wait3A_292 = arith.constant 0 : i32
      %dma_wait3A_293 = tpu.memref_slice %arg5[%arg0, %add3A_270, %dma_wait3A_292] : memref<2x10240x128xf32, #tpu.memory_space<hbm>> -> memref<1x128x128xf32, #tpu.memory_space<hbm>>
      %dma_wait3A_294 = tpu.memref_squeeze %dma_wait3A_293 : memref<1x128x128xf32, #tpu.memory_space<hbm>> -> memref<128x128xf32, #tpu.memory_space<hbm>>
      %dma_wait3A_295 = arith.constant 0 : i32
      %dma_wait3A_296 = tpu.memref_slice %arg10[%add3A_268, %dma_wait3A_295] : memref<10240x128xf32, #tpu.memory_space<vmem_shared>> -> memref<128x128xf32, #tpu.memory_space<vmem_shared>>
      tpu.wait_dma2 semaphore(%run_scoped3A : memref<!tpu.dma_semaphore, #tpu.memory_space<semaphore_mem>>) src(%dma_wait3A_296 : memref<128x128xf32, #tpu.memory_space<vmem_shared>>) dst(%dma_wait3A_294 : memref<128x128xf32, #tpu.memory_space<hbm>>)
      tpu.yield
    }) : () -> ()
    %add3A_271 = arith.constant 128 : i32
    %add3A_272 = arith.addi %mul3A_4, %add3A_271 : i32
    %add3A_273 = arith.constant 128 : i32
    %add3A_274 = arith.addi %mul3A_4, %add3A_273 : i32
    "tpu.region"() ({
      %run_scoped3A = tpu.sem_alloc : memref<!tpu.dma_semaphore, #tpu.memory_space<semaphore_mem>>
      %dma_start3A_287 = arith.constant 0 : i32
      %dma_start3A_288 = tpu.memref_slice %arg5[%arg0, %add3A_274, %dma_start3A_287] : memref<2x10240x128xf32, #tpu.memory_space<hbm>> -> memref<1x128x128xf32, #tpu.memory_space<hbm>>
      %dma_start3A_289 = tpu.memref_squeeze %dma_start3A_288 : memref<1x128x128xf32, #tpu.memory_space<hbm>> -> memref<128x128xf32, #tpu.memory_space<hbm>>
      %dma_start3A_290 = arith.constant 0 : i32
      %dma_start3A_291 = tpu.memref_slice %arg10[%add3A_272, %dma_start3A_290] : memref<10240x128xf32, #tpu.memory_space<vmem_shared>> -> memref<128x128xf32, #tpu.memory_space<vmem_shared>>
      tpu.enqueue_dma source(%dma_start3A_291 : memref<128x128xf32, #tpu.memory_space<vmem_shared>>) target(%dma_start3A_289 : memref<128x128xf32, #tpu.memory_space<hbm>>) target_semaphore(%run_scoped3A : memref<!tpu.dma_semaphore, #tpu.memory_space<semaphore_mem>>)
      %dma_wait3A_292 = arith.constant 0 : i32
      %dma_wait3A_293 = tpu.memref_slice %arg5[%arg0, %add3A_274, %dma_wait3A_292] : memref<2x10240x128xf32, #tpu.memory_space<hbm>> -> memref<1x128x128xf32, #tpu.memory_space<hbm>>
      %dma_wait3A_294 = tpu.memref_squeeze %dma_wait3A_293 : memref<1x128x128xf32, #tpu.memory_space<hbm>> -> memref<128x128xf32, #tpu.memory_space<hbm>>
      %dma_wait3A_295 = arith.constant 0 : i32
      %dma_wait3A_296 = tpu.memref_slice %arg10[%add3A_272, %dma_wait3A_295] : memref<10240x128xf32, #tpu.memory_space<vmem_shared>> -> memref<128x128xf32, #tpu.memory_space<vmem_shared>>
      tpu.wait_dma2 semaphore(%run_scoped3A : memref<!tpu.dma_semaphore, #tpu.memory_space<semaphore_mem>>) src(%dma_wait3A_296 : memref<128x128xf32, #tpu.memory_space<vmem_shared>>) dst(%dma_wait3A_294 : memref<128x128xf32, #tpu.memory_space<hbm>>)
      tpu.yield
    }) : () -> ()
    %add3A_275 = arith.constant 256 : i32
    %add3A_276 = arith.addi %mul3A_4, %add3A_275 : i32
    %add3A_277 = arith.constant 256 : i32
    %add3A_278 = arith.addi %mul3A_4, %add3A_277 : i32
    "tpu.region"() ({
      %run_scoped3A = tpu.sem_alloc : memref<!tpu.dma_semaphore, #tpu.memory_space<semaphore_mem>>
      %dma_start3A_287 = arith.constant 0 : i32
      %dma_start3A_288 = tpu.memref_slice %arg5[%arg0, %add3A_278, %dma_start3A_287] : memref<2x10240x128xf32, #tpu.memory_space<hbm>> -> memref<1x128x128xf32, #tpu.memory_space<hbm>>
      %dma_start3A_289 = tpu.memref_squeeze %dma_start3A_288 : memref<1x128x128xf32, #tpu.memory_space<hbm>> -> memref<128x128xf32, #tpu.memory_space<hbm>>
      %dma_start3A_290 = arith.constant 0 : i32
      %dma_start3A_291 = tpu.memref_slice %arg10[%add3A_276, %dma_start3A_290] : memref<10240x128xf32, #tpu.memory_space<vmem_shared>> -> memref<128x128xf32, #tpu.memory_space<vmem_shared>>
      tpu.enqueue_dma source(%dma_start3A_291 : memref<128x128xf32, #tpu.memory_space<vmem_shared>>) target(%dma_start3A_289 : memref<128x128xf32, #tpu.memory_space<hbm>>) target_semaphore(%run_scoped3A : memref<!tpu.dma_semaphore, #tpu.memory_space<semaphore_mem>>)
      %dma_wait3A_292 = arith.constant 0 : i32
      %dma_wait3A_293 = tpu.memref_slice %arg5[%arg0, %add3A_278, %dma_wait3A_292] : memref<2x10240x128xf32, #tpu.memory_space<hbm>> -> memref<1x128x128xf32, #tpu.memory_space<hbm>>
      %dma_wait3A_294 = tpu.memref_squeeze %dma_wait3A_293 : memref<1x128x128xf32, #tpu.memory_space<hbm>> -> memref<128x128xf32, #tpu.memory_space<hbm>>
      %dma_wait3A_295 = arith.constant 0 : i32
      %dma_wait3A_296 = tpu.memref_slice %arg10[%add3A_276, %dma_wait3A_295] : memref<10240x128xf32, #tpu.memory_space<vmem_shared>> -> memref<128x128xf32, #tpu.memory_space<vmem_shared>>
      tpu.wait_dma2 semaphore(%run_scoped3A : memref<!tpu.dma_semaphore, #tpu.memory_space<semaphore_mem>>) src(%dma_wait3A_296 : memref<128x128xf32, #tpu.memory_space<vmem_shared>>) dst(%dma_wait3A_294 : memref<128x128xf32, #tpu.memory_space<hbm>>)
      tpu.yield
    }) : () -> ()
    %add3A_279 = arith.constant 384 : i32
    %add3A_280 = arith.addi %mul3A_4, %add3A_279 : i32
    %add3A_281 = arith.constant 384 : i32
    %add3A_282 = arith.addi %mul3A_4, %add3A_281 : i32
    "tpu.region"() ({
      %run_scoped3A = tpu.sem_alloc : memref<!tpu.dma_semaphore, #tpu.memory_space<semaphore_mem>>
      %dma_start3A_287 = arith.constant 0 : i32
      %dma_start3A_288 = tpu.memref_slice %arg5[%arg0, %add3A_282, %dma_start3A_287] : memref<2x10240x128xf32, #tpu.memory_space<hbm>> -> memref<1x128x128xf32, #tpu.memory_space<hbm>>
      %dma_start3A_289 = tpu.memref_squeeze %dma_start3A_288 : memref<1x128x128xf32, #tpu.memory_space<hbm>> -> memref<128x128xf32, #tpu.memory_space<hbm>>
      %dma_start3A_290 = arith.constant 0 : i32
      %dma_start3A_291 = tpu.memref_slice %arg10[%add3A_280, %dma_start3A_290] : memref<10240x128xf32, #tpu.memory_space<vmem_shared>> -> memref<128x128xf32, #tpu.memory_space<vmem_shared>>
      tpu.enqueue_dma source(%dma_start3A_291 : memref<128x128xf32, #tpu.memory_space<vmem_shared>>) target(%dma_start3A_289 : memref<128x128xf32, #tpu.memory_space<hbm>>) target_semaphore(%run_scoped3A : memref<!tpu.dma_semaphore, #tpu.memory_space<semaphore_mem>>)
      %dma_wait3A_292 = arith.constant 0 : i32
      %dma_wait3A_293 = tpu.memref_slice %arg5[%arg0, %add3A_282, %dma_wait3A_292] : memref<2x10240x128xf32, #tpu.memory_space<hbm>> -> memref<1x128x128xf32, #tpu.memory_space<hbm>>
      %dma_wait3A_294 = tpu.memref_squeeze %dma_wait3A_293 : memref<1x128x128xf32, #tpu.memory_space<hbm>> -> memref<128x128xf32, #tpu.memory_space<hbm>>
      %dma_wait3A_295 = arith.constant 0 : i32
      %dma_wait3A_296 = tpu.memref_slice %arg10[%add3A_280, %dma_wait3A_295] : memref<10240x128xf32, #tpu.memory_space<vmem_shared>> -> memref<128x128xf32, #tpu.memory_space<vmem_shared>>
      tpu.wait_dma2 semaphore(%run_scoped3A : memref<!tpu.dma_semaphore, #tpu.memory_space<semaphore_mem>>) src(%dma_wait3A_296 : memref<128x128xf32, #tpu.memory_space<vmem_shared>>) dst(%dma_wait3A_294 : memref<128x128xf32, #tpu.memory_space<hbm>>)
      tpu.yield
    }) : () -> ()
    %add3A_283 = arith.constant 512 : i32
    %add3A_284 = arith.addi %mul3A_4, %add3A_283 : i32
    %add3A_285 = arith.constant 512 : i32
    %add3A_286 = arith.addi %mul3A_4, %add3A_285 : i32
    "tpu.region"() ({
      %run_scoped3A = tpu.sem_alloc : memref<!tpu.dma_semaphore, #tpu.memory_space<semaphore_mem>>
      %dma_start3A_287 = arith.constant 0 : i32
      %dma_start3A_288 = tpu.memref_slice %arg5[%arg0, %add3A_286, %dma_start3A_287] : memref<2x10240x128xf32, #tpu.memory_space<hbm>> -> memref<1x128x128xf32, #tpu.memory_space<hbm>>
      %dma_start3A_289 = tpu.memref_squeeze %dma_start3A_288 : memref<1x128x128xf32, #tpu.memory_space<hbm>> -> memref<128x128xf32, #tpu.memory_space<hbm>>
      %dma_start3A_290 = arith.constant 0 : i32
      %dma_start3A_291 = tpu.memref_slice %arg10[%add3A_284, %dma_start3A_290] : memref<10240x128xf32, #tpu.memory_space<vmem_shared>> -> memref<128x128xf32, #tpu.memory_space<vmem_shared>>
      tpu.enqueue_dma source(%dma_start3A_291 : memref<128x128xf32, #tpu.memory_space<vmem_shared>>) target(%dma_start3A_289 : memref<128x128xf32, #tpu.memory_space<hbm>>) target_semaphore(%run_scoped3A : memref<!tpu.dma_semaphore, #tpu.memory_space<semaphore_mem>>)
      %dma_wait3A_292 = arith.constant 0 : i32
      %dma_wait3A_293 = tpu.memref_slice %arg5[%arg0, %add3A_286, %dma_wait3A_292] : memref<2x10240x128xf32, #tpu.memory_space<hbm>> -> memref<1x128x128xf32, #tpu.memory_space<hbm>>
      %dma_wait3A_294 = tpu.memref_squeeze %dma_wait3A_293 : memref<1x128x128xf32, #tpu.memory_space<hbm>> -> memref<128x128xf32, #tpu.memory_space<hbm>>
      %dma_wait3A_295 = arith.constant 0 : i32
      %dma_wait3A_296 = tpu.memref_slice %arg10[%add3A_284, %dma_wait3A_295] : memref<10240x128xf32, #tpu.memory_space<vmem_shared>> -> memref<128x128xf32, #tpu.memory_space<vmem_shared>>
      tpu.wait_dma2 semaphore(%run_scoped3A : memref<!tpu.dma_semaphore, #tpu.memory_space<semaphore_mem>>) src(%dma_wait3A_296 : memref<128x128xf32, #tpu.memory_space<vmem_shared>>) dst(%dma_wait3A_294 : memref<128x128xf32, #tpu.memory_space<hbm>>)
      tpu.yield
    }) : () -> ()
    return
  }
}

#map = affine_map<(d0, d1) -> (0, 0)>
#map1 = affine_map<(d0, d1) -> (0)>
#map2 = affine_map<(d0, d1) -> (0, 0, 0)>
module attributes {stable_mosaic.version = 14 : i64} {
  func.func @_sc_scatter(%arg0: i32, %arg1: i32, %arg2: memref<20000x128xf32, #tpu.memory_space<hbm>>, %arg3: memref<327680xi32, #tpu.memory_space<hbm>>, %arg4: memref<128x128xf32, #tpu.memory_space<hbm>>, %arg5: memref<2x10240x128xf32, #tpu.memory_space<hbm>>, %arg6: memref<3x128xi32, #tpu.memory_space<vmem>>, %arg7: memref<2x128xi32, #tpu.memory_space<vmem>>, %arg8: memref<2x128xi32, #tpu.memory_space<vmem>>, %arg9: memref<2x128x128xf32, #tpu.memory_space<vmem>>, %arg10: memref<10240x128xf32, #tpu.memory_space<vmem_shared>>, %arg11: memref<!tpu.dma_semaphore, #tpu.memory_space<semaphore_mem>>, %arg12: memref<!tpu.dma_semaphore, #tpu.memory_space<semaphore_mem>>) attributes {dimension_semantics = [#tpu.dimension_semantics<core_parallel>, #tpu.dimension_semantics<subcore_parallel>], iteration_bounds = array<i64: 2, 16>, scalar_prefetch = 0 : i64, scratch_operands = 7 : i64, tpu.core_type = #tpu.core_type<sc_vector_subcore>, window_params = [{transform_indices = #map}, {transform_indices = #map1}, {transform_indices = #map}, {transform_indices = #map2}]} {
    %mul3A = arith.constant 2 : i32
    %mul3A_0 = arith.muli %arg1, %mul3A : i32
    %add3A = arith.addi %mul3A_0, %arg0 : i32
    %mul3A_1 = arith.constant 80 : i32
    %mul3A_2 = arith.muli %add3A, %mul3A_1 : i32
    %mul3A_3 = arith.constant 640 : i32
    %mul3A_4 = arith.muli %arg1, %mul3A_3 : i32
    %add3A_5 = arith.constant 0 : i32
    %add3A_6 = arith.addi %mul3A_4, %add3A_5 : i32
    "tpu.region"() ({
      %run_scoped3A = tpu.sem_alloc : memref<!tpu.dma_semaphore, #tpu.memory_space<semaphore_mem>>
      %dma_start3A_287 = arith.constant 0 : i32
      %dma_start3A_288 = tpu.memref_slice %arg10[%add3A_6, %dma_start3A_287] : memref<10240x128xf32, #tpu.memory_space<vmem_shared>> -> memref<128x128xf32, #tpu.memory_space<vmem_shared>>
      tpu.enqueue_dma source(%arg4 : memref<128x128xf32, #tpu.memory_space<hbm>>) target(%dma_start3A_288 : memref<128x128xf32, #tpu.memory_space<vmem_shared>>) target_semaphore(%run_scoped3A : memref<!tpu.dma_semaphore, #tpu.memory_space<semaphore_mem>>)
      %dma_wait3A_289 = arith.constant 0 : i32
      %dma_wait3A_290 = tpu.memref_slice %arg10[%add3A_6, %dma_wait3A_289] : memref<10240x128xf32, #tpu.memory_space<vmem_shared>> -> memref<128x128xf32, #tpu.memory_space<vmem_shared>>
      tpu.wait_dma2 semaphore(%run_scoped3A : memref<!tpu.dma_semaphore, #tpu.memory_space<semaphore_mem>>) src(%arg4 : memref<128x128xf32, #tpu.memory_space<hbm>>) dst(%dma_wait3A_290 : memref<128x128xf32, #tpu.memory_space<vmem_shared>>)
      tpu.yield
    }) : () -> ()
    %add3A_7 = arith.constant 128 : i32
    %add3A_8 = arith.addi %mul3A_4, %add3A_7 : i32
    "tpu.region"() ({
      %run_scoped3A = tpu.sem_alloc : memref<!tpu.dma_semaphore, #tpu.memory_space<semaphore_mem>>
      %dma_start3A_287 = arith.constant 0 : i32
      %dma_start3A_288 = tpu.memref_slice %arg10[%add3A_8, %dma_start3A_287] : memref<10240x128xf32, #tpu.memory_space<vmem_shared>> -> memref<128x128xf32, #tpu.memory_space<vmem_shared>>
      tpu.enqueue_dma source(%arg4 : memref<128x128xf32, #tpu.memory_space<hbm>>) target(%dma_start3A_288 : memref<128x128xf32, #tpu.memory_space<vmem_shared>>) target_semaphore(%run_scoped3A : memref<!tpu.dma_semaphore, #tpu.memory_space<semaphore_mem>>)
      %dma_wait3A_289 = arith.constant 0 : i32
      %dma_wait3A_290 = tpu.memref_slice %arg10[%add3A_8, %dma_wait3A_289] : memref<10240x128xf32, #tpu.memory_space<vmem_shared>> -> memref<128x128xf32, #tpu.memory_space<vmem_shared>>
      tpu.wait_dma2 semaphore(%run_scoped3A : memref<!tpu.dma_semaphore, #tpu.memory_space<semaphore_mem>>) src(%arg4 : memref<128x128xf32, #tpu.memory_space<hbm>>) dst(%dma_wait3A_290 : memref<128x128xf32, #tpu.memory_space<vmem_shared>>)
      tpu.yield
    }) : () -> ()
    %add3A_9 = arith.constant 256 : i32
    %add3A_10 = arith.addi %mul3A_4, %add3A_9 : i32
    "tpu.region"() ({
      %run_scoped3A = tpu.sem_alloc : memref<!tpu.dma_semaphore, #tpu.memory_space<semaphore_mem>>
      %dma_start3A_287 = arith.constant 0 : i32
      %dma_start3A_288 = tpu.memref_slice %arg10[%add3A_10, %dma_start3A_287] : memref<10240x128xf32, #tpu.memory_space<vmem_shared>> -> memref<128x128xf32, #tpu.memory_space<vmem_shared>>
      tpu.enqueue_dma source(%arg4 : memref<128x128xf32, #tpu.memory_space<hbm>>) target(%dma_start3A_288 : memref<128x128xf32, #tpu.memory_space<vmem_shared>>) target_semaphore(%run_scoped3A : memref<!tpu.dma_semaphore, #tpu.memory_space<semaphore_mem>>)
      %dma_wait3A_289 = arith.constant 0 : i32
      %dma_wait3A_290 = tpu.memref_slice %arg10[%add3A_10, %dma_wait3A_289] : memref<10240x128xf32, #tpu.memory_space<vmem_shared>> -> memref<128x128xf32, #tpu.memory_space<vmem_shared>>
      tpu.wait_dma2 semaphore(%run_scoped3A : memref<!tpu.dma_semaphore, #tpu.memory_space<semaphore_mem>>) src(%arg4 : memref<128x128xf32, #tpu.memory_space<hbm>>) dst(%dma_wait3A_290 : memref<128x128xf32, #tpu.memory_space<vmem_shared>>)
      tpu.yield
    }) : () -> ()
    %add3A_11 = arith.constant 384 : i32
    %add3A_12 = arith.addi %mul3A_4, %add3A_11 : i32
    "tpu.region"() ({
      %run_scoped3A = tpu.sem_alloc : memref<!tpu.dma_semaphore, #tpu.memory_space<semaphore_mem>>
      %dma_start3A_287 = arith.constant 0 : i32
      %dma_start3A_288 = tpu.memref_slice %arg10[%add3A_12, %dma_start3A_287] : memref<10240x128xf32, #tpu.memory_space<vmem_shared>> -> memref<128x128xf32, #tpu.memory_space<vmem_shared>>
      tpu.enqueue_dma source(%arg4 : memref<128x128xf32, #tpu.memory_space<hbm>>) target(%dma_start3A_288 : memref<128x128xf32, #tpu.memory_space<vmem_shared>>) target_semaphore(%run_scoped3A : memref<!tpu.dma_semaphore, #tpu.memory_space<semaphore_mem>>)
      %dma_wait3A_289 = arith.constant 0 : i32
      %dma_wait3A_290 = tpu.memref_slice %arg10[%add3A_12, %dma_wait3A_289] : memref<10240x128xf32, #tpu.memory_space<vmem_shared>> -> memref<128x128xf32, #tpu.memory_space<vmem_shared>>
      tpu.wait_dma2 semaphore(%run_scoped3A : memref<!tpu.dma_semaphore, #tpu.memory_space<semaphore_mem>>) src(%arg4 : memref<128x128xf32, #tpu.memory_space<hbm>>) dst(%dma_wait3A_290 : memref<128x128xf32, #tpu.memory_space<vmem_shared>>)
      tpu.yield
    }) : () -> ()
    %add3A_13 = arith.constant 512 : i32
    %add3A_14 = arith.addi %mul3A_4, %add3A_13 : i32
    "tpu.region"() ({
      %run_scoped3A = tpu.sem_alloc : memref<!tpu.dma_semaphore, #tpu.memory_space<semaphore_mem>>
      %dma_start3A_287 = arith.constant 0 : i32
      %dma_start3A_288 = tpu.memref_slice %arg10[%add3A_14, %dma_start3A_287] : memref<10240x128xf32, #tpu.memory_space<vmem_shared>> -> memref<128x128xf32, #tpu.memory_space<vmem_shared>>
      tpu.enqueue_dma source(%arg4 : memref<128x128xf32, #tpu.memory_space<hbm>>) target(%dma_start3A_288 : memref<128x128xf32, #tpu.memory_space<vmem_shared>>) target_semaphore(%run_scoped3A : memref<!tpu.dma_semaphore, #tpu.memory_space<semaphore_mem>>)
      %dma_wait3A_289 = arith.constant 0 : i32
      %dma_wait3A_290 = tpu.memref_slice %arg10[%add3A_14, %dma_wait3A_289] : memref<10240x128xf32, #tpu.memory_space<vmem_shared>> -> memref<128x128xf32, #tpu.memory_space<vmem_shared>>
      tpu.wait_dma2 semaphore(%run_scoped3A : memref<!tpu.dma_semaphore, #tpu.memory_space<semaphore_mem>>) src(%arg4 : memref<128x128xf32, #tpu.memory_space<hbm>>) dst(%dma_wait3A_290 : memref<128x128xf32, #tpu.memory_space<vmem_shared>>)
      tpu.yield
    }) : () -> ()
    %barrier3A = arith.constant 0 : index
    tpu.barrier barrier_id(%barrier3A)
    %rem3A = arith.constant 2 : i32
    %rem3A_15 = arith.remsi %add3A, %rem3A : i32
    %mul3A_16 = arith.constant 10000 : i32
    %mul3A_17 = arith.muli %rem3A_15, %mul3A_16 : i32
    %add3A_18 = arith.constant 0 : i32
    %add3A_19 = arith.addi %mul3A_2, %add3A_18 : i32
    %mul3A_20 = arith.constant 128 : i32
    %mul3A_21 = arith.muli %add3A_19, %mul3A_20 : i32
    %rem3A_22 = arith.constant 0 : i32
    %rem3A_23 = arith.constant 3 : i32
    %rem3A_24 = arith.remsi %rem3A_22, %rem3A_23 : i32
    %dma_start3A = arith.constant 0 : i32
    %dma_start3A_25 = tpu.memref_slice %arg6[%rem3A_24, %dma_start3A] : memref<3x128xi32, #tpu.memory_space<vmem>> -> memref<1x128xi32, #tpu.memory_space<vmem>>
    %dma_start3A_26 = tpu.memref_squeeze %dma_start3A_25 : memref<1x128xi32, #tpu.memory_space<vmem>> -> memref<128xi32, #tpu.memory_space<vmem>>
    %dma_start3A_27 = tpu.memref_slice %arg3[%mul3A_21] : memref<327680xi32, #tpu.memory_space<hbm>> -> memref<128xi32, #tpu.memory_space<hbm>>
    %dma_start3A_28 = arith.constant 0 : i32
    %dma_start3A_29 = tpu.memref_slice %arg6[%rem3A_24, %dma_start3A_28] : memref<3x128xi32, #tpu.memory_space<vmem>> -> memref<1x128xi32, #tpu.memory_space<vmem>>
    %dma_start3A_30 = tpu.memref_squeeze %dma_start3A_29 : memref<1x128xi32, #tpu.memory_space<vmem>> -> memref<128xi32, #tpu.memory_space<vmem>>
    %dma_start3A_31 = tpu.memref_slice %arg3[%mul3A_21] : memref<327680xi32, #tpu.memory_space<hbm>> -> memref<128xi32, #tpu.memory_space<hbm>>
    tpu.enqueue_dma source(%dma_start3A_31 : memref<128xi32, #tpu.memory_space<hbm>>) target(%dma_start3A_30 : memref<128xi32, #tpu.memory_space<vmem>>) target_semaphore(%arg12 : memref<!tpu.dma_semaphore, #tpu.memory_space<semaphore_mem>>)
    %add3A_32 = arith.constant 1 : i32
    %add3A_33 = arith.addi %mul3A_2, %add3A_32 : i32
    %mul3A_34 = arith.constant 128 : i32
    %mul3A_35 = arith.muli %add3A_33, %mul3A_34 : i32
    %rem3A_36 = arith.constant 1 : i32
    %rem3A_37 = arith.constant 3 : i32
    %rem3A_38 = arith.remsi %rem3A_36, %rem3A_37 : i32
    %dma_start3A_39 = arith.constant 0 : i32
    %dma_start3A_40 = tpu.memref_slice %arg6[%rem3A_38, %dma_start3A_39] : memref<3x128xi32, #tpu.memory_space<vmem>> -> memref<1x128xi32, #tpu.memory_space<vmem>>
    %dma_start3A_41 = tpu.memref_squeeze %dma_start3A_40 : memref<1x128xi32, #tpu.memory_space<vmem>> -> memref<128xi32, #tpu.memory_space<vmem>>
    %dma_start3A_42 = tpu.memref_slice %arg3[%mul3A_35] : memref<327680xi32, #tpu.memory_space<hbm>> -> memref<128xi32, #tpu.memory_space<hbm>>
    %dma_start3A_43 = arith.constant 0 : i32
    %dma_start3A_44 = tpu.memref_slice %arg6[%rem3A_38, %dma_start3A_43] : memref<3x128xi32, #tpu.memory_space<vmem>> -> memref<1x128xi32, #tpu.memory_space<vmem>>
    %dma_start3A_45 = tpu.memref_squeeze %dma_start3A_44 : memref<1x128xi32, #tpu.memory_space<vmem>> -> memref<128xi32, #tpu.memory_space<vmem>>
    %dma_start3A_46 = tpu.memref_slice %arg3[%mul3A_35] : memref<327680xi32, #tpu.memory_space<hbm>> -> memref<128xi32, #tpu.memory_space<hbm>>
    tpu.enqueue_dma source(%dma_start3A_46 : memref<128xi32, #tpu.memory_space<hbm>>) target(%dma_start3A_45 : memref<128xi32, #tpu.memory_space<vmem>>) target_semaphore(%arg12 : memref<!tpu.dma_semaphore, #tpu.memory_space<semaphore_mem>>)
    %dma_wait3A = arith.constant 0 : i32
    %dma_wait3A_47 = arith.constant 0 : i32
    %dma_wait3A_48 = tpu.memref_slice %arg6[%dma_wait3A, %dma_wait3A_47] : memref<3x128xi32, #tpu.memory_space<vmem>> -> memref<1x128xi32, #tpu.memory_space<vmem>>
    %dma_wait3A_49 = tpu.memref_squeeze %dma_wait3A_48 : memref<1x128xi32, #tpu.memory_space<vmem>> -> memref<128xi32, #tpu.memory_space<vmem>>
    %dma_wait3A_50 = arith.constant 0 : i32
    %dma_wait3A_51 = tpu.memref_slice %arg3[%dma_wait3A_50] : memref<327680xi32, #tpu.memory_space<hbm>> -> memref<128xi32, #tpu.memory_space<hbm>>
    %dma_wait3A_52 = arith.constant 0 : i32
    %dma_wait3A_53 = tpu.memref_slice %arg6[%dma_wait3A, %dma_wait3A_52] : memref<3x128xi32, #tpu.memory_space<vmem>> -> memref<1x128xi32, #tpu.memory_space<vmem>>
    %dma_wait3A_54 = tpu.memref_squeeze %dma_wait3A_53 : memref<1x128xi32, #tpu.memory_space<vmem>> -> memref<128xi32, #tpu.memory_space<vmem>>
    %dma_wait3A_55 = arith.constant 0 : i32
    %dma_wait3A_56 = tpu.memref_slice %arg3[%dma_wait3A_55] : memref<327680xi32, #tpu.memory_space<hbm>> -> memref<128xi32, #tpu.memory_space<hbm>>
    tpu.wait_dma2 semaphore(%arg12 : memref<!tpu.dma_semaphore, #tpu.memory_space<semaphore_mem>>) src(%dma_wait3A_56 : memref<128xi32, #tpu.memory_space<hbm>>) dst(%dma_wait3A_54 : memref<128xi32, #tpu.memory_space<vmem>>)
    %rem3A_57 = arith.constant 0 : i32
    %rem3A_58 = arith.constant 3 : i32
    %rem3A_59 = arith.remsi %rem3A_57, %rem3A_58 : i32
    %get3A = arith.index_cast %rem3A_59 : i32 to index
    %get3A_60 = arith.constant 0 : index
    %get3A_61 = tpu.vector_load %arg6[%get3A, %get3A_60] {strides = array<i32>} : memref<3x128xi32, #tpu.memory_space<vmem>>, vector<1x16xi32>,
    %get3A_62 = vector.shape_cast %get3A_61 : vector<1x16xi32> to vector<16xi32>
    %and3A = arith.constant 65535 : i32
    %and3A_63 = vector.broadcast %and3A : i32 to vector<16xi32>
    %and3A_64 = arith.andi %get3A_62, %and3A_63 : vector<16xi32>
    %add3A_65 = vector.broadcast %mul3A_17 : i32 to vector<16xi32>
    %add3A_66 = arith.addi %and3A_64, %add3A_65 : vector<16xi32>
    %swap3A = arith.constant 0 : i32
    %swap3A_67 = arith.index_cast %swap3A : i32 to index
    %swap3A_68 = arith.constant 0 : index
    %swap3A_69 = tpu.vector_load %arg7[%swap3A_67, %swap3A_68] {strides = array<i32>} : memref<2x128xi32, #tpu.memory_space<vmem>>, vector<1x16xi32>,
    %swap3A_70 = vector.shape_cast %swap3A_69 : vector<1x16xi32> to vector<16xi32>
    %swap3A_71 = vector.shape_cast %add3A_66 : vector<16xi32> to vector<1x16xi32>
    tpu.vector_store %arg7[%swap3A_67, %swap3A_68], %swap3A_71 {strides = array<i32>} : memref<2x128xi32, #tpu.memory_space<vmem>>, vector<1x16xi32>,
    %shift_right_arithmetic3A = arith.constant 16 : i32
    %shift_right_arithmetic3A_72 = vector.broadcast %shift_right_arithmetic3A : i32 to vector<16xi32>
    %shift_right_arithmetic3A_73 = arith.shrsi %get3A_62, %shift_right_arithmetic3A_72 : vector<16xi32>
    %swap3A_74 = arith.constant 0 : i32
    %swap3A_75 = arith.index_cast %swap3A_74 : i32 to index
    %swap3A_76 = arith.constant 0 : index
    %swap3A_77 = tpu.vector_load %arg8[%swap3A_75, %swap3A_76] {strides = array<i32>} : memref<2x128xi32, #tpu.memory_space<vmem>>, vector<1x16xi32>,
    %swap3A_78 = vector.shape_cast %swap3A_77 : vector<1x16xi32> to vector<16xi32>
    %swap3A_79 = vector.shape_cast %shift_right_arithmetic3A_73 : vector<16xi32> to vector<1x16xi32>
    tpu.vector_store %arg8[%swap3A_75, %swap3A_76], %swap3A_79 {strides = array<i32>} : memref<2x128xi32, #tpu.memory_space<vmem>>, vector<1x16xi32>,
    %get3A_80 = arith.index_cast %rem3A_59 : i32 to index
    %get3A_81 = arith.constant 16 : index
    %get3A_82 = tpu.vector_load %arg6[%get3A_80, %get3A_81] {strides = array<i32>} : memref<3x128xi32, #tpu.memory_space<vmem>>, vector<1x16xi32>,
    %get3A_83 = vector.shape_cast %get3A_82 : vector<1x16xi32> to vector<16xi32>
    %and3A_84 = arith.constant 65535 : i32
    %and3A_85 = vector.broadcast %and3A_84 : i32 to vector<16xi32>
    %and3A_86 = arith.andi %get3A_83, %and3A_85 : vector<16xi32>
    %add3A_87 = vector.broadcast %mul3A_17 : i32 to vector<16xi32>
    %add3A_88 = arith.addi %and3A_86, %add3A_87 : vector<16xi32>
    %swap3A_89 = arith.constant 0 : i32
    %swap3A_90 = arith.index_cast %swap3A_89 : i32 to index
    %swap3A_91 = arith.constant 16 : index
    %swap3A_92 = tpu.vector_load %arg7[%swap3A_90, %swap3A_91] {strides = array<i32>} : memref<2x128xi32, #tpu.memory_space<vmem>>, vector<1x16xi32>,
    %swap3A_93 = vector.shape_cast %swap3A_92 : vector<1x16xi32> to vector<16xi32>
    %swap3A_94 = vector.shape_cast %add3A_88 : vector<16xi32> to vector<1x16xi32>
    tpu.vector_store %arg7[%swap3A_90, %swap3A_91], %swap3A_94 {strides = array<i32>} : memref<2x128xi32, #tpu.memory_space<vmem>>, vector<1x16xi32>,
    %shift_right_arithmetic3A_95 = arith.constant 16 : i32
    %shift_right_arithmetic3A_96 = vector.broadcast %shift_right_arithmetic3A_95 : i32 to vector<16xi32>
    %shift_right_arithmetic3A_97 = arith.shrsi %get3A_83, %shift_right_arithmetic3A_96 : vector<16xi32>
    %swap3A_98 = arith.constant 0 : i32
    %swap3A_99 = arith.index_cast %swap3A_98 : i32 to index
    %swap3A_100 = arith.constant 16 : index
    %swap3A_101 = tpu.vector_load %arg8[%swap3A_99, %swap3A_100] {strides = array<i32>} : memref<2x128xi32, #tpu.memory_space<vmem>>, vector<1x16xi32>,
    %swap3A_102 = vector.shape_cast %swap3A_101 : vector<1x16xi32> to vector<16xi32>
    %swap3A_103 = vector.shape_cast %shift_right_arithmetic3A_97 : vector<16xi32> to vector<1x16xi32>
    tpu.vector_store %arg8[%swap3A_99, %swap3A_100], %swap3A_103 {strides = array<i32>} : memref<2x128xi32, #tpu.memory_space<vmem>>, vector<1x16xi32>,
    %get3A_104 = arith.index_cast %rem3A_59 : i32 to index
    %get3A_105 = arith.constant 32 : index
    %get3A_106 = tpu.vector_load %arg6[%get3A_104, %get3A_105] {strides = array<i32>} : memref<3x128xi32, #tpu.memory_space<vmem>>, vector<1x16xi32>,
    %get3A_107 = vector.shape_cast %get3A_106 : vector<1x16xi32> to vector<16xi32>
    %and3A_108 = arith.constant 65535 : i32
    %and3A_109 = vector.broadcast %and3A_108 : i32 to vector<16xi32>
    %and3A_110 = arith.andi %get3A_107, %and3A_109 : vector<16xi32>
    %add3A_111 = vector.broadcast %mul3A_17 : i32 to vector<16xi32>
    %add3A_112 = arith.addi %and3A_110, %add3A_111 : vector<16xi32>
    %swap3A_113 = arith.constant 0 : i32
    %swap3A_114 = arith.index_cast %swap3A_113 : i32 to index
    %swap3A_115 = arith.constant 32 : index
    %swap3A_116 = tpu.vector_load %arg7[%swap3A_114, %swap3A_115] {strides = array<i32>} : memref<2x128xi32, #tpu.memory_space<vmem>>, vector<1x16xi32>,
    %swap3A_117 = vector.shape_cast %swap3A_116 : vector<1x16xi32> to vector<16xi32>
    %swap3A_118 = vector.shape_cast %add3A_112 : vector<16xi32> to vector<1x16xi32>
    tpu.vector_store %arg7[%swap3A_114, %swap3A_115], %swap3A_118 {strides = array<i32>} : memref<2x128xi32, #tpu.memory_space<vmem>>, vector<1x16xi32>,
    %shift_right_arithmetic3A_119 = arith.constant 16 : i32
    %shift_right_arithmetic3A_120 = vector.broadcast %shift_right_arithmetic3A_119 : i32 to vector<16xi32>
    %shift_right_arithmetic3A_121 = arith.shrsi %get3A_107, %shift_right_arithmetic3A_120 : vector<16xi32>
    %swap3A_122 = arith.constant 0 : i32
    %swap3A_123 = arith.index_cast %swap3A_122 : i32 to index
    %swap3A_124 = arith.constant 32 : index
    %swap3A_125 = tpu.vector_load %arg8[%swap3A_123, %swap3A_124] {strides = array<i32>} : memref<2x128xi32, #tpu.memory_space<vmem>>, vector<1x16xi32>,
    %swap3A_126 = vector.shape_cast %swap3A_125 : vector<1x16xi32> to vector<16xi32>
    %swap3A_127 = vector.shape_cast %shift_right_arithmetic3A_121 : vector<16xi32> to vector<1x16xi32>
    tpu.vector_store %arg8[%swap3A_123, %swap3A_124], %swap3A_127 {strides = array<i32>} : memref<2x128xi32, #tpu.memory_space<vmem>>, vector<1x16xi32>,
    %get3A_128 = arith.index_cast %rem3A_59 : i32 to index
    %get3A_129 = arith.constant 48 : index
    %get3A_130 = tpu.vector_load %arg6[%get3A_128, %get3A_129] {strides = array<i32>} : memref<3x128xi32, #tpu.memory_space<vmem>>, vector<1x16xi32>,
    %get3A_131 = vector.shape_cast %get3A_130 : vector<1x16xi32> to vector<16xi32>
    %and3A_132 = arith.constant 65535 : i32
    %and3A_133 = vector.broadcast %and3A_132 : i32 to vector<16xi32>
    %and3A_134 = arith.andi %get3A_131, %and3A_133 : vector<16xi32>
    %add3A_135 = vector.broadcast %mul3A_17 : i32 to vector<16xi32>
    %add3A_136 = arith.addi %and3A_134, %add3A_135 : vector<16xi32>
    %swap3A_137 = arith.constant 0 : i32
    %swap3A_138 = arith.index_cast %swap3A_137 : i32 to index
    %swap3A_139 = arith.constant 48 : index
    %swap3A_140 = tpu.vector_load %arg7[%swap3A_138, %swap3A_139] {strides = array<i32>} : memref<2x128xi32, #tpu.memory_space<vmem>>, vector<1x16xi32>,
    %swap3A_141 = vector.shape_cast %swap3A_140 : vector<1x16xi32> to vector<16xi32>
    %swap3A_142 = vector.shape_cast %add3A_136 : vector<16xi32> to vector<1x16xi32>
    tpu.vector_store %arg7[%swap3A_138, %swap3A_139], %swap3A_142 {strides = array<i32>} : memref<2x128xi32, #tpu.memory_space<vmem>>, vector<1x16xi32>,
    %shift_right_arithmetic3A_143 = arith.constant 16 : i32
    %shift_right_arithmetic3A_144 = vector.broadcast %shift_right_arithmetic3A_143 : i32 to vector<16xi32>
    %shift_right_arithmetic3A_145 = arith.shrsi %get3A_131, %shift_right_arithmetic3A_144 : vector<16xi32>
    %swap3A_146 = arith.constant 0 : i32
    %swap3A_147 = arith.index_cast %swap3A_146 : i32 to index
    %swap3A_148 = arith.constant 48 : index
    %swap3A_149 = tpu.vector_load %arg8[%swap3A_147, %swap3A_148] {strides = array<i32>} : memref<2x128xi32, #tpu.memory_space<vmem>>, vector<1x16xi32>,
    %swap3A_150 = vector.shape_cast %swap3A_149 : vector<1x16xi32> to vector<16xi32>
    %swap3A_151 = vector.shape_cast %shift_right_arithmetic3A_145 : vector<16xi32> to vector<1x16xi32>
    tpu.vector_store %arg8[%swap3A_147, %swap3A_148], %swap3A_151 {strides = array<i32>} : memref<2x128xi32, #tpu.memory_space<vmem>>, vector<1x16xi32>,
    %get3A_152 = arith.index_cast %rem3A_59 : i32 to index
    %get3A_153 = arith.constant 64 : index
    %get3A_154 = tpu.vector_load %arg6[%get3A_152, %get3A_153] {strides = array<i32>} : memref<3x128xi32, #tpu.memory_space<vmem>>, vector<1x16xi32>,
    %get3A_155 = vector.shape_cast %get3A_154 : vector<1x16xi32> to vector<16xi32>
    %and3A_156 = arith.constant 65535 : i32
    %and3A_157 = vector.broadcast %and3A_156 : i32 to vector<16xi32>
    %and3A_158 = arith.andi %get3A_155, %and3A_157 : vector<16xi32>
    %add3A_159 = vector.broadcast %mul3A_17 : i32 to vector<16xi32>
    %add3A_160 = arith.addi %and3A_158, %add3A_159 : vector<16xi32>
    %swap3A_161 = arith.constant 0 : i32
    %swap3A_162 = arith.index_cast %swap3A_161 : i32 to index
    %swap3A_163 = arith.constant 64 : index
    %swap3A_164 = tpu.vector_load %arg7[%swap3A_162, %swap3A_163] {strides = array<i32>} : memref<2x128xi32, #tpu.memory_space<vmem>>, vector<1x16xi32>,
    %swap3A_165 = vector.shape_cast %swap3A_164 : vector<1x16xi32> to vector<16xi32>
    %swap3A_166 = vector.shape_cast %add3A_160 : vector<16xi32> to vector<1x16xi32>
    tpu.vector_store %arg7[%swap3A_162, %swap3A_163], %swap3A_166 {strides = array<i32>} : memref<2x128xi32, #tpu.memory_space<vmem>>, vector<1x16xi32>,
    %shift_right_arithmetic3A_167 = arith.constant 16 : i32
    %shift_right_arithmetic3A_168 = vector.broadcast %shift_right_arithmetic3A_167 : i32 to vector<16xi32>
    %shift_right_arithmetic3A_169 = arith.shrsi %get3A_155, %shift_right_arithmetic3A_168 : vector<16xi32>
    %swap3A_170 = arith.constant 0 : i32
    %swap3A_171 = arith.index_cast %swap3A_170 : i32 to index
    %swap3A_172 = arith.constant 64 : index
    %swap3A_173 = tpu.vector_load %arg8[%swap3A_171, %swap3A_172] {strides = array<i32>} : memref<2x128xi32, #tpu.memory_space<vmem>>, vector<1x16xi32>,
    %swap3A_174 = vector.shape_cast %swap3A_173 : vector<1x16xi32> to vector<16xi32>
    %swap3A_175 = vector.shape_cast %shift_right_arithmetic3A_169 : vector<16xi32> to vector<1x16xi32>
    tpu.vector_store %arg8[%swap3A_171, %swap3A_172], %swap3A_175 {strides = array<i32>} : memref<2x128xi32, #tpu.memory_space<vmem>>, vector<1x16xi32>,
    %get3A_176 = arith.index_cast %rem3A_59 : i32 to index
    %get3A_177 = arith.constant 80 : index
    %get3A_178 = tpu.vector_load %arg6[%get3A_176, %get3A_177] {strides = array<i32>} : memref<3x128xi32, #tpu.memory_space<vmem>>, vector<1x16xi32>,
    %get3A_179 = vector.shape_cast %get3A_178 : vector<1x16xi32> to vector<16xi32>
    %and3A_180 = arith.constant 65535 : i32
    %and3A_181 = vector.broadcast %and3A_180 : i32 to vector<16xi32>
    %and3A_182 = arith.andi %get3A_179, %and3A_181 : vector<16xi32>
    %add3A_183 = vector.broadcast %mul3A_17 : i32 to vector<16xi32>
    %add3A_184 = arith.addi %and3A_182, %add3A_183 : vector<16xi32>
    %swap3A_185 = arith.constant 0 : i32
    %swap3A_186 = arith.index_cast %swap3A_185 : i32 to index
    %swap3A_187 = arith.constant 80 : index
    %swap3A_188 = tpu.vector_load %arg7[%swap3A_186, %swap3A_187] {strides = array<i32>} : memref<2x128xi32, #tpu.memory_space<vmem>>, vector<1x16xi32>,
    %swap3A_189 = vector.shape_cast %swap3A_188 : vector<1x16xi32> to vector<16xi32>
    %swap3A_190 = vector.shape_cast %add3A_184 : vector<16xi32> to vector<1x16xi32>
    tpu.vector_store %arg7[%swap3A_186, %swap3A_187], %swap3A_190 {strides = array<i32>} : memref<2x128xi32, #tpu.memory_space<vmem>>, vector<1x16xi32>,
    %shift_right_arithmetic3A_191 = arith.constant 16 : i32
    %shift_right_arithmetic3A_192 = vector.broadcast %shift_right_arithmetic3A_191 : i32 to vector<16xi32>
    %shift_right_arithmetic3A_193 = arith.shrsi %get3A_179, %shift_right_arithmetic3A_192 : vector<16xi32>
    %swap3A_194 = arith.constant 0 : i32
    %swap3A_195 = arith.index_cast %swap3A_194 : i32 to index
    %swap3A_196 = arith.constant 80 : index
    %swap3A_197 = tpu.vector_load %arg8[%swap3A_195, %swap3A_196] {strides = array<i32>} : memref<2x128xi32, #tpu.memory_space<vmem>>, vector<1x16xi32>,
    %swap3A_198 = vector.shape_cast %swap3A_197 : vector<1x16xi32> to vector<16xi32>
    %swap3A_199 = vector.shape_cast %shift_right_arithmetic3A_193 : vector<16xi32> to vector<1x16xi32>
    tpu.vector_store %arg8[%swap3A_195, %swap3A_196], %swap3A_199 {strides = array<i32>} : memref<2x128xi32, #tpu.memory_space<vmem>>, vector<1x16xi32>,
    %get3A_200 = arith.index_cast %rem3A_59 : i32 to index
    %get3A_201 = arith.constant 96 : index
    %get3A_202 = tpu.vector_load %arg6[%get3A_200, %get3A_201] {strides = array<i32>} : memref<3x128xi32, #tpu.memory_space<vmem>>, vector<1x16xi32>,
    %get3A_203 = vector.shape_cast %get3A_202 : vector<1x16xi32> to vector<16xi32>
    %and3A_204 = arith.constant 65535 : i32
    %and3A_205 = vector.broadcast %and3A_204 : i32 to vector<16xi32>
    %and3A_206 = arith.andi %get3A_203, %and3A_205 : vector<16xi32>
    %add3A_207 = vector.broadcast %mul3A_17 : i32 to vector<16xi32>
    %add3A_208 = arith.addi %and3A_206, %add3A_207 : vector<16xi32>
    %swap3A_209 = arith.constant 0 : i32
    %swap3A_210 = arith.index_cast %swap3A_209 : i32 to index
    %swap3A_211 = arith.constant 96 : index
    %swap3A_212 = tpu.vector_load %arg7[%swap3A_210, %swap3A_211] {strides = array<i32>} : memref<2x128xi32, #tpu.memory_space<vmem>>, vector<1x16xi32>,
    %swap3A_213 = vector.shape_cast %swap3A_212 : vector<1x16xi32> to vector<16xi32>
    %swap3A_214 = vector.shape_cast %add3A_208 : vector<16xi32> to vector<1x16xi32>
    tpu.vector_store %arg7[%swap3A_210, %swap3A_211], %swap3A_214 {strides = array<i32>} : memref<2x128xi32, #tpu.memory_space<vmem>>, vector<1x16xi32>,
    %shift_right_arithmetic3A_215 = arith.constant 16 : i32
    %shift_right_arithmetic3A_216 = vector.broadcast %shift_right_arithmetic3A_215 : i32 to vector<16xi32>
    %shift_right_arithmetic3A_217 = arith.shrsi %get3A_203, %shift_right_arithmetic3A_216 : vector<16xi32>
    %swap3A_218 = arith.constant 0 : i32
    %swap3A_219 = arith.index_cast %swap3A_218 : i32 to index
    %swap3A_220 = arith.constant 96 : index
    %swap3A_221 = tpu.vector_load %arg8[%swap3A_219, %swap3A_220] {strides = array<i32>} : memref<2x128xi32, #tpu.memory_space<vmem>>, vector<1x16xi32>,
    %swap3A_222 = vector.shape_cast %swap3A_221 : vector<1x16xi32> to vector<16xi32>
    %swap3A_223 = vector.shape_cast %shift_right_arithmetic3A_217 : vector<16xi32> to vector<1x16xi32>
    tpu.vector_store %arg8[%swap3A_219, %swap3A_220], %swap3A_223 {strides = array<i32>} : memref<2x128xi32, #tpu.memory_space<vmem>>, vector<1x16xi32>,
    %get3A_224 = arith.index_cast %rem3A_59 : i32 to index
    %get3A_225 = arith.constant 112 : index
    %get3A_226 = tpu.vector_load %arg6[%get3A_224, %get3A_225] {strides = array<i32>} : memref<3x128xi32, #tpu.memory_space<vmem>>, vector<1x16xi32>,
    %get3A_227 = vector.shape_cast %get3A_226 : vector<1x16xi32> to vector<16xi32>
    %and3A_228 = arith.constant 65535 : i32
    %and3A_229 = vector.broadcast %and3A_228 : i32 to vector<16xi32>
    %and3A_230 = arith.andi %get3A_227, %and3A_229 : vector<16xi32>
    %add3A_231 = vector.broadcast %mul3A_17 : i32 to vector<16xi32>
    %add3A_232 = arith.addi %and3A_230, %add3A_231 : vector<16xi32>
    %swap3A_233 = arith.constant 0 : i32
    %swap3A_234 = arith.index_cast %swap3A_233 : i32 to index
    %swap3A_235 = arith.constant 112 : index
    %swap3A_236 = tpu.vector_load %arg7[%swap3A_234, %swap3A_235] {strides = array<i32>} : memref<2x128xi32, #tpu.memory_space<vmem>>, vector<1x16xi32>,
    %swap3A_237 = vector.shape_cast %swap3A_236 : vector<1x16xi32> to vector<16xi32>
    %swap3A_238 = vector.shape_cast %add3A_232 : vector<16xi32> to vector<1x16xi32>
    tpu.vector_store %arg7[%swap3A_234, %swap3A_235], %swap3A_238 {strides = array<i32>} : memref<2x128xi32, #tpu.memory_space<vmem>>, vector<1x16xi32>,
    %shift_right_arithmetic3A_239 = arith.constant 16 : i32
    %shift_right_arithmetic3A_240 = vector.broadcast %shift_right_arithmetic3A_239 : i32 to vector<16xi32>
    %shift_right_arithmetic3A_241 = arith.shrsi %get3A_227, %shift_right_arithmetic3A_240 : vector<16xi32>
    %swap3A_242 = arith.constant 0 : i32
    %swap3A_243 = arith.index_cast %swap3A_242 : i32 to index
    %swap3A_244 = arith.constant 112 : index
    %swap3A_245 = tpu.vector_load %arg8[%swap3A_243, %swap3A_244] {strides = array<i32>} : memref<2x128xi32, #tpu.memory_space<vmem>>, vector<1x16xi32>,
    %swap3A_246 = vector.shape_cast %swap3A_245 : vector<1x16xi32> to vector<16xi32>
    %swap3A_247 = vector.shape_cast %shift_right_arithmetic3A_241 : vector<16xi32> to vector<1x16xi32>
    tpu.vector_store %arg8[%swap3A_243, %swap3A_244], %swap3A_247 {strides = array<i32>} : memref<2x128xi32, #tpu.memory_space<vmem>>, vector<1x16xi32>,
    %dma_start3A_248 = arith.constant 0 : i32
    %dma_start3A_249 = arith.constant 0 : i32
    %dma_start3A_250 = arith.constant 0 : i32
    %dma_start3A_251 = arith.constant 0 : i32
    %dma_start3A_252 = tpu.memref_slice %arg9[%dma_start3A_249, %dma_start3A_250, %dma_start3A_251] : memref<2x128x128xf32, #tpu.memory_space<vmem>> -> memref<1x128x128xf32, #tpu.memory_space<vmem>>
    %dma_start3A_253 = tpu.memref_squeeze %dma_start3A_252 : memref<1x128x128xf32, #tpu.memory_space<vmem>> -> memref<128x128xf32, #tpu.memory_space<vmem>>
    %dma_start3A_254 = arith.constant 0 : i32
    %dma_start3A_255 = tpu.memref_slice %arg7[%dma_start3A_248, %dma_start3A_254] : memref<2x128xi32, #tpu.memory_space<vmem>> -> memref<1x128xi32, #tpu.memory_space<vmem>>
    %dma_start3A_256 = tpu.memref_squeeze %dma_start3A_255 : memref<1x128xi32, #tpu.memory_space<vmem>> -> memref<128xi32, #tpu.memory_space<vmem>>
    %dma_start3A_257 = arith.constant 0 : i32
    %dma_start3A_258 = arith.constant 0 : i32
    %dma_start3A_259 = tpu.memref_slice %arg2[%dma_start3A_257, %dma_start3A_258] : memref<20000x128xf32, #tpu.memory_space<hbm>> -> memref<20000x128xf32, #tpu.memory_space<hbm>>
    tpu.enqueue_indirect_dma source(%dma_start3A_259 : memref<20000x128xf32, #tpu.memory_space<hbm>>) target(%dma_start3A_253 : memref<128x128xf32, #tpu.memory_space<vmem>>) offsets(%dma_start3A_256 : memref<128xi32, #tpu.memory_space<vmem>>) semaphore(%arg11 : memref<!tpu.dma_semaphore, #tpu.memory_space<semaphore_mem>>)
    %scan3A = arith.constant 0 : i32
    %scan3A_260 = arith.constant 0 : i32
    %scan3A_261 = arith.constant 80 : i32
    %scan3A_262 = arith.addi %scan3A_260, %scan3A_261 : i32
    %scan3A_263 = arith.constant 1 : i32
    %scan3A_264 = scf.for %scan3A_287 = %scan3A_260 to %scan3A_262 step %scan3A_263 iter_args(%scan3A_288 = %scan3A) -> (i32)  : i32 {
      %add3A_289 = arith.constant 2 : i32
      %add3A_290 = arith.addi %scan3A_287, %add3A_289 : i32
      %lt3A = arith.constant 80 : i32
      %lt3A_291 = arith.cmpi slt, %add3A_290, %lt3A : i32
      %convert_element_type3A = arith.extui %lt3A_291 : i1 to i32
      %cond3A = arith.constant 0 : i32
      %cond3A_292 = arith.cmpi ne, %convert_element_type3A, %cond3A : i32
      scf.if %cond3A_292 {
        %add3A_313 = arith.constant 2 : i32
        %add3A_314 = arith.addi %scan3A_287, %add3A_313 : i32
        %add3A_315 = arith.addi %mul3A_2, %add3A_314 : i32
        %mul3A_316 = arith.constant 128 : i32
        %mul3A_317 = arith.muli %add3A_315, %mul3A_316 : i32
        %rem3A_318 = arith.constant 3 : i32
        %rem3A_319 = arith.remsi %add3A_314, %rem3A_318 : i32
        %dma_start3A_320 = arith.constant 0 : i32
        %dma_start3A_321 = tpu.memref_slice %arg6[%rem3A_319, %dma_start3A_320] : memref<3x128xi32, #tpu.memory_space<vmem>> -> memref<1x128xi32, #tpu.memory_space<vmem>>
        %dma_start3A_322 = tpu.memref_squeeze %dma_start3A_321 : memref<1x128xi32, #tpu.memory_space<vmem>> -> memref<128xi32, #tpu.memory_space<vmem>>
        %dma_start3A_323 = tpu.memref_slice %arg3[%mul3A_317] : memref<327680xi32, #tpu.memory_space<hbm>> -> memref<128xi32, #tpu.memory_space<hbm>>
        %dma_start3A_324 = arith.constant 0 : i32
        %dma_start3A_325 = tpu.memref_slice %arg6[%rem3A_319, %dma_start3A_324] : memref<3x128xi32, #tpu.memory_space<vmem>> -> memref<1x128xi32, #tpu.memory_space<vmem>>
        %dma_start3A_326 = tpu.memref_squeeze %dma_start3A_325 : memref<1x128xi32, #tpu.memory_space<vmem>> -> memref<128xi32, #tpu.memory_space<vmem>>
        %dma_start3A_327 = tpu.memref_slice %arg3[%mul3A_317] : memref<327680xi32, #tpu.memory_space<hbm>> -> memref<128xi32, #tpu.memory_space<hbm>>
        tpu.enqueue_dma source(%dma_start3A_327 : memref<128xi32, #tpu.memory_space<hbm>>) target(%dma_start3A_326 : memref<128xi32, #tpu.memory_space<vmem>>) target_semaphore(%arg12 : memref<!tpu.dma_semaphore, #tpu.memory_space<semaphore_mem>>)
      } else {
      }
      %add3A_293 = arith.constant 1 : i32
      %add3A_294 = arith.addi %scan3A_287, %add3A_293 : i32
      %lt3A_295 = arith.constant 80 : i32
      %lt3A_296 = arith.cmpi slt, %add3A_294, %lt3A_295 : i32
      %convert_element_type3A_297 = arith.extui %lt3A_296 : i1 to i32
      %cond3A_298 = arith.constant 0 : i32
      %cond3A_299 = arith.cmpi ne, %convert_element_type3A_297, %cond3A_298 : i32
      scf.if %cond3A_299 {
        %add3A_313 = arith.constant 1 : i32
        %add3A_314 = arith.addi %scan3A_287, %add3A_313 : i32
        %rem3A_315 = arith.constant 2 : i32
        %rem3A_316 = arith.remsi %add3A_314, %rem3A_315 : i32
        %dma_wait3A_317 = arith.constant 0 : i32
        %dma_wait3A_318 = arith.constant 0 : i32
        %dma_wait3A_319 = tpu.memref_slice %arg6[%dma_wait3A_317, %dma_wait3A_318] : memref<3x128xi32, #tpu.memory_space<vmem>> -> memref<1x128xi32, #tpu.memory_space<vmem>>
        %dma_wait3A_320 = tpu.memref_squeeze %dma_wait3A_319 : memref<1x128xi32, #tpu.memory_space<vmem>> -> memref<128xi32, #tpu.memory_space<vmem>>
        %dma_wait3A_321 = arith.constant 0 : i32
        %dma_wait3A_322 = tpu.memref_slice %arg3[%dma_wait3A_321] : memref<327680xi32, #tpu.memory_space<hbm>> -> memref<128xi32, #tpu.memory_space<hbm>>
        %dma_wait3A_323 = arith.constant 0 : i32
        %dma_wait3A_324 = tpu.memref_slice %arg6[%dma_wait3A_317, %dma_wait3A_323] : memref<3x128xi32, #tpu.memory_space<vmem>> -> memref<1x128xi32, #tpu.memory_space<vmem>>
        %dma_wait3A_325 = tpu.memref_squeeze %dma_wait3A_324 : memref<1x128xi32, #tpu.memory_space<vmem>> -> memref<128xi32, #tpu.memory_space<vmem>>
        %dma_wait3A_326 = arith.constant 0 : i32
        %dma_wait3A_327 = tpu.memref_slice %arg3[%dma_wait3A_326] : memref<327680xi32, #tpu.memory_space<hbm>> -> memref<128xi32, #tpu.memory_space<hbm>>
        tpu.wait_dma2 semaphore(%arg12 : memref<!tpu.dma_semaphore, #tpu.memory_space<semaphore_mem>>) src(%dma_wait3A_327 : memref<128xi32, #tpu.memory_space<hbm>>) dst(%dma_wait3A_325 : memref<128xi32, #tpu.memory_space<vmem>>)
        %add3A_328 = arith.constant 1 : i32
        %add3A_329 = arith.addi %scan3A_287, %add3A_328 : i32
        %rem3A_330 = arith.constant 3 : i32
        %rem3A_331 = arith.remsi %add3A_329, %rem3A_330 : i32
        %get3A_332 = arith.index_cast %rem3A_331 : i32 to index
        %get3A_333 = arith.constant 0 : index
        %get3A_334 = tpu.vector_load %arg6[%get3A_332, %get3A_333] {strides = array<i32>} : memref<3x128xi32, #tpu.memory_space<vmem>>, vector<1x16xi32>,
        %get3A_335 = vector.shape_cast %get3A_334 : vector<1x16xi32> to vector<16xi32>
        %and3A_336 = arith.constant 65535 : i32
        %and3A_337 = vector.broadcast %and3A_336 : i32 to vector<16xi32>
        %and3A_338 = arith.andi %get3A_335, %and3A_337 : vector<16xi32>
        %add3A_339 = vector.broadcast %mul3A_17 : i32 to vector<16xi32>
        %add3A_340 = arith.addi %and3A_338, %add3A_339 : vector<16xi32>
        %swap3A_341 = arith.index_cast %rem3A_316 : i32 to index
        %swap3A_342 = arith.constant 0 : index
        %swap3A_343 = tpu.vector_load %arg7[%swap3A_341, %swap3A_342] {strides = array<i32>} : memref<2x128xi32, #tpu.memory_space<vmem>>, vector<1x16xi32>,
        %swap3A_344 = vector.shape_cast %swap3A_343 : vector<1x16xi32> to vector<16xi32>
        %swap3A_345 = vector.shape_cast %add3A_340 : vector<16xi32> to vector<1x16xi32>
        tpu.vector_store %arg7[%swap3A_341, %swap3A_342], %swap3A_345 {strides = array<i32>} : memref<2x128xi32, #tpu.memory_space<vmem>>, vector<1x16xi32>,
        %shift_right_arithmetic3A_346 = arith.constant 16 : i32
        %shift_right_arithmetic3A_347 = vector.broadcast %shift_right_arithmetic3A_346 : i32 to vector<16xi32>
        %shift_right_arithmetic3A_348 = arith.shrsi %get3A_335, %shift_right_arithmetic3A_347 : vector<16xi32>
        %swap3A_349 = arith.index_cast %rem3A_316 : i32 to index
        %swap3A_350 = arith.constant 0 : index
        %swap3A_351 = tpu.vector_load %arg8[%swap3A_349, %swap3A_350] {strides = array<i32>} : memref<2x128xi32, #tpu.memory_space<vmem>>, vector<1x16xi32>,
        %swap3A_352 = vector.shape_cast %swap3A_351 : vector<1x16xi32> to vector<16xi32>
        %swap3A_353 = vector.shape_cast %shift_right_arithmetic3A_348 : vector<16xi32> to vector<1x16xi32>
        tpu.vector_store %arg8[%swap3A_349, %swap3A_350], %swap3A_353 {strides = array<i32>} : memref<2x128xi32, #tpu.memory_space<vmem>>, vector<1x16xi32>,
        %get3A_354 = arith.index_cast %rem3A_331 : i32 to index
        %get3A_355 = arith.constant 16 : index
        %get3A_356 = tpu.vector_load %arg6[%get3A_354, %get3A_355] {strides = array<i32>} : memref<3x128xi32, #tpu.memory_space<vmem>>, vector<1x16xi32>,
        %get3A_357 = vector.shape_cast %get3A_356 : vector<1x16xi32> to vector<16xi32>
        %and3A_358 = arith.constant 65535 : i32
        %and3A_359 = vector.broadcast %and3A_358 : i32 to vector<16xi32>
        %and3A_360 = arith.andi %get3A_357, %and3A_359 : vector<16xi32>
        %add3A_361 = vector.broadcast %mul3A_17 : i32 to vector<16xi32>
        %add3A_362 = arith.addi %and3A_360, %add3A_361 : vector<16xi32>
        %swap3A_363 = arith.index_cast %rem3A_316 : i32 to index
        %swap3A_364 = arith.constant 16 : index
        %swap3A_365 = tpu.vector_load %arg7[%swap3A_363, %swap3A_364] {strides = array<i32>} : memref<2x128xi32, #tpu.memory_space<vmem>>, vector<1x16xi32>,
        %swap3A_366 = vector.shape_cast %swap3A_365 : vector<1x16xi32> to vector<16xi32>
        %swap3A_367 = vector.shape_cast %add3A_362 : vector<16xi32> to vector<1x16xi32>
        tpu.vector_store %arg7[%swap3A_363, %swap3A_364], %swap3A_367 {strides = array<i32>} : memref<2x128xi32, #tpu.memory_space<vmem>>, vector<1x16xi32>,
        %shift_right_arithmetic3A_368 = arith.constant 16 : i32
        %shift_right_arithmetic3A_369 = vector.broadcast %shift_right_arithmetic3A_368 : i32 to vector<16xi32>
        %shift_right_arithmetic3A_370 = arith.shrsi %get3A_357, %shift_right_arithmetic3A_369 : vector<16xi32>
        %swap3A_371 = arith.index_cast %rem3A_316 : i32 to index
        %swap3A_372 = arith.constant 16 : index
        %swap3A_373 = tpu.vector_load %arg8[%swap3A_371, %swap3A_372] {strides = array<i32>} : memref<2x128xi32, #tpu.memory_space<vmem>>, vector<1x16xi32>,
        %swap3A_374 = vector.shape_cast %swap3A_373 : vector<1x16xi32> to vector<16xi32>
        %swap3A_375 = vector.shape_cast %shift_right_arithmetic3A_370 : vector<16xi32> to vector<1x16xi32>
        tpu.vector_store %arg8[%swap3A_371, %swap3A_372], %swap3A_375 {strides = array<i32>} : memref<2x128xi32, #tpu.memory_space<vmem>>, vector<1x16xi32>,
        %get3A_376 = arith.index_cast %rem3A_331 : i32 to index
        %get3A_377 = arith.constant 32 : index
        %get3A_378 = tpu.vector_load %arg6[%get3A_376, %get3A_377] {strides = array<i32>} : memref<3x128xi32, #tpu.memory_space<vmem>>, vector<1x16xi32>,
        %get3A_379 = vector.shape_cast %get3A_378 : vector<1x16xi32> to vector<16xi32>
        %and3A_380 = arith.constant 65535 : i32
        %and3A_381 = vector.broadcast %and3A_380 : i32 to vector<16xi32>
        %and3A_382 = arith.andi %get3A_379, %and3A_381 : vector<16xi32>
        %add3A_383 = vector.broadcast %mul3A_17 : i32 to vector<16xi32>
        %add3A_384 = arith.addi %and3A_382, %add3A_383 : vector<16xi32>
        %swap3A_385 = arith.index_cast %rem3A_316 : i32 to index
        %swap3A_386 = arith.constant 32 : index
        %swap3A_387 = tpu.vector_load %arg7[%swap3A_385, %swap3A_386] {strides = array<i32>} : memref<2x128xi32, #tpu.memory_space<vmem>>, vector<1x16xi32>,
        %swap3A_388 = vector.shape_cast %swap3A_387 : vector<1x16xi32> to vector<16xi32>
        %swap3A_389 = vector.shape_cast %add3A_384 : vector<16xi32> to vector<1x16xi32>
        tpu.vector_store %arg7[%swap3A_385, %swap3A_386], %swap3A_389 {strides = array<i32>} : memref<2x128xi32, #tpu.memory_space<vmem>>, vector<1x16xi32>,
        %shift_right_arithmetic3A_390 = arith.constant 16 : i32
        %shift_right_arithmetic3A_391 = vector.broadcast %shift_right_arithmetic3A_390 : i32 to vector<16xi32>
        %shift_right_arithmetic3A_392 = arith.shrsi %get3A_379, %shift_right_arithmetic3A_391 : vector<16xi32>
        %swap3A_393 = arith.index_cast %rem3A_316 : i32 to index
        %swap3A_394 = arith.constant 32 : index
        %swap3A_395 = tpu.vector_load %arg8[%swap3A_393, %swap3A_394] {strides = array<i32>} : memref<2x128xi32, #tpu.memory_space<vmem>>, vector<1x16xi32>,
        %swap3A_396 = vector.shape_cast %swap3A_395 : vector<1x16xi32> to vector<16xi32>
        %swap3A_397 = vector.shape_cast %shift_right_arithmetic3A_392 : vector<16xi32> to vector<1x16xi32>
        tpu.vector_store %arg8[%swap3A_393, %swap3A_394], %swap3A_397 {strides = array<i32>} : memref<2x128xi32, #tpu.memory_space<vmem>>, vector<1x16xi32>,
        %get3A_398 = arith.index_cast %rem3A_331 : i32 to index
        %get3A_399 = arith.constant 48 : index
        %get3A_400 = tpu.vector_load %arg6[%get3A_398, %get3A_399] {strides = array<i32>} : memref<3x128xi32, #tpu.memory_space<vmem>>, vector<1x16xi32>,
        %get3A_401 = vector.shape_cast %get3A_400 : vector<1x16xi32> to vector<16xi32>
        %and3A_402 = arith.constant 65535 : i32
        %and3A_403 = vector.broadcast %and3A_402 : i32 to vector<16xi32>
        %and3A_404 = arith.andi %get3A_401, %and3A_403 : vector<16xi32>
        %add3A_405 = vector.broadcast %mul3A_17 : i32 to vector<16xi32>
        %add3A_406 = arith.addi %and3A_404, %add3A_405 : vector<16xi32>
        %swap3A_407 = arith.index_cast %rem3A_316 : i32 to index
        %swap3A_408 = arith.constant 48 : index
        %swap3A_409 = tpu.vector_load %arg7[%swap3A_407, %swap3A_408] {strides = array<i32>} : memref<2x128xi32, #tpu.memory_space<vmem>>, vector<1x16xi32>,
        %swap3A_410 = vector.shape_cast %swap3A_409 : vector<1x16xi32> to vector<16xi32>
        %swap3A_411 = vector.shape_cast %add3A_406 : vector<16xi32> to vector<1x16xi32>
        tpu.vector_store %arg7[%swap3A_407, %swap3A_408], %swap3A_411 {strides = array<i32>} : memref<2x128xi32, #tpu.memory_space<vmem>>, vector<1x16xi32>,
        %shift_right_arithmetic3A_412 = arith.constant 16 : i32
        %shift_right_arithmetic3A_413 = vector.broadcast %shift_right_arithmetic3A_412 : i32 to vector<16xi32>
        %shift_right_arithmetic3A_414 = arith.shrsi %get3A_401, %shift_right_arithmetic3A_413 : vector<16xi32>
        %swap3A_415 = arith.index_cast %rem3A_316 : i32 to index
        %swap3A_416 = arith.constant 48 : index
        %swap3A_417 = tpu.vector_load %arg8[%swap3A_415, %swap3A_416] {strides = array<i32>} : memref<2x128xi32, #tpu.memory_space<vmem>>, vector<1x16xi32>,
        %swap3A_418 = vector.shape_cast %swap3A_417 : vector<1x16xi32> to vector<16xi32>
        %swap3A_419 = vector.shape_cast %shift_right_arithmetic3A_414 : vector<16xi32> to vector<1x16xi32>
        tpu.vector_store %arg8[%swap3A_415, %swap3A_416], %swap3A_419 {strides = array<i32>} : memref<2x128xi32, #tpu.memory_space<vmem>>, vector<1x16xi32>,
        %get3A_420 = arith.index_cast %rem3A_331 : i32 to index
        %get3A_421 = arith.constant 64 : index
        %get3A_422 = tpu.vector_load %arg6[%get3A_420, %get3A_421] {strides = array<i32>} : memref<3x128xi32, #tpu.memory_space<vmem>>, vector<1x16xi32>,
        %get3A_423 = vector.shape_cast %get3A_422 : vector<1x16xi32> to vector<16xi32>
        %and3A_424 = arith.constant 65535 : i32
        %and3A_425 = vector.broadcast %and3A_424 : i32 to vector<16xi32>
        %and3A_426 = arith.andi %get3A_423, %and3A_425 : vector<16xi32>
        %add3A_427 = vector.broadcast %mul3A_17 : i32 to vector<16xi32>
        %add3A_428 = arith.addi %and3A_426, %add3A_427 : vector<16xi32>
        %swap3A_429 = arith.index_cast %rem3A_316 : i32 to index
        %swap3A_430 = arith.constant 64 : index
        %swap3A_431 = tpu.vector_load %arg7[%swap3A_429, %swap3A_430] {strides = array<i32>} : memref<2x128xi32, #tpu.memory_space<vmem>>, vector<1x16xi32>,
        %swap3A_432 = vector.shape_cast %swap3A_431 : vector<1x16xi32> to vector<16xi32>
        %swap3A_433 = vector.shape_cast %add3A_428 : vector<16xi32> to vector<1x16xi32>
        tpu.vector_store %arg7[%swap3A_429, %swap3A_430], %swap3A_433 {strides = array<i32>} : memref<2x128xi32, #tpu.memory_space<vmem>>, vector<1x16xi32>,
        %shift_right_arithmetic3A_434 = arith.constant 16 : i32
        %shift_right_arithmetic3A_435 = vector.broadcast %shift_right_arithmetic3A_434 : i32 to vector<16xi32>
        %shift_right_arithmetic3A_436 = arith.shrsi %get3A_423, %shift_right_arithmetic3A_435 : vector<16xi32>
        %swap3A_437 = arith.index_cast %rem3A_316 : i32 to index
        %swap3A_438 = arith.constant 64 : index
        %swap3A_439 = tpu.vector_load %arg8[%swap3A_437, %swap3A_438] {strides = array<i32>} : memref<2x128xi32, #tpu.memory_space<vmem>>, vector<1x16xi32>,
        %swap3A_440 = vector.shape_cast %swap3A_439 : vector<1x16xi32> to vector<16xi32>
        %swap3A_441 = vector.shape_cast %shift_right_arithmetic3A_436 : vector<16xi32> to vector<1x16xi32>
        tpu.vector_store %arg8[%swap3A_437, %swap3A_438], %swap3A_441 {strides = array<i32>} : memref<2x128xi32, #tpu.memory_space<vmem>>, vector<1x16xi32>,
        %get3A_442 = arith.index_cast %rem3A_331 : i32 to index
        %get3A_443 = arith.constant 80 : index
        %get3A_444 = tpu.vector_load %arg6[%get3A_442, %get3A_443] {strides = array<i32>} : memref<3x128xi32, #tpu.memory_space<vmem>>, vector<1x16xi32>,
        %get3A_445 = vector.shape_cast %get3A_444 : vector<1x16xi32> to vector<16xi32>
        %and3A_446 = arith.constant 65535 : i32
        %and3A_447 = vector.broadcast %and3A_446 : i32 to vector<16xi32>
        %and3A_448 = arith.andi %get3A_445, %and3A_447 : vector<16xi32>
        %add3A_449 = vector.broadcast %mul3A_17 : i32 to vector<16xi32>
        %add3A_450 = arith.addi %and3A_448, %add3A_449 : vector<16xi32>
        %swap3A_451 = arith.index_cast %rem3A_316 : i32 to index
        %swap3A_452 = arith.constant 80 : index
        %swap3A_453 = tpu.vector_load %arg7[%swap3A_451, %swap3A_452] {strides = array<i32>} : memref<2x128xi32, #tpu.memory_space<vmem>>, vector<1x16xi32>,
        %swap3A_454 = vector.shape_cast %swap3A_453 : vector<1x16xi32> to vector<16xi32>
        %swap3A_455 = vector.shape_cast %add3A_450 : vector<16xi32> to vector<1x16xi32>
        tpu.vector_store %arg7[%swap3A_451, %swap3A_452], %swap3A_455 {strides = array<i32>} : memref<2x128xi32, #tpu.memory_space<vmem>>, vector<1x16xi32>,
        %shift_right_arithmetic3A_456 = arith.constant 16 : i32
        %shift_right_arithmetic3A_457 = vector.broadcast %shift_right_arithmetic3A_456 : i32 to vector<16xi32>
        %shift_right_arithmetic3A_458 = arith.shrsi %get3A_445, %shift_right_arithmetic3A_457 : vector<16xi32>
        %swap3A_459 = arith.index_cast %rem3A_316 : i32 to index
        %swap3A_460 = arith.constant 80 : index
        %swap3A_461 = tpu.vector_load %arg8[%swap3A_459, %swap3A_460] {strides = array<i32>} : memref<2x128xi32, #tpu.memory_space<vmem>>, vector<1x16xi32>,
        %swap3A_462 = vector.shape_cast %swap3A_461 : vector<1x16xi32> to vector<16xi32>
        %swap3A_463 = vector.shape_cast %shift_right_arithmetic3A_458 : vector<16xi32> to vector<1x16xi32>
        tpu.vector_store %arg8[%swap3A_459, %swap3A_460], %swap3A_463 {strides = array<i32>} : memref<2x128xi32, #tpu.memory_space<vmem>>, vector<1x16xi32>,
        %get3A_464 = arith.index_cast %rem3A_331 : i32 to index
        %get3A_465 = arith.constant 96 : index
        %get3A_466 = tpu.vector_load %arg6[%get3A_464, %get3A_465] {strides = array<i32>} : memref<3x128xi32, #tpu.memory_space<vmem>>, vector<1x16xi32>,
        %get3A_467 = vector.shape_cast %get3A_466 : vector<1x16xi32> to vector<16xi32>
        %and3A_468 = arith.constant 65535 : i32
        %and3A_469 = vector.broadcast %and3A_468 : i32 to vector<16xi32>
        %and3A_470 = arith.andi %get3A_467, %and3A_469 : vector<16xi32>
        %add3A_471 = vector.broadcast %mul3A_17 : i32 to vector<16xi32>
        %add3A_472 = arith.addi %and3A_470, %add3A_471 : vector<16xi32>
        %swap3A_473 = arith.index_cast %rem3A_316 : i32 to index
        %swap3A_474 = arith.constant 96 : index
        %swap3A_475 = tpu.vector_load %arg7[%swap3A_473, %swap3A_474] {strides = array<i32>} : memref<2x128xi32, #tpu.memory_space<vmem>>, vector<1x16xi32>,
        %swap3A_476 = vector.shape_cast %swap3A_475 : vector<1x16xi32> to vector<16xi32>
        %swap3A_477 = vector.shape_cast %add3A_472 : vector<16xi32> to vector<1x16xi32>
        tpu.vector_store %arg7[%swap3A_473, %swap3A_474], %swap3A_477 {strides = array<i32>} : memref<2x128xi32, #tpu.memory_space<vmem>>, vector<1x16xi32>,
        %shift_right_arithmetic3A_478 = arith.constant 16 : i32
        %shift_right_arithmetic3A_479 = vector.broadcast %shift_right_arithmetic3A_478 : i32 to vector<16xi32>
        %shift_right_arithmetic3A_480 = arith.shrsi %get3A_467, %shift_right_arithmetic3A_479 : vector<16xi32>
        %swap3A_481 = arith.index_cast %rem3A_316 : i32 to index
        %swap3A_482 = arith.constant 96 : index
        %swap3A_483 = tpu.vector_load %arg8[%swap3A_481, %swap3A_482] {strides = array<i32>} : memref<2x128xi32, #tpu.memory_space<vmem>>, vector<1x16xi32>,
        %swap3A_484 = vector.shape_cast %swap3A_483 : vector<1x16xi32> to vector<16xi32>
        %swap3A_485 = vector.shape_cast %shift_right_arithmetic3A_480 : vector<16xi32> to vector<1x16xi32>
        tpu.vector_store %arg8[%swap3A_481, %swap3A_482], %swap3A_485 {strides = array<i32>} : memref<2x128xi32, #tpu.memory_space<vmem>>, vector<1x16xi32>,
        %get3A_486 = arith.index_cast %rem3A_331 : i32 to index
        %get3A_487 = arith.constant 112 : index
        %get3A_488 = tpu.vector_load %arg6[%get3A_486, %get3A_487] {strides = array<i32>} : memref<3x128xi32, #tpu.memory_space<vmem>>, vector<1x16xi32>,
        %get3A_489 = vector.shape_cast %get3A_488 : vector<1x16xi32> to vector<16xi32>
        %and3A_490 = arith.constant 65535 : i32
        %and3A_491 = vector.broadcast %and3A_490 : i32 to vector<16xi32>
        %and3A_492 = arith.andi %get3A_489, %and3A_491 : vector<16xi32>
        %add3A_493 = vector.broadcast %mul3A_17 : i32 to vector<16xi32>
        %add3A_494 = arith.addi %and3A_492, %add3A_493 : vector<16xi32>
        %swap3A_495 = arith.index_cast %rem3A_316 : i32 to index
        %swap3A_496 = arith.constant 112 : index
        %swap3A_497 = tpu.vector_load %arg7[%swap3A_495, %swap3A_496] {strides = array<i32>} : memref<2x128xi32, #tpu.memory_space<vmem>>, vector<1x16xi32>,
        %swap3A_498 = vector.shape_cast %swap3A_497 : vector<1x16xi32> to vector<16xi32>
        %swap3A_499 = vector.shape_cast %add3A_494 : vector<16xi32> to vector<1x16xi32>
        tpu.vector_store %arg7[%swap3A_495, %swap3A_496], %swap3A_499 {strides = array<i32>} : memref<2x128xi32, #tpu.memory_space<vmem>>, vector<1x16xi32>,
        %shift_right_arithmetic3A_500 = arith.constant 16 : i32
        %shift_right_arithmetic3A_501 = vector.broadcast %shift_right_arithmetic3A_500 : i32 to vector<16xi32>
        %shift_right_arithmetic3A_502 = arith.shrsi %get3A_489, %shift_right_arithmetic3A_501 : vector<16xi32>
        %swap3A_503 = arith.index_cast %rem3A_316 : i32 to index
        %swap3A_504 = arith.constant 112 : index
        %swap3A_505 = tpu.vector_load %arg8[%swap3A_503, %swap3A_504] {strides = array<i32>} : memref<2x128xi32, #tpu.memory_space<vmem>>, vector<1x16xi32>,
        %swap3A_506 = vector.shape_cast %swap3A_505 : vector<1x16xi32> to vector<16xi32>
        %swap3A_507 = vector.shape_cast %shift_right_arithmetic3A_502 : vector<16xi32> to vector<1x16xi32>
        tpu.vector_store %arg8[%swap3A_503, %swap3A_504], %swap3A_507 {strides = array<i32>} : memref<2x128xi32, #tpu.memory_space<vmem>>, vector<1x16xi32>,
        %dma_start3A_508 = arith.constant 0 : i32
        %dma_start3A_509 = arith.constant 0 : i32
        %dma_start3A_510 = tpu.memref_slice %arg9[%rem3A_316, %dma_start3A_508, %dma_start3A_509] : memref<2x128x128xf32, #tpu.memory_space<vmem>> -> memref<1x128x128xf32, #tpu.memory_space<vmem>>
        %dma_start3A_511 = tpu.memref_squeeze %dma_start3A_510 : memref<1x128x128xf32, #tpu.memory_space<vmem>> -> memref<128x128xf32, #tpu.memory_space<vmem>>
        %dma_start3A_512 = arith.constant 0 : i32
        %dma_start3A_513 = tpu.memref_slice %arg7[%rem3A_316, %dma_start3A_512] : memref<2x128xi32, #tpu.memory_space<vmem>> -> memref<1x128xi32, #tpu.memory_space<vmem>>
        %dma_start3A_514 = tpu.memref_squeeze %dma_start3A_513 : memref<1x128xi32, #tpu.memory_space<vmem>> -> memref<128xi32, #tpu.memory_space<vmem>>
        %dma_start3A_515 = arith.constant 0 : i32
        %dma_start3A_516 = arith.constant 0 : i32
        %dma_start3A_517 = tpu.memref_slice %arg2[%dma_start3A_515, %dma_start3A_516] : memref<20000x128xf32, #tpu.memory_space<hbm>> -> memref<20000x128xf32, #tpu.memory_space<hbm>>
        tpu.enqueue_indirect_dma source(%dma_start3A_517 : memref<20000x128xf32, #tpu.memory_space<hbm>>) target(%dma_start3A_511 : memref<128x128xf32, #tpu.memory_space<vmem>>) offsets(%dma_start3A_514 : memref<128xi32, #tpu.memory_space<vmem>>) semaphore(%arg11 : memref<!tpu.dma_semaphore, #tpu.memory_space<semaphore_mem>>)
      } else {
      }
      %rem3A_300 = arith.constant 2 : i32
      %rem3A_301 = arith.remsi %scan3A_287, %rem3A_300 : i32
      %dma_wait3A_302 = arith.constant 0 : i32
      %dma_wait3A_303 = arith.constant 0 : i32
      %dma_wait3A_304 = tpu.memref_slice %arg9[%rem3A_301, %dma_wait3A_302, %dma_wait3A_303] : memref<2x128x128xf32, #tpu.memory_space<vmem>> -> memref<1x128x128xf32, #tpu.memory_space<vmem>>
      %dma_wait3A_305 = tpu.memref_squeeze %dma_wait3A_304 : memref<1x128x128xf32, #tpu.memory_space<vmem>> -> memref<128x128xf32, #tpu.memory_space<vmem>>
      %dma_wait3A_306 = arith.constant 0 : i32
      %dma_wait3A_307 = tpu.memref_slice %arg7[%rem3A_301, %dma_wait3A_306] : memref<2x128xi32, #tpu.memory_space<vmem>> -> memref<1x128xi32, #tpu.memory_space<vmem>>
      %dma_wait3A_308 = tpu.memref_squeeze %dma_wait3A_307 : memref<1x128xi32, #tpu.memory_space<vmem>> -> memref<128xi32, #tpu.memory_space<vmem>>
      %dma_wait3A_309 = arith.constant 0 : i32
      %dma_wait3A_310 = arith.constant 0 : i32
      %dma_wait3A_311 = tpu.memref_slice %arg2[%dma_wait3A_309, %dma_wait3A_310] : memref<20000x128xf32, #tpu.memory_space<hbm>> -> memref<20000x128xf32, #tpu.memory_space<hbm>>
      tpu.wait_indirect_dma semaphore(%arg11 : memref<!tpu.dma_semaphore, #tpu.memory_space<semaphore_mem>>) src(%dma_wait3A_311 : memref<20000x128xf32, #tpu.memory_space<hbm>>) dst(%dma_wait3A_305 : memref<128x128xf32, #tpu.memory_space<vmem>>)
      "tpu.region"() ({
        %run_scoped3A = tpu.sem_alloc : memref<!tpu.dma_semaphore, #tpu.memory_space<semaphore_mem>>
        %dma_start3A_313 = arith.constant 0 : i32
        %dma_start3A_314 = arith.constant 0 : i32
        %dma_start3A_315 = tpu.memref_slice %arg9[%rem3A_301, %dma_start3A_313, %dma_start3A_314] : memref<2x128x128xf32, #tpu.memory_space<vmem>> -> memref<1x128x128xf32, #tpu.memory_space<vmem>>
        %dma_start3A_316 = tpu.memref_squeeze %dma_start3A_315 : memref<1x128x128xf32, #tpu.memory_space<vmem>> -> memref<128x128xf32, #tpu.memory_space<vmem>>
        %dma_start3A_317 = arith.constant 0 : i32
        %dma_start3A_318 = tpu.memref_slice %arg8[%rem3A_301, %dma_start3A_317] : memref<2x128xi32, #tpu.memory_space<vmem>> -> memref<1x128xi32, #tpu.memory_space<vmem>>
        %dma_start3A_319 = tpu.memref_squeeze %dma_start3A_318 : memref<1x128xi32, #tpu.memory_space<vmem>> -> memref<128xi32, #tpu.memory_space<vmem>>
        %dma_start3A_320 = arith.constant 0 : i32
        %dma_start3A_321 = arith.constant 0 : i32
        %dma_start3A_322 = tpu.memref_slice %arg10[%dma_start3A_320, %dma_start3A_321] : memref<10240x128xf32, #tpu.memory_space<vmem_shared>> -> memref<10240x128xf32, #tpu.memory_space<vmem_shared>>
        tpu.enqueue_indirect_dma source(%dma_start3A_316 : memref<128x128xf32, #tpu.memory_space<vmem>>) target(%dma_start3A_322 : memref<10240x128xf32, #tpu.memory_space<vmem_shared>>) offsets(%dma_start3A_319 : memref<128xi32, #tpu.memory_space<vmem>>) semaphore(%run_scoped3A : memref<!tpu.dma_semaphore, #tpu.memory_space<semaphore_mem>>) {add = true}
        %dma_wait3A_323 = arith.constant 0 : i32
        %dma_wait3A_324 = arith.constant 0 : i32
        %dma_wait3A_325 = tpu.memref_slice %arg9[%rem3A_301, %dma_wait3A_323, %dma_wait3A_324] : memref<2x128x128xf32, #tpu.memory_space<vmem>> -> memref<1x128x128xf32, #tpu.memory_space<vmem>>
        %dma_wait3A_326 = tpu.memref_squeeze %dma_wait3A_325 : memref<1x128x128xf32, #tpu.memory_space<vmem>> -> memref<128x128xf32, #tpu.memory_space<vmem>>
        %dma_wait3A_327 = arith.constant 0 : i32
        %dma_wait3A_328 = tpu.memref_slice %arg8[%rem3A_301, %dma_wait3A_327] : memref<2x128xi32, #tpu.memory_space<vmem>> -> memref<1x128xi32, #tpu.memory_space<vmem>>
        %dma_wait3A_329 = tpu.memref_squeeze %dma_wait3A_328 : memref<1x128xi32, #tpu.memory_space<vmem>> -> memref<128xi32, #tpu.memory_space<vmem>>
        %dma_wait3A_330 = arith.constant 0 : i32
        %dma_wait3A_331 = arith.constant 0 : i32
        %dma_wait3A_332 = tpu.memref_slice %arg10[%dma_wait3A_330, %dma_wait3A_331] : memref<10240x128xf32, #tpu.memory_space<vmem_shared>> -> memref<10240x128xf32, #tpu.memory_space<vmem_shared>>
        tpu.wait_indirect_dma semaphore(%run_scoped3A : memref<!tpu.dma_semaphore, #tpu.memory_space<semaphore_mem>>) src(%dma_wait3A_326 : memref<128x128xf32, #tpu.memory_space<vmem>>) dst(%dma_wait3A_332 : memref<10240x128xf32, #tpu.memory_space<vmem_shared>>)
        tpu.yield
      }) : () -> ()
      %scan3A_312 = arith.constant 0 : i32
      scf.yield %scan3A_312 : i32
    }
    %scan3A_265 = arith.constant 80 : i32
    %barrier3A_266 = arith.constant 0 : index
    tpu.barrier barrier_id(%barrier3A_266)
    %add3A_267 = arith.constant 0 : i32
    %add3A_268 = arith.addi %mul3A_4, %add3A_267 : i32
    %add3A_269 = arith.constant 0 : i32
    %add3A_270 = arith.addi %mul3A_4, %add3A_269 : i32
    "tpu.region"() ({
      %run_scoped3A = tpu.sem_alloc : memref<!tpu.dma_semaphore, #tpu.memory_space<semaphore_mem>>
      %dma_start3A_287 = arith.constant 0 : i32
      %dma_start3A_288 = tpu.memref_slice %arg5[%arg0, %add3A_270, %dma_start3A_287] : memref<2x10240x128xf32, #tpu.memory_space<hbm>> -> memref<1x128x128xf32, #tpu.memory_space<hbm>>
      %dma_start3A_289 = tpu.memref_squeeze %dma_start3A_288 : memref<1x128x128xf32, #tpu.memory_space<hbm>> -> memref<128x128xf32, #tpu.memory_space<hbm>>
      %dma_start3A_290 = arith.constant 0 : i32
      %dma_start3A_291 = tpu.memref_slice %arg10[%add3A_268, %dma_start3A_290] : memref<10240x128xf32, #tpu.memory_space<vmem_shared>> -> memref<128x128xf32, #tpu.memory_space<vmem_shared>>
      tpu.enqueue_dma source(%dma_start3A_291 : memref<128x128xf32, #tpu.memory_space<vmem_shared>>) target(%dma_start3A_289 : memref<128x128xf32, #tpu.memory_space<hbm>>) target_semaphore(%run_scoped3A : memref<!tpu.dma_semaphore, #tpu.memory_space<semaphore_mem>>)
      %dma_wait3A_292 = arith.constant 0 : i32
      %dma_wait3A_293 = tpu.memref_slice %arg5[%arg0, %add3A_270, %dma_wait3A_292] : memref<2x10240x128xf32, #tpu.memory_space<hbm>> -> memref<1x128x128xf32, #tpu.memory_space<hbm>>
      %dma_wait3A_294 = tpu.memref_squeeze %dma_wait3A_293 : memref<1x128x128xf32, #tpu.memory_space<hbm>> -> memref<128x128xf32, #tpu.memory_space<hbm>>
      %dma_wait3A_295 = arith.constant 0 : i32
      %dma_wait3A_296 = tpu.memref_slice %arg10[%add3A_268, %dma_wait3A_295] : memref<10240x128xf32, #tpu.memory_space<vmem_shared>> -> memref<128x128xf32, #tpu.memory_space<vmem_shared>>
      tpu.wait_dma2 semaphore(%run_scoped3A : memref<!tpu.dma_semaphore, #tpu.memory_space<semaphore_mem>>) src(%dma_wait3A_296 : memref<128x128xf32, #tpu.memory_space<vmem_shared>>) dst(%dma_wait3A_294 : memref<128x128xf32, #tpu.memory_space<hbm>>)
      tpu.yield
    }) : () -> ()
    %add3A_271 = arith.constant 128 : i32
    %add3A_272 = arith.addi %mul3A_4, %add3A_271 : i32
    %add3A_273 = arith.constant 128 : i32
    %add3A_274 = arith.addi %mul3A_4, %add3A_273 : i32
    "tpu.region"() ({
      %run_scoped3A = tpu.sem_alloc : memref<!tpu.dma_semaphore, #tpu.memory_space<semaphore_mem>>
      %dma_start3A_287 = arith.constant 0 : i32
      %dma_start3A_288 = tpu.memref_slice %arg5[%arg0, %add3A_274, %dma_start3A_287] : memref<2x10240x128xf32, #tpu.memory_space<hbm>> -> memref<1x128x128xf32, #tpu.memory_space<hbm>>
      %dma_start3A_289 = tpu.memref_squeeze %dma_start3A_288 : memref<1x128x128xf32, #tpu.memory_space<hbm>> -> memref<128x128xf32, #tpu.memory_space<hbm>>
      %dma_start3A_290 = arith.constant 0 : i32
      %dma_start3A_291 = tpu.memref_slice %arg10[%add3A_272, %dma_start3A_290] : memref<10240x128xf32, #tpu.memory_space<vmem_shared>> -> memref<128x128xf32, #tpu.memory_space<vmem_shared>>
      tpu.enqueue_dma source(%dma_start3A_291 : memref<128x128xf32, #tpu.memory_space<vmem_shared>>) target(%dma_start3A_289 : memref<128x128xf32, #tpu.memory_space<hbm>>) target_semaphore(%run_scoped3A : memref<!tpu.dma_semaphore, #tpu.memory_space<semaphore_mem>>)
      %dma_wait3A_292 = arith.constant 0 : i32
      %dma_wait3A_293 = tpu.memref_slice %arg5[%arg0, %add3A_274, %dma_wait3A_292] : memref<2x10240x128xf32, #tpu.memory_space<hbm>> -> memref<1x128x128xf32, #tpu.memory_space<hbm>>
      %dma_wait3A_294 = tpu.memref_squeeze %dma_wait3A_293 : memref<1x128x128xf32, #tpu.memory_space<hbm>> -> memref<128x128xf32, #tpu.memory_space<hbm>>
      %dma_wait3A_295 = arith.constant 0 : i32
      %dma_wait3A_296 = tpu.memref_slice %arg10[%add3A_272, %dma_wait3A_295] : memref<10240x128xf32, #tpu.memory_space<vmem_shared>> -> memref<128x128xf32, #tpu.memory_space<vmem_shared>>
      tpu.wait_dma2 semaphore(%run_scoped3A : memref<!tpu.dma_semaphore, #tpu.memory_space<semaphore_mem>>) src(%dma_wait3A_296 : memref<128x128xf32, #tpu.memory_space<vmem_shared>>) dst(%dma_wait3A_294 : memref<128x128xf32, #tpu.memory_space<hbm>>)
      tpu.yield
    }) : () -> ()
    %add3A_275 = arith.constant 256 : i32
    %add3A_276 = arith.addi %mul3A_4, %add3A_275 : i32
    %add3A_277 = arith.constant 256 : i32
    %add3A_278 = arith.addi %mul3A_4, %add3A_277 : i32
    "tpu.region"() ({
      %run_scoped3A = tpu.sem_alloc : memref<!tpu.dma_semaphore, #tpu.memory_space<semaphore_mem>>
      %dma_start3A_287 = arith.constant 0 : i32
      %dma_start3A_288 = tpu.memref_slice %arg5[%arg0, %add3A_278, %dma_start3A_287] : memref<2x10240x128xf32, #tpu.memory_space<hbm>> -> memref<1x128x128xf32, #tpu.memory_space<hbm>>
      %dma_start3A_289 = tpu.memref_squeeze %dma_start3A_288 : memref<1x128x128xf32, #tpu.memory_space<hbm>> -> memref<128x128xf32, #tpu.memory_space<hbm>>
      %dma_start3A_290 = arith.constant 0 : i32
      %dma_start3A_291 = tpu.memref_slice %arg10[%add3A_276, %dma_start3A_290] : memref<10240x128xf32, #tpu.memory_space<vmem_shared>> -> memref<128x128xf32, #tpu.memory_space<vmem_shared>>
      tpu.enqueue_dma source(%dma_start3A_291 : memref<128x128xf32, #tpu.memory_space<vmem_shared>>) target(%dma_start3A_289 : memref<128x128xf32, #tpu.memory_space<hbm>>) target_semaphore(%run_scoped3A : memref<!tpu.dma_semaphore, #tpu.memory_space<semaphore_mem>>)
      %dma_wait3A_292 = arith.constant 0 : i32
      %dma_wait3A_293 = tpu.memref_slice %arg5[%arg0, %add3A_278, %dma_wait3A_292] : memref<2x10240x128xf32, #tpu.memory_space<hbm>> -> memref<1x128x128xf32, #tpu.memory_space<hbm>>
      %dma_wait3A_294 = tpu.memref_squeeze %dma_wait3A_293 : memref<1x128x128xf32, #tpu.memory_space<hbm>> -> memref<128x128xf32, #tpu.memory_space<hbm>>
      %dma_wait3A_295 = arith.constant 0 : i32
      %dma_wait3A_296 = tpu.memref_slice %arg10[%add3A_276, %dma_wait3A_295] : memref<10240x128xf32, #tpu.memory_space<vmem_shared>> -> memref<128x128xf32, #tpu.memory_space<vmem_shared>>
      tpu.wait_dma2 semaphore(%run_scoped3A : memref<!tpu.dma_semaphore, #tpu.memory_space<semaphore_mem>>) src(%dma_wait3A_296 : memref<128x128xf32, #tpu.memory_space<vmem_shared>>) dst(%dma_wait3A_294 : memref<128x128xf32, #tpu.memory_space<hbm>>)
      tpu.yield
    }) : () -> ()
    %add3A_279 = arith.constant 384 : i32
    %add3A_280 = arith.addi %mul3A_4, %add3A_279 : i32
    %add3A_281 = arith.constant 384 : i32
    %add3A_282 = arith.addi %mul3A_4, %add3A_281 : i32
    "tpu.region"() ({
      %run_scoped3A = tpu.sem_alloc : memref<!tpu.dma_semaphore, #tpu.memory_space<semaphore_mem>>
      %dma_start3A_287 = arith.constant 0 : i32
      %dma_start3A_288 = tpu.memref_slice %arg5[%arg0, %add3A_282, %dma_start3A_287] : memref<2x10240x128xf32, #tpu.memory_space<hbm>> -> memref<1x128x128xf32, #tpu.memory_space<hbm>>
      %dma_start3A_289 = tpu.memref_squeeze %dma_start3A_288 : memref<1x128x128xf32, #tpu.memory_space<hbm>> -> memref<128x128xf32, #tpu.memory_space<hbm>>
      %dma_start3A_290 = arith.constant 0 : i32
      %dma_start3A_291 = tpu.memref_slice %arg10[%add3A_280, %dma_start3A_290] : memref<10240x128xf32, #tpu.memory_space<vmem_shared>> -> memref<128x128xf32, #tpu.memory_space<vmem_shared>>
      tpu.enqueue_dma source(%dma_start3A_291 : memref<128x128xf32, #tpu.memory_space<vmem_shared>>) target(%dma_start3A_289 : memref<128x128xf32, #tpu.memory_space<hbm>>) target_semaphore(%run_scoped3A : memref<!tpu.dma_semaphore, #tpu.memory_space<semaphore_mem>>)
      %dma_wait3A_292 = arith.constant 0 : i32
      %dma_wait3A_293 = tpu.memref_slice %arg5[%arg0, %add3A_282, %dma_wait3A_292] : memref<2x10240x128xf32, #tpu.memory_space<hbm>> -> memref<1x128x128xf32, #tpu.memory_space<hbm>>
      %dma_wait3A_294 = tpu.memref_squeeze %dma_wait3A_293 : memref<1x128x128xf32, #tpu.memory_space<hbm>> -> memref<128x128xf32, #tpu.memory_space<hbm>>
      %dma_wait3A_295 = arith.constant 0 : i32
      %dma_wait3A_296 = tpu.memref_slice %arg10[%add3A_280, %dma_wait3A_295] : memref<10240x128xf32, #tpu.memory_space<vmem_shared>> -> memref<128x128xf32, #tpu.memory_space<vmem_shared>>
      tpu.wait_dma2 semaphore(%run_scoped3A : memref<!tpu.dma_semaphore, #tpu.memory_space<semaphore_mem>>) src(%dma_wait3A_296 : memref<128x128xf32, #tpu.memory_space<vmem_shared>>) dst(%dma_wait3A_294 : memref<128x128xf32, #tpu.memory_space<hbm>>)
      tpu.yield
    }) : () -> ()
    %add3A_283 = arith.constant 512 : i32
    %add3A_284 = arith.addi %mul3A_4, %add3A_283 : i32
    %add3A_285 = arith.constant 512 : i32
    %add3A_286 = arith.addi %mul3A_4, %add3A_285 : i32
    "tpu.region"() ({
      %run_scoped3A = tpu.sem_alloc : memref<!tpu.dma_semaphore, #tpu.memory_space<semaphore_mem>>
      %dma_start3A_287 = arith.constant 0 : i32
      %dma_start3A_288 = tpu.memref_slice %arg5[%arg0, %add3A_286, %dma_start3A_287] : memref<2x10240x128xf32, #tpu.memory_space<hbm>> -> memref<1x128x128xf32, #tpu.memory_space<hbm>>
      %dma_start3A_289 = tpu.memref_squeeze %dma_start3A_288 : memref<1x128x128xf32, #tpu.memory_space<hbm>> -> memref<128x128xf32, #tpu.memory_space<hbm>>
      %dma_start3A_290 = arith.constant 0 : i32
      %dma_start3A_291 = tpu.memref_slice %arg10[%add3A_284, %dma_start3A_290] : memref<10240x128xf32, #tpu.memory_space<vmem_shared>> -> memref<128x128xf32, #tpu.memory_space<vmem_shared>>
      tpu.enqueue_dma source(%dma_start3A_291 : memref<128x128xf32, #tpu.memory_space<vmem_shared>>) target(%dma_start3A_289 : memref<128x128xf32, #tpu.memory_space<hbm>>) target_semaphore(%run_scoped3A : memref<!tpu.dma_semaphore, #tpu.memory_space<semaphore_mem>>)
      %dma_wait3A_292 = arith.constant 0 : i32
      %dma_wait3A_293 = tpu.memref_slice %arg5[%arg0, %add3A_286, %dma_wait3A_292] : memref<2x10240x128xf32, #tpu.memory_space<hbm>> -> memref<1x128x128xf32, #tpu.memory_space<hbm>>
      %dma_wait3A_294 = tpu.memref_squeeze %dma_wait3A_293 : memref<1x128x128xf32, #tpu.memory_space<hbm>> -> memref<128x128xf32, #tpu.memory_space<hbm>>
      %dma_wait3A_295 = arith.constant 0 : i32
      %dma_wait3A_296 = tpu.memref_slice %arg10[%add3A_284, %dma_wait3A_295] : memref<10240x128xf32, #tpu.memory_space<vmem_shared>> -> memref<128x128xf32, #tpu.memory_space<vmem_shared>>
      tpu.wait_dma2 semaphore(%run_scoped3A : memref<!tpu.dma_semaphore, #tpu.memory_space<semaphore_mem>>) src(%dma_wait3A_296 : memref<128x128xf32, #tpu.memory_space<vmem_shared>>) dst(%dma_wait3A_294 : memref<128x128xf32, #tpu.memory_space<hbm>>)
      tpu.yield
    }) : () -> ()
    return
  }
}

module attributes {stable_mosaic.version = 14 : i64} {
  func.func @_mm_body(%arg0: i32, %arg1: i32, %arg2: memref<1000x128xf32, #tpu.memory_space<vmem>>, %arg3: memref<128x128xf32, #tpu.memory_space<vmem>>, %arg4: memref<1000x128xf32, #tpu.memory_space<vmem>>) attributes {dimension_semantics = [#tpu.dimension_semantics<arbitrary>, #tpu.dimension_semantics<arbitrary>], iteration_bounds = array<i64: 10, 2>, scalar_prefetch = 0 : i64, scratch_operands = 0 : i64, tpu.core_type = #tpu.core_type<tc>, window_params = [{transform_indices = @transform_0, window_bounds = array<i64: 1000, 128>}, {pipeline_mode = #tpu.pipeline_mode<synchronous>, transform_indices = @transform_1, window_bounds = array<i64: 128, 128>}, {transform_indices = @transform_2, window_bounds = array<i64: 1000, 128>}]} {
    %get3A = arith.constant 0 : index
    %get3A_0 = arith.constant 0 : index
    %get3A_1 = vector.load %arg2[%get3A, %get3A_0] : memref<1000x128xf32, #tpu.memory_space<vmem>>, vector<1000x128xf32>
    %get3A_2 = arith.constant 0 : index
    %get3A_3 = arith.constant 0 : index
    %get3A_4 = vector.load %arg3[%get3A_2, %get3A_3] : memref<128x128xf32, #tpu.memory_space<vmem>>, vector<128x128xf32>
    %dot_general3A = arith.constant dense<0.000000e+00> : vector<1000x128xf32>
    %dot_general3A_5 = tpu.matmul %get3A_1, %get3A_4, %dot_general3A {dimension_numbers = #tpu.dot_dimension_numbers<[1], [0], [0], [1], [0, 0, 1, 1], [], []>, transpose_lhs_hint = false} : vector<1000x128xf32>, vector<128x128xf32>, vector<1000x128xf32> -> vector<1000x128xf32>
    %swap3A = arith.constant 0 : index
    %swap3A_6 = arith.constant 0 : index
    %swap3A_7 = vector.load %arg4[%swap3A, %swap3A_6] : memref<1000x128xf32, #tpu.memory_space<vmem>>, vector<1000x128xf32>
    tpu.vector_store %arg4[%swap3A, %swap3A_6], %dot_general3A_5 {strides = array<i32>} : memref<1000x128xf32, #tpu.memory_space<vmem>>, vector<1000x128xf32>,
    return
  }
  func.func @transform_0(%arg0: i32, %arg1: i32) -> (i32, i32) {
    %c0_i32 = arith.constant 0 : i32
    %c0_i32_0 = arith.constant 0 : i32
    return %arg0, %c0_i32 : i32, i32
  }
  func.func @transform_1(%arg0: i32, %arg1: i32) -> (i32, i32) {
    %c0_i32 = arith.constant 0 : i32
    %c0_i32_0 = arith.constant 0 : i32
    %c0_i32_1 = arith.constant 0 : i32
    return %c0_i32, %c0_i32_0 : i32, i32
  }
  func.func @transform_2(%arg0: i32, %arg1: i32) -> (i32, i32) {
    %mul3A = arith.constant 10 : i32
    %mul3A_0 = arith.muli %arg1, %mul3A : i32
    %add3A = arith.addi %mul3A_0, %arg0 : i32
    %c0_i32 = arith.constant 0 : i32
    %c0_i32_1 = arith.constant 0 : i32
    return %add3A, %c0_i32 : i32, i32
  }
}

module attributes {stable_mosaic.version = 14 : i64} {
  func.func @_fused_body(%arg0: i32, %arg1: i32, %arg2: memref<2x1000x128xf32, #tpu.memory_space<vmem>>, %arg3: memref<1x128xf32, #tpu.memory_space<vmem>>, %arg4: memref<128x128xf32, #tpu.memory_space<vmem>>, %arg5: memref<1000x128xf32, #tpu.memory_space<vmem>>) attributes {dimension_semantics = [#tpu.dimension_semantics<arbitrary>, #tpu.dimension_semantics<arbitrary>], iteration_bounds = array<i64: 10, 2>, scalar_prefetch = 0 : i64, scratch_operands = 0 : i64, tpu.core_type = #tpu.core_type<tc>, window_params = [{transform_indices = @transform_0, window_bounds = array<i64: 2, 1000, 128>}, {pipeline_mode = #tpu.pipeline_mode<synchronous>, transform_indices = @transform_1, window_bounds = array<i64: 1, 128>}, {pipeline_mode = #tpu.pipeline_mode<synchronous>, transform_indices = @transform_2, window_bounds = array<i64: 128, 128>}, {transform_indices = @transform_3, window_bounds = array<i64: 1000, 128>}]} {
    %get3A = arith.constant 0 : index
    %get3A_0 = arith.constant 0 : index
    %get3A_1 = arith.constant 0 : index
    %get3A_2 = vector.load %arg2[%get3A, %get3A_0, %get3A_1] : memref<2x1000x128xf32, #tpu.memory_space<vmem>>, vector<1x1000x128xf32>
    %get3A_3 = vector.shape_cast %get3A_2 : vector<1x1000x128xf32> to vector<1000x128xf32>
    %get3A_4 = arith.constant 1 : index
    %get3A_5 = arith.constant 0 : index
    %get3A_6 = arith.constant 0 : index
    %get3A_7 = vector.load %arg2[%get3A_4, %get3A_5, %get3A_6] : memref<2x1000x128xf32, #tpu.memory_space<vmem>>, vector<1x1000x128xf32>
    %get3A_8 = vector.shape_cast %get3A_7 : vector<1x1000x128xf32> to vector<1000x128xf32>
    %add3A = arith.addf %get3A_3, %get3A_8 : vector<1000x128xf32>
    %get3A_9 = arith.constant 0 : index
    %get3A_10 = arith.constant 0 : index
    %get3A_11 = vector.load %arg3[%get3A_9, %get3A_10] : memref<1x128xf32, #tpu.memory_space<vmem>>, vector<1x128xf32>
    %add3A_12 = vector.broadcast %get3A_11 : vector<1x128xf32> to vector<1000x128xf32>
    %add3A_13 = arith.addf %add3A, %add3A_12 : vector<1000x128xf32>
    %max3A = arith.constant 0.000000e+00 : f32
    %max3A_14 = vector.broadcast %max3A : f32 to vector<1000x128xf32>
    %max3A_15 = arith.maximumf %add3A_13, %max3A_14 : vector<1000x128xf32>
    %get3A_16 = arith.constant 0 : index
    %get3A_17 = arith.constant 0 : index
    %get3A_18 = vector.load %arg4[%get3A_16, %get3A_17] : memref<128x128xf32, #tpu.memory_space<vmem>>, vector<128x128xf32>
    %dot_general3A = arith.constant dense<0.000000e+00> : vector<1000x128xf32>
    %dot_general3A_19 = tpu.matmul %max3A_15, %get3A_18, %dot_general3A {dimension_numbers = #tpu.dot_dimension_numbers<[1], [0], [0], [1], [0, 0, 1, 1], [], []>, transpose_lhs_hint = false} : vector<1000x128xf32>, vector<128x128xf32>, vector<1000x128xf32> -> vector<1000x128xf32>
    %swap3A = arith.constant 0 : index
    %swap3A_20 = arith.constant 0 : index
    %swap3A_21 = vector.load %arg5[%swap3A, %swap3A_20] : memref<1000x128xf32, #tpu.memory_space<vmem>>, vector<1000x128xf32>
    tpu.vector_store %arg5[%swap3A, %swap3A_20], %dot_general3A_19 {strides = array<i32>} : memref<1000x128xf32, #tpu.memory_space<vmem>>, vector<1000x128xf32>,
    return
  }
  func.func @transform_0(%arg0: i32, %arg1: i32) -> (i32, i32, i32) {
    %c0_i32 = arith.constant 0 : i32
    %c0_i32_0 = arith.constant 0 : i32
    %c0_i32_1 = arith.constant 0 : i32
    return %c0_i32, %arg0, %c0_i32_0 : i32, i32, i32
  }
  func.func @transform_1(%arg0: i32, %arg1: i32) -> (i32, i32) {
    %c0_i32 = arith.constant 0 : i32
    %c0_i32_0 = arith.constant 0 : i32
    %c0_i32_1 = arith.constant 0 : i32
    return %c0_i32, %c0_i32_0 : i32, i32
  }
  func.func @transform_2(%arg0: i32, %arg1: i32) -> (i32, i32) {
    %c0_i32 = arith.constant 0 : i32
    %c0_i32_0 = arith.constant 0 : i32
    %c0_i32_1 = arith.constant 0 : i32
    return %c0_i32, %c0_i32_0 : i32, i32
  }
  func.func @transform_3(%arg0: i32, %arg1: i32) -> (i32, i32) {
    %mul3A = arith.constant 10 : i32
    %mul3A_0 = arith.muli %arg1, %mul3A : i32
    %add3A = arith.addi %mul3A_0, %arg0 : i32
    %c0_i32 = arith.constant 0 : i32
    %c0_i32_1 = arith.constant 0 : i32
    return %add3A, %c0_i32 : i32, i32
  }
}

module attributes {stable_mosaic.version = 14 : i64} {
  func.func @_final_body(%arg0: i32, %arg1: memref<2x1000x128xf32, #tpu.memory_space<vmem>>, %arg2: memref<1x128xf32, #tpu.memory_space<vmem>>, %arg3: memref<1000x128xf32, #tpu.memory_space<vmem>>) attributes {dimension_semantics = [#tpu.dimension_semantics<arbitrary>], iteration_bounds = array<i64: 10>, scalar_prefetch = 0 : i64, scratch_operands = 0 : i64, tpu.core_type = #tpu.core_type<tc>, window_params = [{transform_indices = @transform_0, window_bounds = array<i64: 2, 1000, 128>}, {pipeline_mode = #tpu.pipeline_mode<synchronous>, transform_indices = @transform_1, window_bounds = array<i64: 1, 128>}, {transform_indices = @transform_2, window_bounds = array<i64: 1000, 128>}]} {
    %get3A = arith.constant 0 : index
    %get3A_0 = arith.constant 0 : index
    %get3A_1 = arith.constant 0 : index
    %get3A_2 = vector.load %arg1[%get3A, %get3A_0, %get3A_1] : memref<2x1000x128xf32, #tpu.memory_space<vmem>>, vector<1x1000x128xf32>
    %get3A_3 = vector.shape_cast %get3A_2 : vector<1x1000x128xf32> to vector<1000x128xf32>
    %get3A_4 = arith.constant 1 : index
    %get3A_5 = arith.constant 0 : index
    %get3A_6 = arith.constant 0 : index
    %get3A_7 = vector.load %arg1[%get3A_4, %get3A_5, %get3A_6] : memref<2x1000x128xf32, #tpu.memory_space<vmem>>, vector<1x1000x128xf32>
    %get3A_8 = vector.shape_cast %get3A_7 : vector<1x1000x128xf32> to vector<1000x128xf32>
    %add3A = arith.addf %get3A_3, %get3A_8 : vector<1000x128xf32>
    %get3A_9 = arith.constant 0 : index
    %get3A_10 = arith.constant 0 : index
    %get3A_11 = vector.load %arg2[%get3A_9, %get3A_10] : memref<1x128xf32, #tpu.memory_space<vmem>>, vector<1x128xf32>
    %add3A_12 = vector.broadcast %get3A_11 : vector<1x128xf32> to vector<1000x128xf32>
    %add3A_13 = arith.addf %add3A, %add3A_12 : vector<1000x128xf32>
    %swap3A = arith.constant 0 : index
    %swap3A_14 = arith.constant 0 : index
    %swap3A_15 = vector.load %arg3[%swap3A, %swap3A_14] : memref<1000x128xf32, #tpu.memory_space<vmem>>, vector<1000x128xf32>
    tpu.vector_store %arg3[%swap3A, %swap3A_14], %add3A_13 {strides = array<i32>} : memref<1000x128xf32, #tpu.memory_space<vmem>>, vector<1000x128xf32>,
    return
  }
  func.func @transform_0(%arg0: i32) -> (i32, i32, i32) {
    %c0_i32 = arith.constant 0 : i32
    %c0_i32_0 = arith.constant 0 : i32
    %c0_i32_1 = arith.constant 0 : i32
    return %c0_i32, %arg0, %c0_i32_0 : i32, i32, i32
  }
  func.func @transform_1(%arg0: i32) -> (i32, i32) {
    %c0_i32 = arith.constant 0 : i32
    %c0_i32_0 = arith.constant 0 : i32
    %c0_i32_1 = arith.constant 0 : i32
    return %c0_i32, %c0_i32_0 : i32, i32
  }
  func.func @transform_2(%arg0: i32) -> (i32, i32) {
    %c0_i32 = arith.constant 0 : i32
    %c0_i32_0 = arith.constant 0 : i32
    return %arg0, %c0_i32 : i32, i32
  }
}

</mosaic_0001>

<sc_bundles>
// kernel: kernel.12.cloned.1.call-start
scs
__scs_entry_jumppad:
0x0: {  	(pc) =	sbr.rel $0x88, $3  }
0x1: {  	(tag) =	ssettag $0x0;
	lr =	simm.s32 $0x1  }
0x2: {  	[smem:$0x3F99] =	sst lr;
	_ =	strace $0xD0000000  }
0x3: {  	_ = 	snop  }
0x4: {  	_ = 	snop  }
0x5: {  	_ = 	snop  }
0x6: {  	_ = 	snop  }
0x7: {  	_ = 	snop  }
__scs_overlays_trampoline_lowered:
0x8: {  	[smem:$0x3FA8] =	sst s0  }
0x9: {  	[smem:$0x3FA9] =	sst s1  }
0xa: {  	[smem:$0x3FAA] =	sst s2  }
0xb: {  	[smem:$0x3FAB] =	sst s3  }
0xc: {  	[smem:$0x3FAC] =	sst s4  }
0xd: {  	[smem:$0x3FAD] =	sst s5  }
0xe: {  	[smem:$0x3FAE] =	sst s6  }
0xf: {  	[smem:$0x3FAF] =	sst s7  }
0x10: {  	[smem:$0x3FB0] =	sst s8  }
0x11: {  	[smem:$0x3FB1] =	sst s9;
	s0 =	simm.s32 @!p0 $0x0  }
0x12: {  	s1 =	sld [smem:$0x3F97];
	s0 =	simm.s32 @p0 $0x1  }
0x13: {  	[smem:$0x3FB2] =	sst s0;
	s0 =	simm.s32 @!p1 $0x0  }
0x14: {  	s2 =	sld [smem:$0x3F96];
	s0 =	simm.s32 @p1 $0x1  }
0x15: {  	[smem:$0x3FB3] =	sst s0;
	s0 =	simm.s32 @!p2 $0x0  }
0x16: {  	s3 =	sld [smem:$0x3FDB];
	s0 =	simm.s32 @p2 $0x1  }
0x17: {  	s4 =	simm.s32 $0x1BF5;
	[smem:$0x3FB5] =	sst s0  }
0x18: {  	s0 =	sld [smem:$0x3F98];
	_ =	swait.ge [sflag:s4], $0x0  }
0x19: {  	s7 =	sld [smem:$0x3F99]  }
0x1a: {  	s8 =	sadd.s32 $0xFFFFE003, lr  }
0x1b: {  	s9 =	sadd.s32 $0xFFFFFEF7, lr;
	s5 =	simm.s32 $0xFFFFFFFF;
	p2 =	slt.u32 s8, $0xFFFFF086  }
0x1c: {  	p1 =	slt.u32 s9, $0xF7A;
	s5 =	simm.s32 @!p2 $0x0  }
0x1d: {  	s5 =	simm.s32 @p1 $0x1;
	p0 =	seq.s32 s7, s2  }
0x1e: {  	s7 =	smul.u32 @!p0 $0xF7A, s2;
	p2 =	seq.s32 @!p0 s5, $0x0  }
0x1f: {  	s9 =	smul.u32 $0xF7A, s1;
	s8 =	simm.s32 @!p0 $0x1BF5;
	p2 =	por !p2, p0  }
0x20: {  	[sflag:s8] =	ssyncset.s32 @!p0 $0xFFFFF086;
	s6 =	sadd.s32 @!p0 s3, s7;
	s7 =	simm.s32 @!p0 $0x108  }
0x21: {  	s3 =	sadd.s32 s3, s9;
	s6 =	sadd.s32 @!p0 $0x88, s6;
	s7 =	simm.s32 @p2 $0x1082  }
0x22: {  	[simem:s7], [sflag:s8] =	dma.local @!p0 [hbm:s6], $0xF7A  }
0x23: {  	s9 =	sor.u32 $0xD0000000, s2;
	s6 =	simm.s32 $0x108;
	_ =	swait.ge @!p0 [sflag:s8], $0x0  }
0x24: {  	s3 =	sadd.s32 $0x88, s3;
	s6 =	simm.s32 @!p1 $0x1082;
	[sflag:s4] =	ssyncset.s32 $0xFFFFF086  }
0x25: {  	[simem:s6], [sflag:s4] =	dma.local [hbm:s3], $0xF7A  }
0x26: {  	[smem:$0x3F99] =	sst s1;
	(tag) =	ssettag s2;
	_ =	strace s9  }
0x27: {  	s1 =	sld [smem:$0x3FA9]  }
0x28: {  	s2 =	sld [smem:$0x3FAA]  }
0x29: {  	s4 =	sld [smem:$0x3FAC]  }
0x2a: {  	p0 =	seq.s32 s5, $0x0;
	s5 =	sld [smem:$0x3FAD]  }
0x2b: {  	s6 =	sld [smem:$0x3FAE]  }
0x2c: {  	s7 =	sld [smem:$0x3FAF]  }
0x2d: {  	s3 =	simm.s32 $0x108;
	s8 =	sld [smem:$0x3FB0]  }
0x2e: {  	s3 =	simm.s32 @!p0 $0x1082;
	s9 =	sld [smem:$0x3FB1]  }
0x2f: {  	lr =	sadd.s32 s0, s3;
	s0 =	sld [smem:$0x3FA8]  }
0x30: {  	s3 =	sld [smem:$0x3FAB]  }
0x31: {  	[smem:$0x3FB4] =	sst s10  }
0x32: {  	s10 =	sld [smem:$0x3FB2];
	_ =	sdelay $0x3  }
0x33: {  	p0 =	seq.s32 s10, $0x1;
	s10 =	sld [smem:$0x3FB4];
	_ =	sdelay $0x3  }
0x34: {  	[smem:$0x3FB4] =	sst s10  }
0x35: {  	s10 =	sld [smem:$0x3FB3];
	_ =	sdelay $0x3  }
0x36: {  	p1 =	seq.s32 s10, $0x1;
	s10 =	sld [smem:$0x3FB4];
	_ =	sdelay $0x3  }
0x37: {  	[smem:$0x3FB4] =	sst s10  }
0x38: {  	s10 =	sld [smem:$0x3FB5]  }
0x39: {  	_ = 	snop;
	(pc) =	sbr.ind lr, $3  }
0x3a: {  	_ = 	snop  }
0x3b: {  	_ = 	snop  }
0x3c: {  	p2 =	seq.s32 s10, $0x1;
	s10 =	sld [smem:$0x3FB4]  }
0x3d: {  	_ =	shalt  }
0x3e: {  	_ =	shalt  }
0x3f: {  	_ =	shalt  }
0x40: {  	_ =	shalt  }
0x41: {  	_ =	shalt  }
0x42: {  	_ =	shalt  }
0x43: {  	_ =	shalt  }
0x44: {  	_ =	shalt  }
0x45: {  	_ =	shalt  }
0x46: {  	_ =	shalt  }
0x47: {  	_ =	shalt  }
0x48: {  	_ =	shalt  }
0x49: {  	_ =	shalt  }
0x4a: {  	_ =	shalt  }
0x4b: {  	_ =	shalt  }
0x4c: {  	_ =	shalt  }
0x4d: {  	_ =	shalt  }
0x4e: {  	_ =	shalt  }
0x4f: {  	_ =	shalt  }
0x50: {  	_ =	shalt  }
0x51: {  	_ =	shalt  }
0x52: {  	_ =	shalt  }
0x53: {  	_ =	shalt  }
0x54: {  	_ =	shalt  }
0x55: {  	_ =	shalt  }
0x56: {  	_ =	shalt  }
0x57: {  	_ =	shalt  }
0x58: {  	_ =	shalt  }
0x59: {  	_ =	shalt  }
0x5a: {  	_ =	shalt  }
0x5b: {  	_ =	shalt  }
0x5c: {  	_ =	shalt  }
0x5d: {  	_ =	shalt  }
0x5e: {  	_ =	shalt  }
0x5f: {  	_ =	shalt  }
0x60: {  	_ =	shalt  }
0x61: {  	_ =	shalt  }
0x62: {  	_ =	shalt  }
0x63: {  	_ =	shalt  }
0x64: {  	_ =	shalt  }
0x65: {  	_ =	shalt  }
0x66: {  	_ =	shalt  }
0x67: {  	_ =	shalt  }
0x68: {  	_ =	shalt  }
0x69: {  	_ =	shalt  }
0x6a: {  	_ =	shalt  }
0x6b: {  	_ =	shalt  }
0x6c: {  	_ =	shalt  }
0x6d: {  	_ =	shalt  }
0x6e: {  	_ =	shalt  }
0x6f: {  	_ =	shalt  }
0x70: {  	_ =	shalt  }
0x71: {  	_ =	shalt  }
0x72: {  	_ =	shalt  }
0x73: {  	_ =	shalt  }
0x74: {  	_ =	shalt  }
0x75: {  	_ =	shalt  }
0x76: {  	_ =	shalt  }
0x77: {  	_ =	shalt  }
0x78: {  	_ =	shalt  }
0x79: {  	_ =	shalt  }
0x7a: {  	_ =	shalt  }
0x7b: {  	_ =	shalt  }
0x7c: {  	_ =	shalt  }
0x7d: {  	_ =	shalt  }
0x7e: {  	_ =	shalt  }
0x7f: {  	_ =	shalt  }
0x80: {  	_ =	shalt  }
0x81: {  	_ =	shalt  }
0x82: {  	_ =	shalt  }
0x83: {  	_ =	shalt  }
0x84: {  	_ =	shalt  }
0x85: {  	_ =	shalt  }
0x86: {  	_ =	shalt  }
0x87: {  	_ =	shalt  }
.Lfunc_end0:
.L_simem_size_0:
called_computation.1_lowered:
.L_overlay_start_0:
0x88: {  	s2 =	sld [smem:$0x3FD9]  }
0x89: {  	s3 =	sld [smem:$0x3FFE];
	_ =	sdelay $0x1  }
0x8a: {  	s1 =	srdreg.scid  }
0x8b: {  	s0 =	sand.u32 $0x1, s1  }
0x8c: {  	s17 =	sshll.u32 s0, $0xA;
	s2 =	sadd.s32 s3, s2  }
0x8d: {  	s2 =	sadd.s32 s2, s17  }
0x8e: {  	[smem:$0x3FC0] =	sst s2  }
0x8f: {  	_ = 	snop  }
0x90: {  	s2 =	sld [smem:$0x3FD0];
	(tm) =	ssettm $0x1  }
0x91: {  	s18 =	sld [smem:$0x3FFB];
	_ =	sdelay $0x3  }
0x92: {  	_ =	strace s18  }
0x93: {  	s3 =	sld [smem:$0x3FFC];
	_ =	sdelay $0x3  }
0x94: {  	_ =	strace s3  }
0x95: {  	s3 =	sld [smem:$0x3FFD];
	_ =	sdelay $0x3  }
0x96: {  	_ =	strace s3  }
0x97: {  	_ =	strace $0x8FFFFFFF  }
0x98: {  	s19 =	sld [smem:$0x3FDB];
	_ =	sdelay $0x1  }
0x99: {  	s4 =	simm.s32 $_scs_section_size  }
0x9a: {  	s5 =	simm.s32 $_size__tile_overlayer_lowered;
	s6 =	simm.s32 $_tile_overlayer_lowered  }
0x9b: {  	s22 =	simm.s32 $0x1BFF;
	s21 =	sshll.u32 s6, $0x1;
	s3 =	sadd.s32 s4, s19  }
0x9c: {  	s7 =	simm.s32 $0x0;
	s20 =	sshll.u32 s5, $0x1;
	s5 =	sadd.s32 s21, s3  }
0x9d: {  	[timem:s7], [sflag:s22] =	dma.local [hbm:s5], s20  }
0x9e: {  	_ =	swait.ge [sflag:s22], s20  }
0x9f: {  	s4 =	ssub.s32 $0x0, s20;
	[sflag:s22] =	ssyncset.done $0x0  }
0xa0: {  	[sflag:s22] =	ssyncadd.s32 s4;
	_ =	sdelay $0x1  }
0xa1: {  	s23 =	simm.s32 $0x1B8B  }
0xa2: {  	_ =	swait.ge [sflag:s23], $0x1  }
0xa3: {  	[sflag:s23] =	ssyncset.done $0x0  }
0xa4: {  	s25 =	simm.s32 $0x1B8E;
	s24 =	sld [smem:$0x3FFE];
	[sflag:s23] =	ssyncadd.s32 $0xFFFFFFFF  }
0xa5: {  	s26 =	simm.s32 $execute0_lowered;
	[smem:$0x3FD2] =	sst s25  }
0xa6: {  	s5 =	sshll.u32 s26, $0x1;
	_ =	strace $0x80000049;
	[dreg:$0x1] =	wrdreg $0xFFFFFFFF  }
0xa7: {  	s28 =	simm.s32 $_size_execute0_lowered;
	s3 =	sadd.s32 s3, s5;
	[dreg:$0x0] =	wrdreg $0x0  }
0xa8: {  	s5 =	sshll.u32 s28, $0x1;
	[dreg:$0x2] =	wrdreg s3  }
0xa9: {  	[dreg:$0x3] =	wrdreg s5  }
0xaa: {  	[dreg:$0x4] =	wrdreg $0xC0  }
0xab: {  	_ =	task [dreg:s7], $0x5FFFF  }
0xac: {  	[dreg:$0x1] =	wrdreg $0xFFFFFFFF  }
0xad: {  	[dreg:$0x0] =	wrdreg $0x60  }
0xae: {  	[dreg:$0x2] =	wrdreg s24  }
0xaf: {  	[dreg:$0x3] =	wrdreg s2  }
0xb0: {  	[dreg:$0x4] =	wrdreg $0x84000  }
0xb1: {  	[dreg:$0x5] =	wrdreg $0x9  }
0xb2: {  	_ =	task.clear_ibuf [dreg:s7], $0x6FFFF;
	_ =	strace $0x90000049  }
0xb3: {  	s29 =	simm.s32 $0x9;
	_ =	strace $0x8000004B  }
0xb4: {  	_ =	swait.ge [sflag:s29], $0x1  }
0xb5: {  	[sflag:s29] =	ssyncadd.s32 $0xFFFFFFFF  }
0xb6: {  	_ =	strace $0x9000004B  }
0xb7: {  	_ =	sfence  }
0xb8: {  	s30 =	sld [smem:$0x0];
	_ =	sdelay $0x2  }
0xb9: {  	s31 =	sshll.u32 s1, $0xD;
	s1 =	sshrl.u32 s1, $0x2  }
0xba: {  	s3 =	sand.u32 $0x4000, s31;
	s1 =	sadd.s32 s1, s30  }
0xbb: {  	s0 =	sor.u32 s3, s0;
	s1 =	sshll.u32 s1, $0x11  }
0xbc: {  	s0 =	sor.u32 s1, s0  }
0xbd: {  	s0 =	sadd.s32 $0x8F2B, s0  }
0xbe: {  	[sflag:s0] =	ssyncadd.remote.s32 $0x1  }
0xbf: {  	_ =	sfence.sel $0xFFFF  }
0xc0: {  	[dreg:$0x0] =	wrdreg $0xFFFFFFFF;
	(pc) =	sbr.abs _section_cstart, $3  }
0xc1: {  	[dreg:$0x1] =	wrdreg $0xFFFFFFFF  }
0xc2: {  	_ =	task.clear_ibuf [dreg:s7], $0x2FFFF;
	_ =	strace $0x9FFFFFFF  }
0xc3: {  	(tm) =	ssettm $0x7FFFFFFF  }
tec
execute0_lowered:
.L_overlay_start_1:
0x0: {  	(tag) =	ssettag $0x1  }
0x1: {  	s0 =	rddreg [dreg:$0x0]  }
0x2: {  	s1 =	rddreg [dreg:$0x1]  }
0x3: {  	s2 =	rddreg [dreg:$0x2];
	s3 =	simm.s32 $0x0;
	s4 =	srdreg.scid  }
0x4: {  	s10 =	stileid.u32;
	s28 =	simm.s32 $0x1;
	s29 =	simm.s32 $0x0  }
0x5: {  	[smem:$0x7FF] =	sst s3;
	s4 =	sand.u32 $0x1, s4;
	s5 =	sadd.s32 $0x2000, s0  }
0x6: {  	s6 =	sadd.s32 $0x50200, s0;
	s9 =	smul.u32 $0x50000, s10;
	s0 =	sadd.s32 $0x50A00, s0  }
0x7: {  	s22 =	sshll.u32 s10, $0x1;
	s14 =	smul.u32 $0x14000, s10;
	s23 =	sshll.u32 s10, $0x6  }
0x8: {  	_ =	strace $0x8000004A;
	s7 =	ssub.s32 $0x2, s4;
	s13 =	sor.u32 s4, s22  }
0x9: {  	s21 =	smul.u32 $0x140000, s4;
	p0 =	seq.s32 s4, $0x1;
	s4 =	simm.s32 $0x2710  }
0xa: {  	s22 =	simm.s32 $0x3;
	s8 =	sshrl.u32 s7, $0x1;
	s9 =	sshrl.u32 s9, $0x2  }
0xb: {  	s15 =	sadd.s32 $0x4000, s14;
	s18 =	sadd.s32 $0x8000, s14;
	s19 =	sadd.s32 $0xC000, s14  }
0xc: {  	s20 =	sadd.s32 $0x10000, s14;
	s16 =	smul.u32 $0x500, s13;
	s4 =	simm.s32 @!p0 $0x0  }
0xd: {  	s8 =	ssub.s32 s7, s8;
	s7 =	smul.u32 $0x50, s13;
	s9 =	sadd.s32 s9, s2  }
0xe: {  	s24 =	sadd.s32 s15, s2;
	s25 =	sadd.s32 s18, s2;
	s26 =	sadd.s32 s19, s2  }
0xf: {  	s13 =	sadd.s32 s20, s2;
	s17 =	sadd.s32 s14, s21;
	[dreg:$0x4] =	wrdreg s9  }
0x10: {  	s31 =	sadd.s32 s21, s15;
	s18 =	sadd.s32 s21, s18;
	[dreg:$0x5] =	wrdreg s24  }
0x11: {  	s19 =	sadd.s32 s21, s19;
	s20 =	sadd.s32 s21, s20;
	[dreg:$0x6] =	wrdreg s25  }
0x12: {  	s9 =	sor.u32 $0x1C03, s23;
	[dreg:$0x7] =	wrdreg s26;
	s14 =	sadd.s32 s1, s16  }
.Ltmp0:
0x13: {  	s30 =	sshrl.u32 s17, $0x3;
	s17 =	sshrl.u32 s31, $0x3;
	(pc) =	sbr.rel .LBB2_1-.Ltmp0, $4  }
0x14: {  	s18 =	sshrl.u32 s18, $0x3;
	s19 =	sshrl.u32 s19, $0x3;
	s20 =	sshrl.u32 s20, $0x3  }
0x15: {  	s21 =	smax.u32 s8, $0x1;
	s23 =	simm.s32 $0x80;
	s24 =	simm.s32 $0x2  }
0x16: {  	s15 =	sadd.s32 $0x10, s14;
	s16 =	sadd.s32 s0, s30;
	s17 =	sadd.s32 s0, s17  }
0x17: {  	v0 =	vmov s4;
	s18 =	sadd.s32 s0, s18;
	s19 =	sadd.s32 s0, s19;
	s20 =	sadd.s32 s0, s20  }
.LBB2_7:
0x18: {  	[bflag:$0x0] =	sbarrier.arrive $0xFFFF  }
0x19: {  	[hbm:s16], [sflag:s9] =	dma.local [spmem:s30], $0x800  }
0x1a: {  	_ =	swait.ge [sflag:s22], $0x800  }
0x1b: {  	[sflag:s22] =	ssyncset.done $0x0  }
0x1c: {  	[sflag:s22] =	ssyncadd.s32 $0xFFFFF800  }
0x1d: {  	[hbm:s17], [sflag:s9] =	dma.local [spmem:s31], $0x800  }
0x1e: {  	_ =	swait.ge [sflag:s22], $0x800  }
0x1f: {  	[sflag:s22] =	ssyncset.done $0x0  }
0x20: {  	[sflag:s22] =	ssyncadd.s32 $0xFFFFF800  }
0x21: {  	[hbm:s18], [sflag:s9] =	dma.local [spmem:s0], $0x800  }
0x22: {  	_ =	swait.ge [sflag:s22], $0x800  }
0x23: {  	[sflag:s22] =	ssyncset.done $0x0  }
0x24: {  	[sflag:s22] =	ssyncadd.s32 $0xFFFFF800  }
0x25: {  	[hbm:s19], [sflag:s9] =	dma.local [spmem:s4], $0x800  }
0x26: {  	s29 =	sadd.s32 $0x1, s29;
	_ =	swait.ge [sflag:s22], $0x800  }
0x27: {  	p0 =	sne.s32 s29, s21;
	[sflag:s22] =	ssyncset.done $0x0  }
.Ltmp1:
0x28: {  	[sflag:s22] =	ssyncadd.s32 $0xFFFFF800;
	(pc) =	sbr.rel @!p0 .LBB2_8-.Ltmp1, $4  }
0x29: {  	[hbm:s20], [sflag:s9] =	dma.local [spmem:s25], $0x800  }
0x2a: {  	_ =	swait.ge [sflag:s22], $0x800  }
0x2b: {  	[sflag:s22] =	ssyncset.done $0x0  }
0x2c: {  	[sflag:s22] =	ssyncadd.s32 $0xFFFFF800  }
.LBB2_1:
0x2d: {  	s0 =	rddreg [dreg:$0x4]  }
0x2e: {  	s30 =	sshrl.u32 s0, $0x3  }
0x2f: {  	[spmem:s30], [sflag:s9] =	dma.local [hbm:s6], $0x800  }
0x30: {  	_ =	swait.ge [sflag:s22], $0x800  }
0x31: {  	[sflag:s22] =	ssyncset.done $0x0;
	s25 =	rddreg [dreg:$0x5]  }
0x32: {  	[sflag:s22] =	ssyncadd.s32 $0xFFFFF800;
	s31 =	sshrl.u32 s25, $0x3  }
0x33: {  	[spmem:s31], [sflag:s9] =	dma.local [hbm:s6], $0x800  }
0x34: {  	_ =	swait.ge [sflag:s22], $0x800  }
0x35: {  	[sflag:s22] =	ssyncset.done $0x0;
	s26 =	rddreg [dreg:$0x6]  }
0x36: {  	[sflag:s22] =	ssyncadd.s32 $0xFFFFF800;
	s0 =	sshrl.u32 s26, $0x3  }
0x37: {  	[spmem:s0], [sflag:s9] =	dma.local [hbm:s6], $0x800  }
0x38: {  	_ =	swait.ge [sflag:s22], $0x800  }
0x39: {  	[sflag:s22] =	ssyncset.done $0x0;
	s4 =	rddreg [dreg:$0x7]  }
0x3a: {  	[sflag:s22] =	ssyncadd.s32 $0xFFFFF800;
	s4 =	sshrl.u32 s4, $0x3  }
0x3b: {  	[spmem:s4], [sflag:s9] =	dma.local [hbm:s6], $0x800  }
0x3c: {  	_ =	swait.ge [sflag:s22], $0x800  }
0x3d: {  	[sflag:s22] =	ssyncset.done $0x0  }
0x3e: {  	s25 =	sshrl.u32 s13, $0x3;
	[sflag:s22] =	ssyncadd.s32 $0xFFFFF800  }
0x3f: {  	[spmem:s25], [sflag:s9] =	dma.local [hbm:s6], $0x800  }
0x40: {  	_ =	swait.ge [sflag:s22], $0x800  }
0x41: {  	[sflag:s22] =	ssyncset.done $0x0  }
0x42: {  	[sflag:s22] =	ssyncadd.s32 $0xFFFFF800  }
0x43: {  	[bflag:$0x0] =	sbarrier.arrive $0xFFFF  }
0x44: {  	[tilespmem:s3], [sflag:$0x2] =	stream.linear.gather [hbm4b:s14+s3], $0x80, $0x38;
	[tilespmem:$0x1C400] =	vst v63  }
0x45: {  	_ = 	snop  }
0x46: {  	[tilespmem:s23], [sflag:$0x2] =	stream.linear.gather [hbm4b:s15+s3], $0x80, $0x38;
	[tilespmem:$0x1C400] =	vst v63  }
0x47: {  	_ =	swait.ge [sflag:s24], $0x80  }
0x48: {  	[sflag:s24] =	ssyncset.done $0x0  }
0x49: {  	[sflag:s24] =	ssyncadd.s32 $0xFFFFFF80  }
0x4a: {  	v1 =	vld [tilespmem:$0x0]  }
0x4b: {  	v2 =	vld [tilespmem:$0x10];
	_ =	sdelay $0x1  }
0x4c: {  	v3 =	vld [tilespmem:$0x20];
	_ =	sdelay $0x1  }
0x4d: {  	v5 =	vld [tilespmem:$0x30];
	v4 =	vand.u32 $0xFFFF, v1;
	v1 =	vshra.s32 v1, $0x10  }
0x4e: {  	v59 =	vand.u32 $0xFFFF, v2;
	v4 =	vadd.s32 v0, v4;
	[tilespmem:$0x300] =	vst v1  }
0x4f: {  	v60 =	vld [tilespmem:$0x40];
	v1 =	vadd.s32 v0, v59;
	[tilespmem:$0x200] =	vst v4  }
0x50: {  	[tilespmem:$0x210] =	vst v1;
	v1 =	vshra.s32 v2, $0x10;
	v2 =	vand.u32 $0xFFFF, v3  }
0x51: {  	[tilespmem:$0x310] =	vst v1;
	v1 =	vadd.s32 v0, v2;
	v2 =	vld [tilespmem:$0x50]  }
0x52: {  	[tilespmem:$0x220] =	vst v1;
	v1 =	vshra.s32 v3, $0x10;
	v3 =	vand.u32 $0xFFFF, v5  }
0x53: {  	[tilespmem:$0x320] =	vst v1;
	v1 =	vadd.s32 v0, v3;
	v3 =	vld [tilespmem:$0x60]  }
0x54: {  	v61 =	vand.u32 $0xFFFF, v60;
	[tilespmem:$0x230] =	vst v1;
	v1 =	vshra.s32 v5, $0x10  }
0x55: {  	v62 =	vld [tilespmem:$0x70];
	[tilespmem:$0x330] =	vst v1;
	v1 =	vadd.s32 v0, v61  }
0x56: {  	[tilespmem:$0x240] =	vst v1;
	v1 =	vshra.s32 v60, $0x10;
	v63 =	vand.u32 $0xFFFF, v2  }
0x57: {  	[tilespmem:$0x340] =	vst v1;
	v1 =	vadd.s32 v0, v63  }
0x58: {  	[tilespmem:$0x250] =	vst v1;
	v1 =	vshra.s32 v2, $0x10;
	v2 =	vand.u32 $0xFFFF, v3  }
0x59: {  	[tilespmem:$0x350] =	vst v1;
	v1 =	vadd.s32 v0, v2  }
.Ltmp2:
0x5a: {  	v2 =	vand.u32 $0xFFFF, v62;
	[tilespmem:$0x260] =	vst v1;
	v1 =	vshra.s32 v3, $0x10;
	(pc) =	sbr.rel .LBB2_2-.Ltmp2, $4  }
0x5b: {  	[tilespmem:$0x360] =	vst v1;
	v1 =	vadd.s32 v0, v2  }
0x5c: {  	[tilespmem:$0x270] =	vst v1;
	v1 =	vshra.s32 v62, $0x10  }
0x5d: {  	s8 =	simm.s32 $0x200;
	s10 =	simm.s32 $0x400;
	s26 =	simm.s32 $0x0;
	[tilespmem:$0x370] =	vst v1  }
0x5e: {  	[tilespmem:s10], [sflag:$0x1] =	stream.indirect.gather [hbm4b:s5+s23], $0x80, s8, s23, $0xb8;
	[tilespmem:$0x1C400] =	vst v63  }
.LBB2_3:
0x5f: {  	s8 =	sadd.s32 $0x2, s26  }
0x60: {  	s10 =	smul.u32 $0xAB, s8;
	_ =	sdelay $0x1  }
0x61: {  	s10 =	sshrl.u32 s10, $0x9  }
0x62: {  	s10 =	sand.u32 $0x7F, s10  }
0x63: {  	s10 =	smul.u32 $0x3, s10  }
0x64: {  	s11 =	sadd.s32 s7, s8  }
0x65: {  	s12 =	sshll.u32 s11, $0x4;
	s8 =	ssub.s32 s8, s10  }
0x66: {  	s10 =	sand.u32 $0x1FFFFFF0, s12;
	s8 =	sand.u32 $0xFF, s8  }
0x67: {  	s10 =	sadd.s32 s1, s10;
	s8 =	sshll.u32 s8, $0x7  }
0x68: {  	[tilespmem:s8], [sflag:$0x2] =	stream.linear.gather [hbm4b:s10+s3], $0x80, $0x38;
	[tilespmem:$0x1C400] =	vst v63  }
.LBB2_5:
0x69: {  	s8 =	sadd.s32 $0x1, s26  }
0x6a: {  	s10 =	smul.u32 $0xAB, s8;
	_ =	sdelay $0x1  }
0x6b: {  	s10 =	sshrl.u32 s10, $0x9  }
0x6c: {  	s10 =	sand.u32 $0x7F, s10  }
0x6d: {  	s10 =	smul.u32 $0x3, s10;
	_ =	sdelay $0x1  }
0x6e: {  	_ =	swait.ge [sflag:s24], $0x80;
	s10 =	ssub.s32 s8, s10  }
0x6f: {  	[sflag:s24] =	ssyncset.done $0x0;
	s10 =	sand.u32 $0xFF, s10  }
0x70: {  	[sflag:s24] =	ssyncadd.s32 $0xFFFFFF80;
	s10 =	sshll.u32 s10, $0x7  }
0x71: {  	v1 =	vld [tilespmem:s10+$0x0];
	_ =	sdelay $0x3  }
0x72: {  	s11 =	sand.u32 $0x1, s8  }
0x73: {  	s12 =	sshll.u32 s11, $0x7;
	v2 =	vand.u32 $0xFFFF, v1;
	v1 =	vshra.s32 v1, $0x10  }
0x74: {  	v2 =	vadd.s32 v0, v2;
	[tilespmem:s12+$0x300] =	vst v1  }
0x75: {  	[tilespmem:s12+$0x200] =	vst v2  }
0x76: {  	v1 =	vld [tilespmem:s10+$0x10];
	_ =	sdelay $0x4  }
0x77: {  	v2 =	vand.u32 $0xFFFF, v1;
	v1 =	vshra.s32 v1, $0x10  }
0x78: {  	v2 =	vadd.s32 v0, v2;
	[tilespmem:s12+$0x310] =	vst v1  }
0x79: {  	[tilespmem:s12+$0x210] =	vst v2  }
0x7a: {  	v1 =	vld [tilespmem:s10+$0x20];
	_ =	sdelay $0x4  }
0x7b: {  	v2 =	vand.u32 $0xFFFF, v1;
	v1 =	vshra.s32 v1, $0x10  }
0x7c: {  	v2 =	vadd.s32 v0, v2;
	[tilespmem:s12+$0x320] =	vst v1  }
0x7d: {  	[tilespmem:s12+$0x220] =	vst v2  }
0x7e: {  	v1 =	vld [tilespmem:s10+$0x30];
	_ =	sdelay $0x4  }
0x7f: {  	v2 =	vand.u32 $0xFFFF, v1;
	v1 =	vshra.s32 v1, $0x10  }
0x80: {  	v2 =	vadd.s32 v0, v2;
	[tilespmem:s12+$0x330] =	vst v1  }
0x81: {  	[tilespmem:s12+$0x230] =	vst v2  }
0x82: {  	v1 =	vld [tilespmem:s10+$0x40];
	_ =	sdelay $0x4  }
0x83: {  	v2 =	vand.u32 $0xFFFF, v1;
	v1 =	vshra.s32 v1, $0x10  }
0x84: {  	v2 =	vadd.s32 v0, v2;
	[tilespmem:s12+$0x340] =	vst v1  }
0x85: {  	[tilespmem:s12+$0x240] =	vst v2  }
0x86: {  	v1 =	vld [tilespmem:s10+$0x50];
	_ =	sdelay $0x4  }
0x87: {  	v2 =	vand.u32 $0xFFFF, v1;
	v1 =	vshra.s32 v1, $0x10  }
0x88: {  	v2 =	vadd.s32 v0, v2;
	[tilespmem:s12+$0x350] =	vst v1  }
0x89: {  	[tilespmem:s12+$0x250] =	vst v2  }
0x8a: {  	v1 =	vld [tilespmem:s10+$0x60];
	_ =	sdelay $0x4  }
0x8b: {  	v2 =	vand.u32 $0xFFFF, v1;
	v1 =	vshra.s32 v1, $0x10  }
0x8c: {  	v2 =	vadd.s32 v0, v2;
	[tilespmem:s12+$0x360] =	vst v1  }
0x8d: {  	[tilespmem:s12+$0x260] =	vst v2  }
0x8e: {  	v1 =	vld [tilespmem:s10+$0x70];
	_ =	sdelay $0x4  }
0x8f: {  	v2 =	vand.u32 $0xFFFF, v1;
	v1 =	vshra.s32 v1, $0x10  }
0x90: {  	s10 =	sshll.u32 s11, $0xE;
	v2 =	vadd.s32 v0, v2;
	[tilespmem:s12+$0x370] =	vst v1  }
0x91: {  	s11 =	sor.u32 $0x200, s12;
	s10 =	sor.u32 $0x400, s10;
	[tilespmem:s12+$0x270] =	vst v2  }
0x92: {  	[tilespmem:s10], [sflag:$0x1] =	stream.indirect.gather [hbm4b:s5+s23], $0x80, s11, s23, $0xb8;
	[tilespmem:$0x1C400] =	vst v63  }
.LBB2_6:
0x93: {  	s10 =	sand.u32 $0x1, s26  }
0x94: {  	_ =	swait.ge [sflag:s28], $0x4000;
	p0 =	slt.u32 s8, $0x50;
	s11 =	sshll.u32 s10, $0xE  }
0x95: {  	[sflag:s28] =	ssyncset.done $0x0;
	s10 =	sshll.u32 s10, $0x7;
	s11 =	sor.u32 $0x400, s11  }
.Ltmp3:
0x96: {  	[sflag:s28] =	ssyncadd.s32 $0xFFFFC000;
	s10 =	sor.u32 $0x300, s10;
	(pc) =	sbr.rel @!p0 .LBB2_7-.Ltmp3, $4  }
0x97: {  	[spmem:s2] =	stream.indirect.scatter.add.f32 [tilespmem:s11], [sflag:$0x3], $0x80, s10, s23, $0xb8;
	[tilespmem:$0x1C400] =	vst v63  }
0x98: {  	_ =	swait.ge [sflag:s22], $0x4000  }
0x99: {  	[sflag:s22] =	ssyncset.done $0x0  }
0x9a: {  	s26 =	smov.u32 s8;
	[sflag:s22] =	ssyncadd.s32 $0xFFFFC000  }
.LBB2_2:
0x9b: {  	p0 =	sgt.u32 s26, $0x4D  }
.Ltmp4:
0x9c: {  	_ = 	snop;
	(pc) =	sbr.rel @!p0 .LBB2_3-.Ltmp4, $1  }
0x9d: {  	_ =	sdelay $0x3  }
0x9e: {  	p0 =	seq.s32 s26, $0x4F  }
.Ltmp5:
0x9f: {  	_ = 	snop;
	(pc) =	sbr.rel @p0 .LBB2_6-.Ltmp5, $4  }
.Ltmp6:
0xa0: {  	_ = 	snop;
	(pc) =	sbr.rel @!p0 .LBB2_5-.Ltmp6, $4  }
0xa1: {  	_ = 	snop  }
0xa2: {  	_ = 	snop  }
0xa3: {  	s8 =	simm.s32 $0x50  }
0xa4: {  	_ = 	snop  }
.LBB2_8:
0xa5: {  	_ =	sfence.sel $0x180000  }
0xa6: {  	[bflag:$0x0] =	sbarrier.arrive $0xFFFF  }
0xa7: {  	_ =	strace $0x9000004A  }
0xa8: {  	s0 =	stileid.u32;
	[bflag:$0x2] =	sbarrier.arrive $0xFFFF  }
0xa9: {  	p0 =	sne.s32 s0, $0x0;
	s0 =	rddreg [dreg:$0x3]  }
0xaa: {  	s0 =	sadd.s32 @!p0 $0x100000, s0  }
0xab: {  	[sflag:s0] =	ssyncadd.tile.s32 @!p0 $0x1;
	_ =	shalt  }
.Lfunc_end2:
_tile_overlayer_lowered:
.L_overlay_start_2:
0xac: {  	(tag) =	ssettag $0x2  }
0xad: {  	s0 =	rddreg [dreg:$0x0];
	s2 =	stileid.u32  }
0xae: {  	s1 =	rddreg [dreg:$0x1];
	p0 =	sne.s32 s2, $0x0  }
0xaf: {  	s3 =	rddreg [dreg:$0x2];
	[bflag:$0x3] =	sbarrier.arrive $0xFFFF;
	s2 =	simm.s32 @!p0 $0x1C03  }
0xb0: {  	[timem:s3], [sflag:s2] =	dma.local @!p0 [hbm:s0], s1  }
0xb1: {  	s0 =	simm.s32 @!p0 $0x3  }
0xb2: {  	_ =	swait.ge @!p0 [sflag:s0], s1  }
0xb3: {  	s1 =	ssub.s32 @!p0 $0x0, s1;
	[sflag:s0] =	ssyncset.done @!p0 $0x0  }
0xb4: {  	[sflag:s0] =	ssyncadd.s32 @!p0 s1  }
0xb5: {  	[bflag:$0x3] =	sbarrier.arrive $0xFFFF  }
0xb6: {  	_ =	shalt  }

// kernel: kernel.15.cloned.1.call-start
scs
__scs_entry_jumppad:
0x0: {  	(pc) =	sbr.rel $0x88, $3  }
0x1: {  	(tag) =	ssettag $0x0;
	lr =	simm.s32 $0x1  }
0x2: {  	[smem:$0x3F99] =	sst lr;
	_ =	strace $0xD0000000  }
0x3: {  	_ = 	snop  }
0x4: {  	_ = 	snop  }
0x5: {  	_ = 	snop  }
0x6: {  	_ = 	snop  }
0x7: {  	_ = 	snop  }
__scs_overlays_trampoline_lowered:
0x8: {  	[smem:$0x3FA8] =	sst s0  }
0x9: {  	[smem:$0x3FA9] =	sst s1  }
0xa: {  	[smem:$0x3FAA] =	sst s2  }
0xb: {  	[smem:$0x3FAB] =	sst s3  }
0xc: {  	[smem:$0x3FAC] =	sst s4  }
0xd: {  	[smem:$0x3FAD] =	sst s5  }
0xe: {  	[smem:$0x3FAE] =	sst s6  }
0xf: {  	[smem:$0x3FAF] =	sst s7  }
0x10: {  	[smem:$0x3FB0] =	sst s8  }
0x11: {  	[smem:$0x3FB1] =	sst s9;
	s0 =	simm.s32 @!p0 $0x0  }
0x12: {  	s1 =	sld [smem:$0x3F97];
	s0 =	simm.s32 @p0 $0x1  }
0x13: {  	[smem:$0x3FB2] =	sst s0;
	s0 =	simm.s32 @!p1 $0x0  }
0x14: {  	s2 =	sld [smem:$0x3F96];
	s0 =	simm.s32 @p1 $0x1  }
0x15: {  	[smem:$0x3FB3] =	sst s0;
	s0 =	simm.s32 @!p2 $0x0  }
0x16: {  	s3 =	sld [smem:$0x3FDB];
	s0 =	simm.s32 @p2 $0x1  }
0x17: {  	s4 =	simm.s32 $0x1BF5;
	[smem:$0x3FB5] =	sst s0  }
0x18: {  	s0 =	sld [smem:$0x3F98];
	_ =	swait.ge [sflag:s4], $0x0  }
0x19: {  	s7 =	sld [smem:$0x3F99]  }
0x1a: {  	s8 =	sadd.s32 $0xFFFFE003, lr  }
0x1b: {  	s9 =	sadd.s32 $0xFFFFFEF7, lr;
	s5 =	simm.s32 $0xFFFFFFFF;
	p2 =	slt.u32 s8, $0xFFFFF086  }
0x1c: {  	p1 =	slt.u32 s9, $0xF7A;
	s5 =	simm.s32 @!p2 $0x0  }
0x1d: {  	s5 =	simm.s32 @p1 $0x1;
	p0 =	seq.s32 s7, s2  }
0x1e: {  	s7 =	smul.u32 @!p0 $0xF7A, s2;
	p2 =	seq.s32 @!p0 s5, $0x0  }
0x1f: {  	s9 =	smul.u32 $0xF7A, s1;
	s8 =	simm.s32 @!p0 $0x1BF5;
	p2 =	por !p2, p0  }
0x20: {  	[sflag:s8] =	ssyncset.s32 @!p0 $0xFFFFF086;
	s6 =	sadd.s32 @!p0 s3, s7;
	s7 =	simm.s32 @!p0 $0x108  }
0x21: {  	s3 =	sadd.s32 s3, s9;
	s6 =	sadd.s32 @!p0 $0x88, s6;
	s7 =	simm.s32 @p2 $0x1082  }
0x22: {  	[simem:s7], [sflag:s8] =	dma.local @!p0 [hbm:s6], $0xF7A  }
0x23: {  	s9 =	sor.u32 $0xD0000000, s2;
	s6 =	simm.s32 $0x108;
	_ =	swait.ge @!p0 [sflag:s8], $0x0  }
0x24: {  	s3 =	sadd.s32 $0x88, s3;
	s6 =	simm.s32 @!p1 $0x1082;
	[sflag:s4] =	ssyncset.s32 $0xFFFFF086  }
0x25: {  	[simem:s6], [sflag:s4] =	dma.local [hbm:s3], $0xF7A  }
0x26: {  	[smem:$0x3F99] =	sst s1;
	(tag) =	ssettag s2;
	_ =	strace s9  }
0x27: {  	s1 =	sld [smem:$0x3FA9]  }
0x28: {  	s2 =	sld [smem:$0x3FAA]  }
0x29: {  	s4 =	sld [smem:$0x3FAC]  }
0x2a: {  	p0 =	seq.s32 s5, $0x0;
	s5 =	sld [smem:$0x3FAD]  }
0x2b: {  	s6 =	sld [smem:$0x3FAE]  }
0x2c: {  	s7 =	sld [smem:$0x3FAF]  }
0x2d: {  	s3 =	simm.s32 $0x108;
	s8 =	sld [smem:$0x3FB0]  }
0x2e: {  	s3 =	simm.s32 @!p0 $0x1082;
	s9 =	sld [smem:$0x3FB1]  }
0x2f: {  	lr =	sadd.s32 s0, s3;
	s0 =	sld [smem:$0x3FA8]  }
0x30: {  	s3 =	sld [smem:$0x3FAB]  }
0x31: {  	[smem:$0x3FB4] =	sst s10  }
0x32: {  	s10 =	sld [smem:$0x3FB2];
	_ =	sdelay $0x3  }
0x33: {  	p0 =	seq.s32 s10, $0x1;
	s10 =	sld [smem:$0x3FB4];
	_ =	sdelay $0x3  }
0x34: {  	[smem:$0x3FB4] =	sst s10  }
0x35: {  	s10 =	sld [smem:$0x3FB3];
	_ =	sdelay $0x3  }
0x36: {  	p1 =	seq.s32 s10, $0x1;
	s10 =	sld [smem:$0x3FB4];
	_ =	sdelay $0x3  }
0x37: {  	[smem:$0x3FB4] =	sst s10  }
0x38: {  	s10 =	sld [smem:$0x3FB5]  }
0x39: {  	_ = 	snop;
	(pc) =	sbr.ind lr, $3  }
0x3a: {  	_ = 	snop  }
0x3b: {  	_ = 	snop  }
0x3c: {  	p2 =	seq.s32 s10, $0x1;
	s10 =	sld [smem:$0x3FB4]  }
0x3d: {  	_ =	shalt  }
0x3e: {  	_ =	shalt  }
0x3f: {  	_ =	shalt  }
0x40: {  	_ =	shalt  }
0x41: {  	_ =	shalt  }
0x42: {  	_ =	shalt  }
0x43: {  	_ =	shalt  }
0x44: {  	_ =	shalt  }
0x45: {  	_ =	shalt  }
0x46: {  	_ =	shalt  }
0x47: {  	_ =	shalt  }
0x48: {  	_ =	shalt  }
0x49: {  	_ =	shalt  }
0x4a: {  	_ =	shalt  }
0x4b: {  	_ =	shalt  }
0x4c: {  	_ =	shalt  }
0x4d: {  	_ =	shalt  }
0x4e: {  	_ =	shalt  }
0x4f: {  	_ =	shalt  }
0x50: {  	_ =	shalt  }
0x51: {  	_ =	shalt  }
0x52: {  	_ =	shalt  }
0x53: {  	_ =	shalt  }
0x54: {  	_ =	shalt  }
0x55: {  	_ =	shalt  }
0x56: {  	_ =	shalt  }
0x57: {  	_ =	shalt  }
0x58: {  	_ =	shalt  }
0x59: {  	_ =	shalt  }
0x5a: {  	_ =	shalt  }
0x5b: {  	_ =	shalt  }
0x5c: {  	_ =	shalt  }
0x5d: {  	_ =	shalt  }
0x5e: {  	_ =	shalt  }
0x5f: {  	_ =	shalt  }
0x60: {  	_ =	shalt  }
0x61: {  	_ =	shalt  }
0x62: {  	_ =	shalt  }
0x63: {  	_ =	shalt  }
0x64: {  	_ =	shalt  }
0x65: {  	_ =	shalt  }
0x66: {  	_ =	shalt  }
0x67: {  	_ =	shalt  }
0x68: {  	_ =	shalt  }
0x69: {  	_ =	shalt  }
0x6a: {  	_ =	shalt  }
0x6b: {  	_ =	shalt  }
0x6c: {  	_ =	shalt  }
0x6d: {  	_ =	shalt  }
0x6e: {  	_ =	shalt  }
0x6f: {  	_ =	shalt  }
0x70: {  	_ =	shalt  }
0x71: {  	_ =	shalt  }
0x72: {  	_ =	shalt  }
0x73: {  	_ =	shalt  }
0x74: {  	_ =	shalt  }
0x75: {  	_ =	shalt  }
0x76: {  	_ =	shalt  }
0x77: {  	_ =	shalt  }
0x78: {  	_ =	shalt  }
0x79: {  	_ =	shalt  }
0x7a: {  	_ =	shalt  }
0x7b: {  	_ =	shalt  }
0x7c: {  	_ =	shalt  }
0x7d: {  	_ =	shalt  }
0x7e: {  	_ =	shalt  }
0x7f: {  	_ =	shalt  }
0x80: {  	_ =	shalt  }
0x81: {  	_ =	shalt  }
0x82: {  	_ =	shalt  }
0x83: {  	_ =	shalt  }
0x84: {  	_ =	shalt  }
0x85: {  	_ =	shalt  }
0x86: {  	_ =	shalt  }
0x87: {  	_ =	shalt  }
.Lfunc_end0:
.L_simem_size_0:
called_computation.2_lowered:
.L_overlay_start_0:
0x88: {  	s2 =	sld [smem:$0x3FD9]  }
0x89: {  	s3 =	sld [smem:$0x3FFE];
	_ =	sdelay $0x1  }
0x8a: {  	s1 =	srdreg.scid  }
0x8b: {  	s0 =	sand.u32 $0x1, s1  }
0x8c: {  	s17 =	sshll.u32 s0, $0xA;
	s2 =	sadd.s32 s3, s2  }
0x8d: {  	s2 =	sadd.s32 s2, s17  }
0x8e: {  	[smem:$0x3FC0] =	sst s2  }
0x8f: {  	_ = 	snop  }
0x90: {  	s2 =	sld [smem:$0x3FD0];
	(tm) =	ssettm $0x1  }
0x91: {  	s18 =	sld [smem:$0x3FFB];
	_ =	sdelay $0x3  }
0x92: {  	_ =	strace s18  }
0x93: {  	s3 =	sld [smem:$0x3FFC];
	_ =	sdelay $0x3  }
0x94: {  	_ =	strace s3  }
0x95: {  	s3 =	sld [smem:$0x3FFD];
	_ =	sdelay $0x3  }
0x96: {  	_ =	strace s3  }
0x97: {  	_ =	strace $0x8FFFFFFF  }
0x98: {  	s19 =	sld [smem:$0x3FDB];
	_ =	sdelay $0x1  }
0x99: {  	s4 =	simm.s32 $_scs_section_size  }
0x9a: {  	s5 =	simm.s32 $_size__tile_overlayer_lowered;
	s6 =	simm.s32 $_tile_overlayer_lowered  }
0x9b: {  	s22 =	simm.s32 $0x1BFF;
	s21 =	sshll.u32 s6, $0x1;
	s3 =	sadd.s32 s4, s19  }
0x9c: {  	s7 =	simm.s32 $0x0;
	s20 =	sshll.u32 s5, $0x1;
	s5 =	sadd.s32 s21, s3  }
0x9d: {  	[timem:s7], [sflag:s22] =	dma.local [hbm:s5], s20  }
0x9e: {  	_ =	swait.ge [sflag:s22], s20  }
0x9f: {  	s4 =	ssub.s32 $0x0, s20;
	[sflag:s22] =	ssyncset.done $0x0  }
0xa0: {  	[sflag:s22] =	ssyncadd.s32 s4;
	_ =	sdelay $0x1  }
0xa1: {  	s23 =	simm.s32 $0x1B8B  }
0xa2: {  	_ =	swait.ge [sflag:s23], $0x1  }
0xa3: {  	[sflag:s23] =	ssyncset.done $0x0  }
0xa4: {  	s25 =	simm.s32 $0x1B8E;
	s24 =	sld [smem:$0x3FFE];
	[sflag:s23] =	ssyncadd.s32 $0xFFFFFFFF  }
0xa5: {  	s26 =	simm.s32 $execute0_lowered;
	[smem:$0x3FD2] =	sst s25  }
0xa6: {  	s5 =	sshll.u32 s26, $0x1;
	_ =	strace $0x8000004C;
	[dreg:$0x1] =	wrdreg $0xFFFFFFFF  }
0xa7: {  	s28 =	simm.s32 $_size_execute0_lowered;
	s3 =	sadd.s32 s3, s5;
	[dreg:$0x0] =	wrdreg $0x0  }
0xa8: {  	s5 =	sshll.u32 s28, $0x1;
	[dreg:$0x2] =	wrdreg s3  }
0xa9: {  	[dreg:$0x3] =	wrdreg s5  }
0xaa: {  	[dreg:$0x4] =	wrdreg $0xC0  }
0xab: {  	_ =	task [dreg:s7], $0x5FFFF  }
0xac: {  	[dreg:$0x1] =	wrdreg $0xFFFFFFFF  }
0xad: {  	[dreg:$0x0] =	wrdreg $0x60  }
0xae: {  	[dreg:$0x2] =	wrdreg s24  }
0xaf: {  	[dreg:$0x3] =	wrdreg s2  }
0xb0: {  	[dreg:$0x4] =	wrdreg $0x84000  }
0xb1: {  	[dreg:$0x5] =	wrdreg $0x9  }
0xb2: {  	_ =	task.clear_ibuf [dreg:s7], $0x6FFFF;
	_ =	strace $0x9000004C  }
0xb3: {  	s29 =	simm.s32 $0x9;
	_ =	strace $0x8000004E  }
0xb4: {  	_ =	swait.ge [sflag:s29], $0x1  }
0xb5: {  	[sflag:s29] =	ssyncadd.s32 $0xFFFFFFFF  }
0xb6: {  	_ =	strace $0x9000004E  }
0xb7: {  	_ =	sfence  }
0xb8: {  	s30 =	sld [smem:$0x0];
	_ =	sdelay $0x2  }
0xb9: {  	s31 =	sshll.u32 s1, $0xD;
	s1 =	sshrl.u32 s1, $0x2  }
0xba: {  	s3 =	sand.u32 $0x4000, s31;
	s1 =	sadd.s32 s1, s30  }
0xbb: {  	s0 =	sor.u32 s3, s0;
	s1 =	sshll.u32 s1, $0x11  }
0xbc: {  	s0 =	sor.u32 s1, s0  }
0xbd: {  	s0 =	sadd.s32 $0x8F2B, s0  }
0xbe: {  	[sflag:s0] =	ssyncadd.remote.s32 $0x1  }
0xbf: {  	_ =	sfence.sel $0xFFFF  }
0xc0: {  	[dreg:$0x0] =	wrdreg $0xFFFFFFFF;
	(pc) =	sbr.abs _section_cstart, $3  }
0xc1: {  	[dreg:$0x1] =	wrdreg $0xFFFFFFFF  }
0xc2: {  	_ =	task.clear_ibuf [dreg:s7], $0x2FFFF;
	_ =	strace $0x9FFFFFFF  }
0xc3: {  	(tm) =	ssettm $0x7FFFFFFF  }
tec
execute0_lowered:
.L_overlay_start_1:
0x0: {  	(tag) =	ssettag $0x1  }
0x1: {  	s0 =	rddreg [dreg:$0x0]  }
0x2: {  	s1 =	rddreg [dreg:$0x1]  }
0x3: {  	s2 =	rddreg [dreg:$0x2];
	s3 =	simm.s32 $0x0;
	s4 =	srdreg.scid  }
0x4: {  	s10 =	stileid.u32;
	s28 =	simm.s32 $0x1;
	s29 =	simm.s32 $0x0  }
0x5: {  	[smem:$0x7FF] =	sst s3;
	s4 =	sand.u32 $0x1, s4;
	s5 =	sadd.s32 $0x2000, s0  }
0x6: {  	s6 =	sadd.s32 $0x50200, s0;
	s9 =	smul.u32 $0x50000, s10;
	s0 =	sadd.s32 $0x50A00, s0  }
0x7: {  	s22 =	sshll.u32 s10, $0x1;
	s14 =	smul.u32 $0x14000, s10;
	s23 =	sshll.u32 s10, $0x6  }
0x8: {  	_ =	strace $0x8000004D;
	s7 =	ssub.s32 $0x2, s4;
	s13 =	sor.u32 s4, s22  }
0x9: {  	s21 =	smul.u32 $0x140000, s4;
	p0 =	seq.s32 s4, $0x1;
	s4 =	simm.s32 $0x2710  }
0xa: {  	s22 =	simm.s32 $0x3;
	s8 =	sshrl.u32 s7, $0x1;
	s9 =	sshrl.u32 s9, $0x2  }
0xb: {  	s15 =	sadd.s32 $0x4000, s14;
	s18 =	sadd.s32 $0x8000, s14;
	s19 =	sadd.s32 $0xC000, s14  }
0xc: {  	s20 =	sadd.s32 $0x10000, s14;
	s16 =	smul.u32 $0x500, s13;
	s4 =	simm.s32 @!p0 $0x0  }
0xd: {  	s8 =	ssub.s32 s7, s8;
	s7 =	smul.u32 $0x50, s13;
	s9 =	sadd.s32 s9, s2  }
0xe: {  	s24 =	sadd.s32 s15, s2;
	s25 =	sadd.s32 s18, s2;
	s26 =	sadd.s32 s19, s2  }
0xf: {  	s13 =	sadd.s32 s20, s2;
	s17 =	sadd.s32 s14, s21;
	[dreg:$0x4] =	wrdreg s9  }
0x10: {  	s31 =	sadd.s32 s21, s15;
	s18 =	sadd.s32 s21, s18;
	[dreg:$0x5] =	wrdreg s24  }
0x11: {  	s19 =	sadd.s32 s21, s19;
	s20 =	sadd.s32 s21, s20;
	[dreg:$0x6] =	wrdreg s25  }
0x12: {  	s9 =	sor.u32 $0x1C03, s23;
	[dreg:$0x7] =	wrdreg s26;
	s14 =	sadd.s32 s1, s16  }
.Ltmp0:
0x13: {  	s30 =	sshrl.u32 s17, $0x3;
	s17 =	sshrl.u32 s31, $0x3;
	(pc) =	sbr.rel .LBB2_1-.Ltmp0, $4  }
0x14: {  	s18 =	sshrl.u32 s18, $0x3;
	s19 =	sshrl.u32 s19, $0x3;
	s20 =	sshrl.u32 s20, $0x3  }
0x15: {  	s21 =	smax.u32 s8, $0x1;
	s23 =	simm.s32 $0x80;
	s24 =	simm.s32 $0x2  }
0x16: {  	s15 =	sadd.s32 $0x10, s14;
	s16 =	sadd.s32 s0, s30;
	s17 =	sadd.s32 s0, s17  }
0x17: {  	v0 =	vmov s4;
	s18 =	sadd.s32 s0, s18;
	s19 =	sadd.s32 s0, s19;
	s20 =	sadd.s32 s0, s20  }
.LBB2_7:
0x18: {  	[bflag:$0x0] =	sbarrier.arrive $0xFFFF  }
0x19: {  	[hbm:s16], [sflag:s9] =	dma.local [spmem:s30], $0x800  }
0x1a: {  	_ =	swait.ge [sflag:s22], $0x800  }
0x1b: {  	[sflag:s22] =	ssyncset.done $0x0  }
0x1c: {  	[sflag:s22] =	ssyncadd.s32 $0xFFFFF800  }
0x1d: {  	[hbm:s17], [sflag:s9] =	dma.local [spmem:s31], $0x800  }
0x1e: {  	_ =	swait.ge [sflag:s22], $0x800  }
0x1f: {  	[sflag:s22] =	ssyncset.done $0x0  }
0x20: {  	[sflag:s22] =	ssyncadd.s32 $0xFFFFF800  }
0x21: {  	[hbm:s18], [sflag:s9] =	dma.local [spmem:s0], $0x800  }
0x22: {  	_ =	swait.ge [sflag:s22], $0x800  }
0x23: {  	[sflag:s22] =	ssyncset.done $0x0  }
0x24: {  	[sflag:s22] =	ssyncadd.s32 $0xFFFFF800  }
0x25: {  	[hbm:s19], [sflag:s9] =	dma.local [spmem:s4], $0x800  }
0x26: {  	s29 =	sadd.s32 $0x1, s29;
	_ =	swait.ge [sflag:s22], $0x800  }
0x27: {  	p0 =	sne.s32 s29, s21;
	[sflag:s22] =	ssyncset.done $0x0  }
.Ltmp1:
0x28: {  	[sflag:s22] =	ssyncadd.s32 $0xFFFFF800;
	(pc) =	sbr.rel @!p0 .LBB2_8-.Ltmp1, $4  }
0x29: {  	[hbm:s20], [sflag:s9] =	dma.local [spmem:s25], $0x800  }
0x2a: {  	_ =	swait.ge [sflag:s22], $0x800  }
0x2b: {  	[sflag:s22] =	ssyncset.done $0x0  }
0x2c: {  	[sflag:s22] =	ssyncadd.s32 $0xFFFFF800  }
.LBB2_1:
0x2d: {  	s0 =	rddreg [dreg:$0x4]  }
0x2e: {  	s30 =	sshrl.u32 s0, $0x3  }
0x2f: {  	[spmem:s30], [sflag:s9] =	dma.local [hbm:s6], $0x800  }
0x30: {  	_ =	swait.ge [sflag:s22], $0x800  }
0x31: {  	[sflag:s22] =	ssyncset.done $0x0;
	s25 =	rddreg [dreg:$0x5]  }
0x32: {  	[sflag:s22] =	ssyncadd.s32 $0xFFFFF800;
	s31 =	sshrl.u32 s25, $0x3  }
0x33: {  	[spmem:s31], [sflag:s9] =	dma.local [hbm:s6], $0x800  }
0x34: {  	_ =	swait.ge [sflag:s22], $0x800  }
0x35: {  	[sflag:s22] =	ssyncset.done $0x0;
	s26 =	rddreg [dreg:$0x6]  }
0x36: {  	[sflag:s22] =	ssyncadd.s32 $0xFFFFF800;
	s0 =	sshrl.u32 s26, $0x3  }
0x37: {  	[spmem:s0], [sflag:s9] =	dma.local [hbm:s6], $0x800  }
0x38: {  	_ =	swait.ge [sflag:s22], $0x800  }
0x39: {  	[sflag:s22] =	ssyncset.done $0x0;
	s4 =	rddreg [dreg:$0x7]  }
0x3a: {  	[sflag:s22] =	ssyncadd.s32 $0xFFFFF800;
	s4 =	sshrl.u32 s4, $0x3  }
0x3b: {  	[spmem:s4], [sflag:s9] =	dma.local [hbm:s6], $0x800  }
0x3c: {  	_ =	swait.ge [sflag:s22], $0x800  }
0x3d: {  	[sflag:s22] =	ssyncset.done $0x0  }
0x3e: {  	s25 =	sshrl.u32 s13, $0x3;
	[sflag:s22] =	ssyncadd.s32 $0xFFFFF800  }
0x3f: {  	[spmem:s25], [sflag:s9] =	dma.local [hbm:s6], $0x800  }
0x40: {  	_ =	swait.ge [sflag:s22], $0x800  }
0x41: {  	[sflag:s22] =	ssyncset.done $0x0  }
0x42: {  	[sflag:s22] =	ssyncadd.s32 $0xFFFFF800  }
0x43: {  	[bflag:$0x0] =	sbarrier.arrive $0xFFFF  }
0x44: {  	[tilespmem:s3], [sflag:$0x2] =	stream.linear.gather [hbm4b:s14+s3], $0x80, $0x38;
	[tilespmem:$0x1C400] =	vst v63  }
0x45: {  	_ = 	snop  }
0x46: {  	[tilespmem:s23], [sflag:$0x2] =	stream.linear.gather [hbm4b:s15+s3], $0x80, $0x38;
	[tilespmem:$0x1C400] =	vst v63  }
0x47: {  	_ =	swait.ge [sflag:s24], $0x80  }
0x48: {  	[sflag:s24] =	ssyncset.done $0x0  }
0x49: {  	[sflag:s24] =	ssyncadd.s32 $0xFFFFFF80  }
0x4a: {  	v1 =	vld [tilespmem:$0x0]  }
0x4b: {  	v2 =	vld [tilespmem:$0x10];
	_ =	sdelay $0x1  }
0x4c: {  	v3 =	vld [tilespmem:$0x20];
	_ =	sdelay $0x1  }
0x4d: {  	v5 =	vld [tilespmem:$0x30];
	v4 =	vand.u32 $0xFFFF, v1;
	v1 =	vshra.s32 v1, $0x10  }
0x4e: {  	v59 =	vand.u32 $0xFFFF, v2;
	v4 =	vadd.s32 v0, v4;
	[tilespmem:$0x300] =	vst v1  }
0x4f: {  	v60 =	vld [tilespmem:$0x40];
	v1 =	vadd.s32 v0, v59;
	[tilespmem:$0x200] =	vst v4  }
0x50: {  	[tilespmem:$0x210] =	vst v1;
	v1 =	vshra.s32 v2, $0x10;
	v2 =	vand.u32 $0xFFFF, v3  }
0x51: {  	[tilespmem:$0x310] =	vst v1;
	v1 =	vadd.s32 v0, v2;
	v2 =	vld [tilespmem:$0x50]  }
0x52: {  	[tilespmem:$0x220] =	vst v1;
	v1 =	vshra.s32 v3, $0x10;
	v3 =	vand.u32 $0xFFFF, v5  }
0x53: {  	[tilespmem:$0x320] =	vst v1;
	v1 =	vadd.s32 v0, v3;
	v3 =	vld [tilespmem:$0x60]  }
0x54: {  	v61 =	vand.u32 $0xFFFF, v60;
	[tilespmem:$0x230] =	vst v1;
	v1 =	vshra.s32 v5, $0x10  }
0x55: {  	v62 =	vld [tilespmem:$0x70];
	[tilespmem:$0x330] =	vst v1;
	v1 =	vadd.s32 v0, v61  }
0x56: {  	[tilespmem:$0x240] =	vst v1;
	v1 =	vshra.s32 v60, $0x10;
	v63 =	vand.u32 $0xFFFF, v2  }
0x57: {  	[tilespmem:$0x340] =	vst v1;
	v1 =	vadd.s32 v0, v63  }
0x58: {  	[tilespmem:$0x250] =	vst v1;
	v1 =	vshra.s32 v2, $0x10;
	v2 =	vand.u32 $0xFFFF, v3  }
0x59: {  	[tilespmem:$0x350] =	vst v1;
	v1 =	vadd.s32 v0, v2  }
.Ltmp2:
0x5a: {  	v2 =	vand.u32 $0xFFFF, v62;
	[tilespmem:$0x260] =	vst v1;
	v1 =	vshra.s32 v3, $0x10;
	(pc) =	sbr.rel .LBB2_2-.Ltmp2, $4  }
0x5b: {  	[tilespmem:$0x360] =	vst v1;
	v1 =	vadd.s32 v0, v2  }
0x5c: {  	[tilespmem:$0x270] =	vst v1;
	v1 =	vshra.s32 v62, $0x10  }
0x5d: {  	s8 =	simm.s32 $0x200;
	s10 =	simm.s32 $0x400;
	s26 =	simm.s32 $0x0;
	[tilespmem:$0x370] =	vst v1  }
0x5e: {  	[tilespmem:s10], [sflag:$0x1] =	stream.indirect.gather [hbm4b:s5+s23], $0x80, s8, s23, $0xb8;
	[tilespmem:$0x1C400] =	vst v63  }
.LBB2_3:
0x5f: {  	s8 =	sadd.s32 $0x2, s26  }
0x60: {  	s10 =	smul.u32 $0xAB, s8;
	_ =	sdelay $0x1  }
0x61: {  	s10 =	sshrl.u32 s10, $0x9  }
0x62: {  	s10 =	sand.u32 $0x7F, s10  }
0x63: {  	s10 =	smul.u32 $0x3, s10  }
0x64: {  	s11 =	sadd.s32 s7, s8  }
0x65: {  	s12 =	sshll.u32 s11, $0x4;
	s8 =	ssub.s32 s8, s10  }
0x66: {  	s10 =	sand.u32 $0x1FFFFFF0, s12;
	s8 =	sand.u32 $0xFF, s8  }
0x67: {  	s10 =	sadd.s32 s1, s10;
	s8 =	sshll.u32 s8, $0x7  }
0x68: {  	[tilespmem:s8], [sflag:$0x2] =	stream.linear.gather [hbm4b:s10+s3], $0x80, $0x38;
	[tilespmem:$0x1C400] =	vst v63  }
.LBB2_5:
0x69: {  	s8 =	sadd.s32 $0x1, s26  }
0x6a: {  	s10 =	smul.u32 $0xAB, s8;
	_ =	sdelay $0x1  }
0x6b: {  	s10 =	sshrl.u32 s10, $0x9  }
0x6c: {  	s10 =	sand.u32 $0x7F, s10  }
0x6d: {  	s10 =	smul.u32 $0x3, s10;
	_ =	sdelay $0x1  }
0x6e: {  	_ =	swait.ge [sflag:s24], $0x80;
	s10 =	ssub.s32 s8, s10  }
0x6f: {  	[sflag:s24] =	ssyncset.done $0x0;
	s10 =	sand.u32 $0xFF, s10  }
0x70: {  	[sflag:s24] =	ssyncadd.s32 $0xFFFFFF80;
	s10 =	sshll.u32 s10, $0x7  }
0x71: {  	v1 =	vld [tilespmem:s10+$0x0];
	_ =	sdelay $0x3  }
0x72: {  	s11 =	sand.u32 $0x1, s8  }
0x73: {  	s12 =	sshll.u32 s11, $0x7;
	v2 =	vand.u32 $0xFFFF, v1;
	v1 =	vshra.s32 v1, $0x10  }
0x74: {  	v2 =	vadd.s32 v0, v2;
	[tilespmem:s12+$0x300] =	vst v1  }
0x75: {  	[tilespmem:s12+$0x200] =	vst v2  }
0x76: {  	v1 =	vld [tilespmem:s10+$0x10];
	_ =	sdelay $0x4  }
0x77: {  	v2 =	vand.u32 $0xFFFF, v1;
	v1 =	vshra.s32 v1, $0x10  }
0x78: {  	v2 =	vadd.s32 v0, v2;
	[tilespmem:s12+$0x310] =	vst v1  }
0x79: {  	[tilespmem:s12+$0x210] =	vst v2  }
0x7a: {  	v1 =	vld [tilespmem:s10+$0x20];
	_ =	sdelay $0x4  }
0x7b: {  	v2 =	vand.u32 $0xFFFF, v1;
	v1 =	vshra.s32 v1, $0x10  }
0x7c: {  	v2 =	vadd.s32 v0, v2;
	[tilespmem:s12+$0x320] =	vst v1  }
0x7d: {  	[tilespmem:s12+$0x220] =	vst v2  }
0x7e: {  	v1 =	vld [tilespmem:s10+$0x30];
	_ =	sdelay $0x4  }
0x7f: {  	v2 =	vand.u32 $0xFFFF, v1;
	v1 =	vshra.s32 v1, $0x10  }
0x80: {  	v2 =	vadd.s32 v0, v2;
	[tilespmem:s12+$0x330] =	vst v1  }
0x81: {  	[tilespmem:s12+$0x230] =	vst v2  }
0x82: {  	v1 =	vld [tilespmem:s10+$0x40];
	_ =	sdelay $0x4  }
0x83: {  	v2 =	vand.u32 $0xFFFF, v1;
	v1 =	vshra.s32 v1, $0x10  }
0x84: {  	v2 =	vadd.s32 v0, v2;
	[tilespmem:s12+$0x340] =	vst v1  }
0x85: {  	[tilespmem:s12+$0x240] =	vst v2  }
0x86: {  	v1 =	vld [tilespmem:s10+$0x50];
	_ =	sdelay $0x4  }
0x87: {  	v2 =	vand.u32 $0xFFFF, v1;
	v1 =	vshra.s32 v1, $0x10  }
0x88: {  	v2 =	vadd.s32 v0, v2;
	[tilespmem:s12+$0x350] =	vst v1  }
0x89: {  	[tilespmem:s12+$0x250] =	vst v2  }
0x8a: {  	v1 =	vld [tilespmem:s10+$0x60];
	_ =	sdelay $0x4  }
0x8b: {  	v2 =	vand.u32 $0xFFFF, v1;
	v1 =	vshra.s32 v1, $0x10  }
0x8c: {  	v2 =	vadd.s32 v0, v2;
	[tilespmem:s12+$0x360] =	vst v1  }
0x8d: {  	[tilespmem:s12+$0x260] =	vst v2  }
0x8e: {  	v1 =	vld [tilespmem:s10+$0x70];
	_ =	sdelay $0x4  }
0x8f: {  	v2 =	vand.u32 $0xFFFF, v1;
	v1 =	vshra.s32 v1, $0x10  }
0x90: {  	s10 =	sshll.u32 s11, $0xE;
	v2 =	vadd.s32 v0, v2;
	[tilespmem:s12+$0x370] =	vst v1  }
0x91: {  	s11 =	sor.u32 $0x200, s12;
	s10 =	sor.u32 $0x400, s10;
	[tilespmem:s12+$0x270] =	vst v2  }
0x92: {  	[tilespmem:s10], [sflag:$0x1] =	stream.indirect.gather [hbm4b:s5+s23], $0x80, s11, s23, $0xb8;
	[tilespmem:$0x1C400] =	vst v63  }
.LBB2_6:
0x93: {  	s10 =	sand.u32 $0x1, s26  }
0x94: {  	_ =	swait.ge [sflag:s28], $0x4000;
	p0 =	slt.u32 s8, $0x50;
	s11 =	sshll.u32 s10, $0xE  }
0x95: {  	[sflag:s28] =	ssyncset.done $0x0;
	s10 =	sshll.u32 s10, $0x7;
	s11 =	sor.u32 $0x400, s11  }
.Ltmp3:
0x96: {  	[sflag:s28] =	ssyncadd.s32 $0xFFFFC000;
	s10 =	sor.u32 $0x300, s10;
	(pc) =	sbr.rel @!p0 .LBB2_7-.Ltmp3, $4  }
0x97: {  	[spmem:s2] =	stream.indirect.scatter.add.f32 [tilespmem:s11], [sflag:$0x3], $0x80, s10, s23, $0xb8;
	[tilespmem:$0x1C400] =	vst v63  }
0x98: {  	_ =	swait.ge [sflag:s22], $0x4000  }
0x99: {  	[sflag:s22] =	ssyncset.done $0x0  }
0x9a: {  	s26 =	smov.u32 s8;
	[sflag:s22] =	ssyncadd.s32 $0xFFFFC000  }
.LBB2_2:
0x9b: {  	p0 =	sgt.u32 s26, $0x4D  }
.Ltmp4:
0x9c: {  	_ = 	snop;
	(pc) =	sbr.rel @!p0 .LBB2_3-.Ltmp4, $1  }
0x9d: {  	_ =	sdelay $0x3  }
0x9e: {  	p0 =	seq.s32 s26, $0x4F  }
.Ltmp5:
0x9f: {  	_ = 	snop;
	(pc) =	sbr.rel @p0 .LBB2_6-.Ltmp5, $4  }
.Ltmp6:
0xa0: {  	_ = 	snop;
	(pc) =	sbr.rel @!p0 .LBB2_5-.Ltmp6, $4  }
0xa1: {  	_ = 	snop  }
0xa2: {  	_ = 	snop  }
0xa3: {  	s8 =	simm.s32 $0x50  }
0xa4: {  	_ = 	snop  }
.LBB2_8:
0xa5: {  	_ =	sfence.sel $0x180000  }
0xa6: {  	[bflag:$0x0] =	sbarrier.arrive $0xFFFF  }
0xa7: {  	_ =	strace $0x9000004D  }
0xa8: {  	s0 =	stileid.u32;
	[bflag:$0x2] =	sbarrier.arrive $0xFFFF  }
0xa9: {  	p0 =	sne.s32 s0, $0x0;
	s0 =	rddreg [dreg:$0x3]  }
0xaa: {  	s0 =	sadd.s32 @!p0 $0x100000, s0  }
0xab: {  	[sflag:s0] =	ssyncadd.tile.s32 @!p0 $0x1;
	_ =	shalt  }
.Lfunc_end2:
_tile_overlayer_lowered:
.L_overlay_start_2:
0xac: {  	(tag) =	ssettag $0x2  }
0xad: {  	s0 =	rddreg [dreg:$0x0];
	s2 =	stileid.u32  }
0xae: {  	s1 =	rddreg [dreg:$0x1];
	p0 =	sne.s32 s2, $0x0  }
0xaf: {  	s3 =	rddreg [dreg:$0x2];
	[bflag:$0x3] =	sbarrier.arrive $0xFFFF;
	s2 =	simm.s32 @!p0 $0x1C03  }
0xb0: {  	[timem:s3], [sflag:s2] =	dma.local @!p0 [hbm:s0], s1  }
0xb1: {  	s0 =	simm.s32 @!p0 $0x3  }
0xb2: {  	_ =	swait.ge @!p0 [sflag:s0], s1  }
0xb3: {  	s1 =	ssub.s32 @!p0 $0x0, s1;
	[sflag:s0] =	ssyncset.done @!p0 $0x0  }
0xb4: {  	[sflag:s0] =	ssyncadd.s32 @!p0 s1  }
0xb5: {  	[bflag:$0x3] =	sbarrier.arrive $0xFFFF  }
0xb6: {  	_ =	shalt  }

// kernel: kernel.9.cloned.1.call-start
scs
__scs_entry_jumppad:
0x0: {  	(pc) =	sbr.rel $0x88, $3  }
0x1: {  	(tag) =	ssettag $0x0;
	lr =	simm.s32 $0x1  }
0x2: {  	[smem:$0x3F99] =	sst lr;
	_ =	strace $0xD0000000  }
0x3: {  	_ = 	snop  }
0x4: {  	_ = 	snop  }
0x5: {  	_ = 	snop  }
0x6: {  	_ = 	snop  }
0x7: {  	_ = 	snop  }
__scs_overlays_trampoline_lowered:
0x8: {  	[smem:$0x3FA8] =	sst s0  }
0x9: {  	[smem:$0x3FA9] =	sst s1  }
0xa: {  	[smem:$0x3FAA] =	sst s2  }
0xb: {  	[smem:$0x3FAB] =	sst s3  }
0xc: {  	[smem:$0x3FAC] =	sst s4  }
0xd: {  	[smem:$0x3FAD] =	sst s5  }
0xe: {  	[smem:$0x3FAE] =	sst s6  }
0xf: {  	[smem:$0x3FAF] =	sst s7  }
0x10: {  	[smem:$0x3FB0] =	sst s8  }
0x11: {  	[smem:$0x3FB1] =	sst s9;
	s0 =	simm.s32 @!p0 $0x0  }
0x12: {  	s1 =	sld [smem:$0x3F97];
	s0 =	simm.s32 @p0 $0x1  }
0x13: {  	[smem:$0x3FB2] =	sst s0;
	s0 =	simm.s32 @!p1 $0x0  }
0x14: {  	s2 =	sld [smem:$0x3F96];
	s0 =	simm.s32 @p1 $0x1  }
0x15: {  	[smem:$0x3FB3] =	sst s0;
	s0 =	simm.s32 @!p2 $0x0  }
0x16: {  	s3 =	sld [smem:$0x3FDB];
	s0 =	simm.s32 @p2 $0x1  }
0x17: {  	s4 =	simm.s32 $0x1BF5;
	[smem:$0x3FB5] =	sst s0  }
0x18: {  	s0 =	sld [smem:$0x3F98];
	_ =	swait.ge [sflag:s4], $0x0  }
0x19: {  	s7 =	sld [smem:$0x3F99]  }
0x1a: {  	s8 =	sadd.s32 $0xFFFFE003, lr  }
0x1b: {  	s9 =	sadd.s32 $0xFFFFFEF7, lr;
	s5 =	simm.s32 $0xFFFFFFFF;
	p2 =	slt.u32 s8, $0xFFFFF086  }
0x1c: {  	p1 =	slt.u32 s9, $0xF7A;
	s5 =	simm.s32 @!p2 $0x0  }
0x1d: {  	s5 =	simm.s32 @p1 $0x1;
	p0 =	seq.s32 s7, s2  }
0x1e: {  	s7 =	smul.u32 @!p0 $0xF7A, s2;
	p2 =	seq.s32 @!p0 s5, $0x0  }
0x1f: {  	s9 =	smul.u32 $0xF7A, s1;
	s8 =	simm.s32 @!p0 $0x1BF5;
	p2 =	por !p2, p0  }
0x20: {  	[sflag:s8] =	ssyncset.s32 @!p0 $0xFFFFF086;
	s6 =	sadd.s32 @!p0 s3, s7;
	s7 =	simm.s32 @!p0 $0x108  }
0x21: {  	s3 =	sadd.s32 s3, s9;
	s6 =	sadd.s32 @!p0 $0x88, s6;
	s7 =	simm.s32 @p2 $0x1082  }
0x22: {  	[simem:s7], [sflag:s8] =	dma.local @!p0 [hbm:s6], $0xF7A  }
0x23: {  	s9 =	sor.u32 $0xD0000000, s2;
	s6 =	simm.s32 $0x108;
	_ =	swait.ge @!p0 [sflag:s8], $0x0  }
0x24: {  	s3 =	sadd.s32 $0x88, s3;
	s6 =	simm.s32 @!p1 $0x1082;
	[sflag:s4] =	ssyncset.s32 $0xFFFFF086  }
0x25: {  	[simem:s6], [sflag:s4] =	dma.local [hbm:s3], $0xF7A  }
0x26: {  	[smem:$0x3F99] =	sst s1;
	(tag) =	ssettag s2;
	_ =	strace s9  }
0x27: {  	s1 =	sld [smem:$0x3FA9]  }
0x28: {  	s2 =	sld [smem:$0x3FAA]  }
0x29: {  	s4 =	sld [smem:$0x3FAC]  }
0x2a: {  	p0 =	seq.s32 s5, $0x0;
	s5 =	sld [smem:$0x3FAD]  }
0x2b: {  	s6 =	sld [smem:$0x3FAE]  }
0x2c: {  	s7 =	sld [smem:$0x3FAF]  }
0x2d: {  	s3 =	simm.s32 $0x108;
	s8 =	sld [smem:$0x3FB0]  }
0x2e: {  	s3 =	simm.s32 @!p0 $0x1082;
	s9 =	sld [smem:$0x3FB1]  }
0x2f: {  	lr =	sadd.s32 s0, s3;
	s0 =	sld [smem:$0x3FA8]  }
0x30: {  	s3 =	sld [smem:$0x3FAB]  }
0x31: {  	[smem:$0x3FB4] =	sst s10  }
0x32: {  	s10 =	sld [smem:$0x3FB2];
	_ =	sdelay $0x3  }
0x33: {  	p0 =	seq.s32 s10, $0x1;
	s10 =	sld [smem:$0x3FB4];
	_ =	sdelay $0x3  }
0x34: {  	[smem:$0x3FB4] =	sst s10  }
0x35: {  	s10 =	sld [smem:$0x3FB3];
	_ =	sdelay $0x3  }
0x36: {  	p1 =	seq.s32 s10, $0x1;
	s10 =	sld [smem:$0x3FB4];
	_ =	sdelay $0x3  }
0x37: {  	[smem:$0x3FB4] =	sst s10  }
0x38: {  	s10 =	sld [smem:$0x3FB5]  }
0x39: {  	_ = 	snop;
	(pc) =	sbr.ind lr, $3  }
0x3a: {  	_ = 	snop  }
0x3b: {  	_ = 	snop  }
0x3c: {  	p2 =	seq.s32 s10, $0x1;
	s10 =	sld [smem:$0x3FB4]  }
0x3d: {  	_ =	shalt  }
0x3e: {  	_ =	shalt  }
0x3f: {  	_ =	shalt  }
0x40: {  	_ =	shalt  }
0x41: {  	_ =	shalt  }
0x42: {  	_ =	shalt  }
0x43: {  	_ =	shalt  }
0x44: {  	_ =	shalt  }
0x45: {  	_ =	shalt  }
0x46: {  	_ =	shalt  }
0x47: {  	_ =	shalt  }
0x48: {  	_ =	shalt  }
0x49: {  	_ =	shalt  }
0x4a: {  	_ =	shalt  }
0x4b: {  	_ =	shalt  }
0x4c: {  	_ =	shalt  }
0x4d: {  	_ =	shalt  }
0x4e: {  	_ =	shalt  }
0x4f: {  	_ =	shalt  }
0x50: {  	_ =	shalt  }
0x51: {  	_ =	shalt  }
0x52: {  	_ =	shalt  }
0x53: {  	_ =	shalt  }
0x54: {  	_ =	shalt  }
0x55: {  	_ =	shalt  }
0x56: {  	_ =	shalt  }
0x57: {  	_ =	shalt  }
0x58: {  	_ =	shalt  }
0x59: {  	_ =	shalt  }
0x5a: {  	_ =	shalt  }
0x5b: {  	_ =	shalt  }
0x5c: {  	_ =	shalt  }
0x5d: {  	_ =	shalt  }
0x5e: {  	_ =	shalt  }
0x5f: {  	_ =	shalt  }
0x60: {  	_ =	shalt  }
0x61: {  	_ =	shalt  }
0x62: {  	_ =	shalt  }
0x63: {  	_ =	shalt  }
0x64: {  	_ =	shalt  }
0x65: {  	_ =	shalt  }
0x66: {  	_ =	shalt  }
0x67: {  	_ =	shalt  }
0x68: {  	_ =	shalt  }
0x69: {  	_ =	shalt  }
0x6a: {  	_ =	shalt  }
0x6b: {  	_ =	shalt  }
0x6c: {  	_ =	shalt  }
0x6d: {  	_ =	shalt  }
0x6e: {  	_ =	shalt  }
0x6f: {  	_ =	shalt  }
0x70: {  	_ =	shalt  }
0x71: {  	_ =	shalt  }
0x72: {  	_ =	shalt  }
0x73: {  	_ =	shalt  }
0x74: {  	_ =	shalt  }
0x75: {  	_ =	shalt  }
0x76: {  	_ =	shalt  }
0x77: {  	_ =	shalt  }
0x78: {  	_ =	shalt  }
0x79: {  	_ =	shalt  }
0x7a: {  	_ =	shalt  }
0x7b: {  	_ =	shalt  }
0x7c: {  	_ =	shalt  }
0x7d: {  	_ =	shalt  }
0x7e: {  	_ =	shalt  }
0x7f: {  	_ =	shalt  }
0x80: {  	_ =	shalt  }
0x81: {  	_ =	shalt  }
0x82: {  	_ =	shalt  }
0x83: {  	_ =	shalt  }
0x84: {  	_ =	shalt  }
0x85: {  	_ =	shalt  }
0x86: {  	_ =	shalt  }
0x87: {  	_ =	shalt  }
.Lfunc_end0:
.L_simem_size_0:
called_computation_lowered:
.L_overlay_start_0:
0x88: {  	s2 =	sld [smem:$0x3FD9]  }
0x89: {  	s3 =	sld [smem:$0x3FFE];
	_ =	sdelay $0x1  }
0x8a: {  	s1 =	srdreg.scid  }
0x8b: {  	s0 =	sand.u32 $0x1, s1  }
0x8c: {  	s17 =	sshll.u32 s0, $0xA;
	s2 =	sadd.s32 s3, s2  }
0x8d: {  	s2 =	sadd.s32 s2, s17  }
0x8e: {  	[smem:$0x3FC0] =	sst s2  }
0x8f: {  	_ = 	snop  }
0x90: {  	s2 =	sld [smem:$0x3FD0];
	(tm) =	ssettm $0x1  }
0x91: {  	s18 =	sld [smem:$0x3FFB];
	_ =	sdelay $0x3  }
0x92: {  	_ =	strace s18  }
0x93: {  	s3 =	sld [smem:$0x3FFC];
	_ =	sdelay $0x3  }
0x94: {  	_ =	strace s3  }
0x95: {  	s3 =	sld [smem:$0x3FFD];
	_ =	sdelay $0x3  }
0x96: {  	_ =	strace s3  }
0x97: {  	_ =	strace $0x8FFFFFFF  }
0x98: {  	s19 =	sld [smem:$0x3FDB];
	_ =	sdelay $0x1  }
0x99: {  	s4 =	simm.s32 $_scs_section_size  }
0x9a: {  	s5 =	simm.s32 $_size__tile_overlayer_lowered;
	s6 =	simm.s32 $_tile_overlayer_lowered  }
0x9b: {  	s22 =	simm.s32 $0x1BFF;
	s21 =	sshll.u32 s6, $0x1;
	s3 =	sadd.s32 s4, s19  }
0x9c: {  	s7 =	simm.s32 $0x0;
	s20 =	sshll.u32 s5, $0x1;
	s5 =	sadd.s32 s21, s3  }
0x9d: {  	[timem:s7], [sflag:s22] =	dma.local [hbm:s5], s20  }
0x9e: {  	_ =	swait.ge [sflag:s22], s20  }
0x9f: {  	s4 =	ssub.s32 $0x0, s20;
	[sflag:s22] =	ssyncset.done $0x0  }
0xa0: {  	[sflag:s22] =	ssyncadd.s32 s4;
	_ =	sdelay $0x1  }
0xa1: {  	s23 =	simm.s32 $0x1B8B  }
0xa2: {  	_ =	swait.ge [sflag:s23], $0x1  }
0xa3: {  	[sflag:s23] =	ssyncset.done $0x0  }
0xa4: {  	s25 =	simm.s32 $0x1B8E;
	s24 =	sld [smem:$0x3FFE];
	[sflag:s23] =	ssyncadd.s32 $0xFFFFFFFF  }
0xa5: {  	s26 =	simm.s32 $execute0_lowered;
	[smem:$0x3FD2] =	sst s25  }
0xa6: {  	s5 =	sshll.u32 s26, $0x1;
	_ =	strace $0x80000046;
	[dreg:$0x1] =	wrdreg $0xFFFFFFFF  }
0xa7: {  	s28 =	simm.s32 $_size_execute0_lowered;
	s3 =	sadd.s32 s3, s5;
	[dreg:$0x0] =	wrdreg $0x0  }
0xa8: {  	s5 =	sshll.u32 s28, $0x1;
	[dreg:$0x2] =	wrdreg s3  }
0xa9: {  	[dreg:$0x3] =	wrdreg s5  }
0xaa: {  	[dreg:$0x4] =	wrdreg $0xC0  }
0xab: {  	_ =	task [dreg:s7], $0x5FFFF  }
0xac: {  	[dreg:$0x1] =	wrdreg $0xFFFFFFFF  }
0xad: {  	[dreg:$0x0] =	wrdreg $0x60  }
0xae: {  	[dreg:$0x2] =	wrdreg s24  }
0xaf: {  	[dreg:$0x3] =	wrdreg s2  }
0xb0: {  	[dreg:$0x4] =	wrdreg $0x84000  }
0xb1: {  	[dreg:$0x5] =	wrdreg $0x9  }
0xb2: {  	_ =	task.clear_ibuf [dreg:s7], $0x6FFFF;
	_ =	strace $0x90000046  }
0xb3: {  	s29 =	simm.s32 $0x9;
	_ =	strace $0x80000048  }
0xb4: {  	_ =	swait.ge [sflag:s29], $0x1  }
0xb5: {  	[sflag:s29] =	ssyncadd.s32 $0xFFFFFFFF  }
0xb6: {  	_ =	strace $0x90000048  }
0xb7: {  	_ =	sfence  }
0xb8: {  	s30 =	sld [smem:$0x0];
	_ =	sdelay $0x2  }
0xb9: {  	s31 =	sshll.u32 s1, $0xD;
	s1 =	sshrl.u32 s1, $0x2  }
0xba: {  	s3 =	sand.u32 $0x4000, s31;
	s1 =	sadd.s32 s1, s30  }
0xbb: {  	s0 =	sor.u32 s3, s0;
	s1 =	sshll.u32 s1, $0x11  }
0xbc: {  	s0 =	sor.u32 s1, s0  }
0xbd: {  	s0 =	sadd.s32 $0x8F2B, s0  }
0xbe: {  	[sflag:s0] =	ssyncadd.remote.s32 $0x1  }
0xbf: {  	_ =	sfence.sel $0xFFFF  }
0xc0: {  	[dreg:$0x0] =	wrdreg $0xFFFFFFFF;
	(pc) =	sbr.abs _section_cstart, $3  }
0xc1: {  	[dreg:$0x1] =	wrdreg $0xFFFFFFFF  }
0xc2: {  	_ =	task.clear_ibuf [dreg:s7], $0x2FFFF;
	_ =	strace $0x9FFFFFFF  }
0xc3: {  	(tm) =	ssettm $0x7FFFFFFF  }
tec
execute0_lowered:
.L_overlay_start_1:
0x0: {  	(tag) =	ssettag $0x1  }
0x1: {  	s0 =	rddreg [dreg:$0x0]  }
0x2: {  	s1 =	rddreg [dreg:$0x1]  }
0x3: {  	s2 =	rddreg [dreg:$0x2];
	s3 =	simm.s32 $0x0;
	s4 =	srdreg.scid  }
0x4: {  	s10 =	stileid.u32;
	s28 =	simm.s32 $0x1;
	s29 =	simm.s32 $0x0  }
0x5: {  	[smem:$0x7FF] =	sst s3;
	s4 =	sand.u32 $0x1, s4;
	s5 =	sadd.s32 $0x2000, s0  }
0x6: {  	s6 =	sadd.s32 $0x50200, s0;
	s9 =	smul.u32 $0x50000, s10;
	s0 =	sadd.s32 $0x50A00, s0  }
0x7: {  	s22 =	sshll.u32 s10, $0x1;
	s14 =	smul.u32 $0x14000, s10;
	s23 =	sshll.u32 s10, $0x6  }
0x8: {  	_ =	strace $0x80000047;
	s7 =	ssub.s32 $0x2, s4;
	s13 =	sor.u32 s4, s22  }
0x9: {  	s21 =	smul.u32 $0x140000, s4;
	p0 =	seq.s32 s4, $0x1;
	s4 =	simm.s32 $0x2710  }
0xa: {  	s22 =	simm.s32 $0x3;
	s8 =	sshrl.u32 s7, $0x1;
	s9 =	sshrl.u32 s9, $0x2  }
0xb: {  	s15 =	sadd.s32 $0x4000, s14;
	s18 =	sadd.s32 $0x8000, s14;
	s19 =	sadd.s32 $0xC000, s14  }
0xc: {  	s20 =	sadd.s32 $0x10000, s14;
	s16 =	smul.u32 $0x500, s13;
	s4 =	simm.s32 @!p0 $0x0  }
0xd: {  	s8 =	ssub.s32 s7, s8;
	s7 =	smul.u32 $0x50, s13;
	s9 =	sadd.s32 s9, s2  }
0xe: {  	s24 =	sadd.s32 s15, s2;
	s25 =	sadd.s32 s18, s2;
	s26 =	sadd.s32 s19, s2  }
0xf: {  	s13 =	sadd.s32 s20, s2;
	s17 =	sadd.s32 s14, s21;
	[dreg:$0x4] =	wrdreg s9  }
0x10: {  	s31 =	sadd.s32 s21, s15;
	s18 =	sadd.s32 s21, s18;
	[dreg:$0x5] =	wrdreg s24  }
0x11: {  	s19 =	sadd.s32 s21, s19;
	s20 =	sadd.s32 s21, s20;
	[dreg:$0x6] =	wrdreg s25  }
0x12: {  	s9 =	sor.u32 $0x1C03, s23;
	[dreg:$0x7] =	wrdreg s26;
	s14 =	sadd.s32 s1, s16  }
.Ltmp0:
0x13: {  	s30 =	sshrl.u32 s17, $0x3;
	s17 =	sshrl.u32 s31, $0x3;
	(pc) =	sbr.rel .LBB2_1-.Ltmp0, $4  }
0x14: {  	s18 =	sshrl.u32 s18, $0x3;
	s19 =	sshrl.u32 s19, $0x3;
	s20 =	sshrl.u32 s20, $0x3  }
0x15: {  	s21 =	smax.u32 s8, $0x1;
	s23 =	simm.s32 $0x80;
	s24 =	simm.s32 $0x2  }
0x16: {  	s15 =	sadd.s32 $0x10, s14;
	s16 =	sadd.s32 s0, s30;
	s17 =	sadd.s32 s0, s17  }
0x17: {  	v0 =	vmov s4;
	s18 =	sadd.s32 s0, s18;
	s19 =	sadd.s32 s0, s19;
	s20 =	sadd.s32 s0, s20  }
.LBB2_7:
0x18: {  	[bflag:$0x0] =	sbarrier.arrive $0xFFFF  }
0x19: {  	[hbm:s16], [sflag:s9] =	dma.local [spmem:s30], $0x800  }
0x1a: {  	_ =	swait.ge [sflag:s22], $0x800  }
0x1b: {  	[sflag:s22] =	ssyncset.done $0x0  }
0x1c: {  	[sflag:s22] =	ssyncadd.s32 $0xFFFFF800  }
0x1d: {  	[hbm:s17], [sflag:s9] =	dma.local [spmem:s31], $0x800  }
0x1e: {  	_ =	swait.ge [sflag:s22], $0x800  }
0x1f: {  	[sflag:s22] =	ssyncset.done $0x0  }
0x20: {  	[sflag:s22] =	ssyncadd.s32 $0xFFFFF800  }
0x21: {  	[hbm:s18], [sflag:s9] =	dma.local [spmem:s0], $0x800  }
0x22: {  	_ =	swait.ge [sflag:s22], $0x800  }
0x23: {  	[sflag:s22] =	ssyncset.done $0x0  }
0x24: {  	[sflag:s22] =	ssyncadd.s32 $0xFFFFF800  }
0x25: {  	[hbm:s19], [sflag:s9] =	dma.local [spmem:s4], $0x800  }
0x26: {  	s29 =	sadd.s32 $0x1, s29;
	_ =	swait.ge [sflag:s22], $0x800  }
0x27: {  	p0 =	sne.s32 s29, s21;
	[sflag:s22] =	ssyncset.done $0x0  }
.Ltmp1:
0x28: {  	[sflag:s22] =	ssyncadd.s32 $0xFFFFF800;
	(pc) =	sbr.rel @!p0 .LBB2_8-.Ltmp1, $4  }
0x29: {  	[hbm:s20], [sflag:s9] =	dma.local [spmem:s25], $0x800  }
0x2a: {  	_ =	swait.ge [sflag:s22], $0x800  }
0x2b: {  	[sflag:s22] =	ssyncset.done $0x0  }
0x2c: {  	[sflag:s22] =	ssyncadd.s32 $0xFFFFF800  }
.LBB2_1:
0x2d: {  	s0 =	rddreg [dreg:$0x4]  }
0x2e: {  	s30 =	sshrl.u32 s0, $0x3  }
0x2f: {  	[spmem:s30], [sflag:s9] =	dma.local [hbm:s6], $0x800  }
0x30: {  	_ =	swait.ge [sflag:s22], $0x800  }
0x31: {  	[sflag:s22] =	ssyncset.done $0x0;
	s25 =	rddreg [dreg:$0x5]  }
0x32: {  	[sflag:s22] =	ssyncadd.s32 $0xFFFFF800;
	s31 =	sshrl.u32 s25, $0x3  }
0x33: {  	[spmem:s31], [sflag:s9] =	dma.local [hbm:s6], $0x800  }
0x34: {  	_ =	swait.ge [sflag:s22], $0x800  }
0x35: {  	[sflag:s22] =	ssyncset.done $0x0;
	s26 =	rddreg [dreg:$0x6]  }
0x36: {  	[sflag:s22] =	ssyncadd.s32 $0xFFFFF800;
	s0 =	sshrl.u32 s26, $0x3  }
0x37: {  	[spmem:s0], [sflag:s9] =	dma.local [hbm:s6], $0x800  }
0x38: {  	_ =	swait.ge [sflag:s22], $0x800  }
0x39: {  	[sflag:s22] =	ssyncset.done $0x0;
	s4 =	rddreg [dreg:$0x7]  }
0x3a: {  	[sflag:s22] =	ssyncadd.s32 $0xFFFFF800;
	s4 =	sshrl.u32 s4, $0x3  }
0x3b: {  	[spmem:s4], [sflag:s9] =	dma.local [hbm:s6], $0x800  }
0x3c: {  	_ =	swait.ge [sflag:s22], $0x800  }
0x3d: {  	[sflag:s22] =	ssyncset.done $0x0  }
0x3e: {  	s25 =	sshrl.u32 s13, $0x3;
	[sflag:s22] =	ssyncadd.s32 $0xFFFFF800  }
0x3f: {  	[spmem:s25], [sflag:s9] =	dma.local [hbm:s6], $0x800  }
0x40: {  	_ =	swait.ge [sflag:s22], $0x800  }
0x41: {  	[sflag:s22] =	ssyncset.done $0x0  }
0x42: {  	[sflag:s22] =	ssyncadd.s32 $0xFFFFF800  }
0x43: {  	[bflag:$0x0] =	sbarrier.arrive $0xFFFF  }
0x44: {  	[tilespmem:s3], [sflag:$0x2] =	stream.linear.gather [hbm4b:s14+s3], $0x80, $0x38;
	[tilespmem:$0x1C400] =	vst v63  }
0x45: {  	_ = 	snop  }
0x46: {  	[tilespmem:s23], [sflag:$0x2] =	stream.linear.gather [hbm4b:s15+s3], $0x80, $0x38;
	[tilespmem:$0x1C400] =	vst v63  }
0x47: {  	_ =	swait.ge [sflag:s24], $0x80  }
0x48: {  	[sflag:s24] =	ssyncset.done $0x0  }
0x49: {  	[sflag:s24] =	ssyncadd.s32 $0xFFFFFF80  }
0x4a: {  	v1 =	vld [tilespmem:$0x0]  }
0x4b: {  	v2 =	vld [tilespmem:$0x10];
	_ =	sdelay $0x1  }
0x4c: {  	v3 =	vld [tilespmem:$0x20];
	_ =	sdelay $0x1  }
0x4d: {  	v5 =	vld [tilespmem:$0x30];
	v4 =	vand.u32 $0xFFFF, v1;
	v1 =	vshra.s32 v1, $0x10  }
0x4e: {  	v59 =	vand.u32 $0xFFFF, v2;
	v4 =	vadd.s32 v0, v4;
	[tilespmem:$0x300] =	vst v1  }
0x4f: {  	v60 =	vld [tilespmem:$0x40];
	v1 =	vadd.s32 v0, v59;
	[tilespmem:$0x200] =	vst v4  }
0x50: {  	[tilespmem:$0x210] =	vst v1;
	v1 =	vshra.s32 v2, $0x10;
	v2 =	vand.u32 $0xFFFF, v3  }
0x51: {  	[tilespmem:$0x310] =	vst v1;
	v1 =	vadd.s32 v0, v2;
	v2 =	vld [tilespmem:$0x50]  }
0x52: {  	[tilespmem:$0x220] =	vst v1;
	v1 =	vshra.s32 v3, $0x10;
	v3 =	vand.u32 $0xFFFF, v5  }
0x53: {  	[tilespmem:$0x320] =	vst v1;
	v1 =	vadd.s32 v0, v3;
	v3 =	vld [tilespmem:$0x60]  }
0x54: {  	v61 =	vand.u32 $0xFFFF, v60;
	[tilespmem:$0x230] =	vst v1;
	v1 =	vshra.s32 v5, $0x10  }
0x55: {  	v62 =	vld [tilespmem:$0x70];
	[tilespmem:$0x330] =	vst v1;
	v1 =	vadd.s32 v0, v61  }
0x56: {  	[tilespmem:$0x240] =	vst v1;
	v1 =	vshra.s32 v60, $0x10;
	v63 =	vand.u32 $0xFFFF, v2  }
0x57: {  	[tilespmem:$0x340] =	vst v1;
	v1 =	vadd.s32 v0, v63  }
0x58: {  	[tilespmem:$0x250] =	vst v1;
	v1 =	vshra.s32 v2, $0x10;
	v2 =	vand.u32 $0xFFFF, v3  }
0x59: {  	[tilespmem:$0x350] =	vst v1;
	v1 =	vadd.s32 v0, v2  }
.Ltmp2:
0x5a: {  	v2 =	vand.u32 $0xFFFF, v62;
	[tilespmem:$0x260] =	vst v1;
	v1 =	vshra.s32 v3, $0x10;
	(pc) =	sbr.rel .LBB2_2-.Ltmp2, $4  }
0x5b: {  	[tilespmem:$0x360] =	vst v1;
	v1 =	vadd.s32 v0, v2  }
0x5c: {  	[tilespmem:$0x270] =	vst v1;
	v1 =	vshra.s32 v62, $0x10  }
0x5d: {  	s8 =	simm.s32 $0x200;
	s10 =	simm.s32 $0x400;
	s26 =	simm.s32 $0x0;
	[tilespmem:$0x370] =	vst v1  }
0x5e: {  	[tilespmem:s10], [sflag:$0x1] =	stream.indirect.gather [hbm4b:s5+s23], $0x80, s8, s23, $0xb8;
	[tilespmem:$0x1C400] =	vst v63  }
.LBB2_3:
0x5f: {  	s8 =	sadd.s32 $0x2, s26  }
0x60: {  	s10 =	smul.u32 $0xAB, s8;
	_ =	sdelay $0x1  }
0x61: {  	s10 =	sshrl.u32 s10, $0x9  }
0x62: {  	s10 =	sand.u32 $0x7F, s10  }
0x63: {  	s10 =	smul.u32 $0x3, s10  }
0x64: {  	s11 =	sadd.s32 s7, s8  }
0x65: {  	s12 =	sshll.u32 s11, $0x4;
	s8 =	ssub.s32 s8, s10  }
0x66: {  	s10 =	sand.u32 $0x1FFFFFF0, s12;
	s8 =	sand.u32 $0xFF, s8  }
0x67: {  	s10 =	sadd.s32 s1, s10;
	s8 =	sshll.u32 s8, $0x7  }
0x68: {  	[tilespmem:s8], [sflag:$0x2] =	stream.linear.gather [hbm4b:s10+s3], $0x80, $0x38;
	[tilespmem:$0x1C400] =	vst v63  }
.LBB2_5:
0x69: {  	s8 =	sadd.s32 $0x1, s26  }
0x6a: {  	s10 =	smul.u32 $0xAB, s8;
	_ =	sdelay $0x1  }
0x6b: {  	s10 =	sshrl.u32 s10, $0x9  }
0x6c: {  	s10 =	sand.u32 $0x7F, s10  }
0x6d: {  	s10 =	smul.u32 $0x3, s10;
	_ =	sdelay $0x1  }
0x6e: {  	_ =	swait.ge [sflag:s24], $0x80;
	s10 =	ssub.s32 s8, s10  }
0x6f: {  	[sflag:s24] =	ssyncset.done $0x0;
	s10 =	sand.u32 $0xFF, s10  }
0x70: {  	[sflag:s24] =	ssyncadd.s32 $0xFFFFFF80;
	s10 =	sshll.u32 s10, $0x7  }
0x71: {  	v1 =	vld [tilespmem:s10+$0x0];
	_ =	sdelay $0x3  }
0x72: {  	s11 =	sand.u32 $0x1, s8  }
0x73: {  	s12 =	sshll.u32 s11, $0x7;
	v2 =	vand.u32 $0xFFFF, v1;
	v1 =	vshra.s32 v1, $0x10  }
0x74: {  	v2 =	vadd.s32 v0, v2;
	[tilespmem:s12+$0x300] =	vst v1  }
0x75: {  	[tilespmem:s12+$0x200] =	vst v2  }
0x76: {  	v1 =	vld [tilespmem:s10+$0x10];
	_ =	sdelay $0x4  }
0x77: {  	v2 =	vand.u32 $0xFFFF, v1;
	v1 =	vshra.s32 v1, $0x10  }
0x78: {  	v2 =	vadd.s32 v0, v2;
	[tilespmem:s12+$0x310] =	vst v1  }
0x79: {  	[tilespmem:s12+$0x210] =	vst v2  }
0x7a: {  	v1 =	vld [tilespmem:s10+$0x20];
	_ =	sdelay $0x4  }
0x7b: {  	v2 =	vand.u32 $0xFFFF, v1;
	v1 =	vshra.s32 v1, $0x10  }
0x7c: {  	v2 =	vadd.s32 v0, v2;
	[tilespmem:s12+$0x320] =	vst v1  }
0x7d: {  	[tilespmem:s12+$0x220] =	vst v2  }
0x7e: {  	v1 =	vld [tilespmem:s10+$0x30];
	_ =	sdelay $0x4  }
0x7f: {  	v2 =	vand.u32 $0xFFFF, v1;
	v1 =	vshra.s32 v1, $0x10  }
0x80: {  	v2 =	vadd.s32 v0, v2;
	[tilespmem:s12+$0x330] =	vst v1  }
0x81: {  	[tilespmem:s12+$0x230] =	vst v2  }
0x82: {  	v1 =	vld [tilespmem:s10+$0x40];
	_ =	sdelay $0x4  }
0x83: {  	v2 =	vand.u32 $0xFFFF, v1;
	v1 =	vshra.s32 v1, $0x10  }
0x84: {  	v2 =	vadd.s32 v0, v2;
	[tilespmem:s12+$0x340] =	vst v1  }
0x85: {  	[tilespmem:s12+$0x240] =	vst v2  }
0x86: {  	v1 =	vld [tilespmem:s10+$0x50];
	_ =	sdelay $0x4  }
0x87: {  	v2 =	vand.u32 $0xFFFF, v1;
	v1 =	vshra.s32 v1, $0x10  }
0x88: {  	v2 =	vadd.s32 v0, v2;
	[tilespmem:s12+$0x350] =	vst v1  }
0x89: {  	[tilespmem:s12+$0x250] =	vst v2  }
0x8a: {  	v1 =	vld [tilespmem:s10+$0x60];
	_ =	sdelay $0x4  }
0x8b: {  	v2 =	vand.u32 $0xFFFF, v1;
	v1 =	vshra.s32 v1, $0x10  }
0x8c: {  	v2 =	vadd.s32 v0, v2;
	[tilespmem:s12+$0x360] =	vst v1  }
0x8d: {  	[tilespmem:s12+$0x260] =	vst v2  }
0x8e: {  	v1 =	vld [tilespmem:s10+$0x70];
	_ =	sdelay $0x4  }
0x8f: {  	v2 =	vand.u32 $0xFFFF, v1;
	v1 =	vshra.s32 v1, $0x10  }
0x90: {  	s10 =	sshll.u32 s11, $0xE;
	v2 =	vadd.s32 v0, v2;
	[tilespmem:s12+$0x370] =	vst v1  }
0x91: {  	s11 =	sor.u32 $0x200, s12;
	s10 =	sor.u32 $0x400, s10;
	[tilespmem:s12+$0x270] =	vst v2  }
0x92: {  	[tilespmem:s10], [sflag:$0x1] =	stream.indirect.gather [hbm4b:s5+s23], $0x80, s11, s23, $0xb8;
	[tilespmem:$0x1C400] =	vst v63  }
.LBB2_6:
0x93: {  	s10 =	sand.u32 $0x1, s26  }
0x94: {  	_ =	swait.ge [sflag:s28], $0x4000;
	p0 =	slt.u32 s8, $0x50;
	s11 =	sshll.u32 s10, $0xE  }
0x95: {  	[sflag:s28] =	ssyncset.done $0x0;
	s10 =	sshll.u32 s10, $0x7;
	s11 =	sor.u32 $0x400, s11  }
.Ltmp3:
0x96: {  	[sflag:s28] =	ssyncadd.s32 $0xFFFFC000;
	s10 =	sor.u32 $0x300, s10;
	(pc) =	sbr.rel @!p0 .LBB2_7-.Ltmp3, $4  }
0x97: {  	[spmem:s2] =	stream.indirect.scatter.add.f32 [tilespmem:s11], [sflag:$0x3], $0x80, s10, s23, $0xb8;
	[tilespmem:$0x1C400] =	vst v63  }
0x98: {  	_ =	swait.ge [sflag:s22], $0x4000  }
0x99: {  	[sflag:s22] =	ssyncset.done $0x0  }
0x9a: {  	s26 =	smov.u32 s8;
	[sflag:s22] =	ssyncadd.s32 $0xFFFFC000  }
.LBB2_2:
0x9b: {  	p0 =	sgt.u32 s26, $0x4D  }
.Ltmp4:
0x9c: {  	_ = 	snop;
	(pc) =	sbr.rel @!p0 .LBB2_3-.Ltmp4, $1  }
0x9d: {  	_ =	sdelay $0x3  }
0x9e: {  	p0 =	seq.s32 s26, $0x4F  }
.Ltmp5:
0x9f: {  	_ = 	snop;
	(pc) =	sbr.rel @p0 .LBB2_6-.Ltmp5, $4  }
.Ltmp6:
0xa0: {  	_ = 	snop;
	(pc) =	sbr.rel @!p0 .LBB2_5-.Ltmp6, $4  }
0xa1: {  	_ = 	snop  }
0xa2: {  	_ = 	snop  }
0xa3: {  	s8 =	simm.s32 $0x50  }
0xa4: {  	_ = 	snop  }
.LBB2_8:
0xa5: {  	_ =	sfence.sel $0x180000  }
0xa6: {  	[bflag:$0x0] =	sbarrier.arrive $0xFFFF  }
0xa7: {  	_ =	strace $0x90000047  }
0xa8: {  	s0 =	stileid.u32;
	[bflag:$0x2] =	sbarrier.arrive $0xFFFF  }
0xa9: {  	p0 =	sne.s32 s0, $0x0;
	s0 =	rddreg [dreg:$0x3]  }
0xaa: {  	s0 =	sadd.s32 @!p0 $0x100000, s0  }
0xab: {  	[sflag:s0] =	ssyncadd.tile.s32 @!p0 $0x1;
	_ =	shalt  }
.Lfunc_end2:
_tile_overlayer_lowered:
.L_overlay_start_2:
0xac: {  	(tag) =	ssettag $0x2  }
0xad: {  	s0 =	rddreg [dreg:$0x0];
	s2 =	stileid.u32  }
0xae: {  	s1 =	rddreg [dreg:$0x1];
	p0 =	sne.s32 s2, $0x0  }
0xaf: {  	s3 =	rddreg [dreg:$0x2];
	[bflag:$0x3] =	sbarrier.arrive $0xFFFF;
	s2 =	simm.s32 @!p0 $0x1C03  }
0xb0: {  	[timem:s3], [sflag:s2] =	dma.local @!p0 [hbm:s0], s1  }
0xb1: {  	s0 =	simm.s32 @!p0 $0x3  }
0xb2: {  	_ =	swait.ge @!p0 [sflag:s0], s1  }
0xb3: {  	s1 =	ssub.s32 @!p0 $0x0, s1;
	[sflag:s0] =	ssyncset.done @!p0 $0x0  }
0xb4: {  	[sflag:s0] =	ssyncadd.s32 @!p0 s1  }
0xb5: {  	[bflag:$0x3] =	sbarrier.arrive $0xFFFF  }
0xb6: {  	_ =	shalt  }

</sc_bundles>
